<compile_context>
chip_gen: v7x
topology: tpu7x:2x2x1
jax: 0.10.2.dev20260603
libtpu: 0.0.44.dev20260713+nightly
codegen_flags: <defaults>
</compile_context>

<pallas_src>
import functools

import jax
import jax.numpy as jnp
from jax import lax
from jax.experimental import pallas as pl
from jax.experimental.pallas import tpu as pltpu
from jax.experimental.pallas import tpu_sc as plsc

_N = 10000
_E = 320000
_D = 128
_G = 128

_NC, _NS = 2, 16
_NW = _NC * _NS
_RPT = 632
_N_PAD = _RPT * _NS
_K = 64
_NCHUNK = 160
_EW = _K * _NCHUNK
_E_PAD = _EW * _NW
_PAD_DST = _N_PAD - 1

def _mk_perm():
    p = []
    for b in range(_D // 32):
        for i in range(16):
            p.append(32 * b + i)
            p.append(32 * b + 16 + i)
    return p


_PERM = tuple(_mk_perm())

_BLK = _RPT
_NBLK = _N_PAD // _BLK

_mesh = plsc.VectorSubcoreMesh(core_axis_name="c", subcore_axis_name="s",
                               num_cores=_NC, num_subcores=_NS)


_DW = _D


@functools.partial(
    pl.kernel,
    out_type=jax.ShapeDtypeStruct((_NC, _N_PAD, _DW), jnp.float32),
    mesh=_mesh,
    scratch_types=[
        pltpu.VMEM((_NCHUNK, 2, _K), jnp.int32),
        pltpu.VMEM((_K, _DW), jnp.float32),
        pltpu.VMEM_SHARED((_N_PAD, _DW), jnp.float32),
        pltpu.SemaphoreType.DMA,
    ],
)
def _deg_kernel(idx_hbm, ones_hbm, zeros_hbm, out_hbm, idx_v, ones_v,
                acc_sh, sem):
    c = lax.axis_index("c")
    s = lax.axis_index("s")
    w = c * _NS + s

    pltpu.sync_copy(zeros_hbm, acc_sh.at[pl.ds(s * _RPT, _RPT)])
    pltpu.sync_copy(ones_hbm, ones_v)
    pltpu.sync_copy(idx_hbm.at[w], idx_v)
    plsc.subcore_barrier()

    def fire(i, carry):
        pltpu.async_copy(ones_v, acc_sh.at[idx_v.at[i, 1]], sem, add=True)
        return carry

    lax.fori_loop(0, _NCHUNK, fire, 0)

    def drain(i, carry):
        pltpu.make_async_copy(ones_v, acc_sh.at[idx_v.at[i, 1]], sem).wait()
        return carry

    lax.fori_loop(0, _NCHUNK, drain, 0)
    plsc.subcore_barrier()
    pltpu.sync_copy(acc_sh.at[pl.ds(s * _RPT, _RPT)],
                    out_hbm.at[c, pl.ds(s * _RPT, _RPT)])


@functools.partial(
    pl.kernel,
    out_type=jax.ShapeDtypeStruct((_NC, _N_PAD, _D), jnp.float32),
    mesh=_mesh,
    scratch_types=[
        pltpu.VMEM((_NCHUNK // 2, 2, _K), jnp.int32),
        pltpu.VMEM((_K, _D // 2), jnp.int32),
        pltpu.VMEM((_K, _D // 2), jnp.int32),
        pltpu.VMEM((_K, _D), jnp.float32),
        pltpu.VMEM((_K, _D), jnp.float32),
        pltpu.VMEM_SHARED((_N_PAD, _D), jnp.float32),
        pltpu.SemaphoreType.DMA,
        pltpu.SemaphoreType.DMA,
        pltpu.SemaphoreType.DMA,
        pltpu.SemaphoreType.DMA,
    ],
    compiler_params=pltpu.CompilerParams(needs_layout_passes=False,
                                         use_tc_tiling_on_sc=False),
)
def _agg_kernel(ubf_hbm, idx_hbm, zeros_hbm, out_hbm,
                idx_v, bf0, bf1, f0, f1, acc_sh,
                gsem0, gsem1, ssem0, ssem1):
    c = lax.axis_index("c")
    s = lax.axis_index("s")
    w = c * _NS + s
    nch_h = _NCHUNK // 2

    pltpu.sync_copy(zeros_hbm, acc_sh.at[pl.ds(s * _RPT, _RPT)])
    plsc.subcore_barrier()

    def gather(i, bf, gsem):
        pltpu.async_copy(ubf_hbm.at[idx_v.at[i, 0]], bf, gsem)

    def gather_wait(bf, gsem):
        pltpu.make_async_copy(ubf_hbm.at[idx_v.at[0, 0]], bf, gsem).wait()

    def scatter(i, fb, ssem):
        pltpu.async_copy(fb, acc_sh.at[idx_v.at[i, 1]], ssem, add=True)

    def scatter_wait(fb, ssem):
        pltpu.make_async_copy(fb, acc_sh.at[idx_v.at[0, 1]], ssem).wait()

    def convert(bf, fb):
        def crow(r, carry):
            for g in range(_D // 32):
                v = bf[r, pl.ds(16 * g, 16)]
                lo = plsc.bitcast(v << 16, jnp.float32)
                hi = plsc.bitcast(v & jnp.int32(-65536), jnp.float32)
                fb[r, pl.ds(32 * g, 16)] = lo
                fb[r, pl.ds(32 * g + 16, 16)] = hi
            return carry

        lax.fori_loop(0, _K, crow, 0)

    def half(h, carry):
        pltpu.sync_copy(idx_hbm.at[w, pl.ds(h * nch_h, nch_h)], idx_v)
        gather(0, bf0, gsem0)

        def body(g, carry2):
            i = 2 * g
            gather_wait(bf0, gsem0)
            gather(i + 1, bf1, gsem1)

            @pl.when(g > 0)
            def _():
                scatter_wait(f0, ssem0)

            convert(bf0, f0)
            scatter(i, f0, ssem0)
            gather_wait(bf1, gsem1)

            @pl.when(g < nch_h // 2 - 1)
            def _():
                gather(i + 2, bf0, gsem0)

            @pl.when(g > 0)
            def _():
                scatter_wait(f1, ssem1)

            convert(bf1, f1)
            scatter(i + 1, f1, ssem1)
            return carry2

        lax.fori_loop(0, nch_h // 2, body, 0)
        scatter_wait(f0, ssem0)
        scatter_wait(f1, ssem1)
        return carry

    lax.fori_loop(0, 2, half, 0)
    plsc.subcore_barrier()
    pltpu.sync_copy(acc_sh.at[pl.ds(s * _RPT, _RPT)],
                    out_hbm.at[c, pl.ds(s * _RPT, _RPT)])


def _dinv_body(deg_ref, dinv_ref):
    deg = deg_ref[0, :, 0] + deg_ref[1, :, 0] + 1.0
    dinv_ref[...] = lax.rsqrt(deg)[:, None]


_dinv_kernel = pl.pallas_call(
    _dinv_body,
    out_shape=jax.ShapeDtypeStruct((_N_PAD, 1), jnp.float32),
)


def _dot(a, b):
    return jnp.dot(a, b, preferred_element_type=jnp.float32,
                   precision=lax.Precision.HIGHEST)


def _tca_body(x_ref, dinv_ref, w_ref, u_ref):
    u_ref[...] = _dot(x_ref[...], w_ref[...]) * dinv_ref[...]


def _tcb_body(p_ref, u_ref, dinv_ref, b_ref, w_ref, h_ref, un_ref):
    dinv = dinv_ref[...]
    agg = p_ref[0] + p_ref[1] + u_ref[...]
    h = jnp.maximum(agg * dinv + b_ref[...], 0.0)
    h_ref[...] = h
    un_ref[...] = _dot(h, w_ref[...]) * dinv


def _tcc_body(p_ref, u_ref, dinv_ref, b3_ref, h1_ref, h2_ref, wjk_ref,
              bjk_ref, batch_ref, wm1_ref, bm1_ref, wm2_ref, bm2_ref,
              out_ref, g_acc):
    i = pl.program_id(0)

    @pl.when(i == 0)
    def _():
        g_acc[...] = jnp.zeros_like(g_acc)

    agg = p_ref[0] + p_ref[1] + u_ref[...]
    h3 = jnp.maximum(agg * dinv_ref[...] + b3_ref[...], 0.0)
    hjk = (_dot(h1_ref[...], wjk_ref[0]) + _dot(h2_ref[...], wjk_ref[1])
           + _dot(h3, wjk_ref[2]) + bjk_ref[...])
    batch = batch_ref[0, 0, :]
    gids = lax.broadcasted_iota(jnp.int32, (_BLK, _G), 1)
    oh = (batch[:, None] == gids).astype(jnp.float32)
    g_acc[...] += lax.dot_general(oh, hjk, (((0,), (0,)), ((), ())),
                                  preferred_element_type=jnp.float32,
                                  precision=lax.Precision.HIGHEST)

    @pl.when(i == _NBLK - 1)
    def _():
        g = g_acc[...]
        m = jnp.maximum(_dot(g, wm1_ref[...]) + bm1_ref[...], 0.0)
        out_ref[...] = _dot(m, wm2_ref[...]) + bm2_ref[...]


def _row_spec(d=_D):
    return pl.BlockSpec((_BLK, d), lambda i: (i, 0))


def _full(shape):
    return pl.BlockSpec(shape, lambda i: tuple(0 for _ in shape))


_dinv_spec = pl.BlockSpec((_BLK, 1), lambda i: (i, 0))
_p_spec = pl.BlockSpec((_NC, _BLK, _D), lambda i: (0, i, 0))

_tca = pl.pallas_call(
    _tca_body,
    grid=(_NBLK,),
    in_specs=[_row_spec(), _dinv_spec, _full((_D, _D))],
    out_specs=_row_spec(),
    out_shape=jax.ShapeDtypeStruct((_N_PAD, _D), jnp.float32),
    compiler_params=pltpu.CompilerParams(
        dimension_semantics=("parallel",)),
)

_tcb = pl.pallas_call(
    _tcb_body,
    grid=(_NBLK,),
    in_specs=[_p_spec, _row_spec(), _dinv_spec, _full((1, _D)),
              _full((_D, _D))],
    out_specs=[_row_spec(), _row_spec()],
    out_shape=[jax.ShapeDtypeStruct((_N_PAD, _D), jnp.float32),
               jax.ShapeDtypeStruct((_N_PAD, _D), jnp.float32)],
    compiler_params=pltpu.CompilerParams(
        dimension_semantics=("parallel",)),
)

_tcc = pl.pallas_call(
    _tcc_body,
    grid=(_NBLK,),
    in_specs=[_p_spec, _row_spec(), _dinv_spec, _full((1, _D)),
              _row_spec(), _row_spec(), _full((3, _D, _D)), _full((1, _D)),
              pl.BlockSpec((1, 1, _BLK), lambda i: (i, 0, 0)),
              _full((_D, _D)), _full((1, _D)), _full((_D, 64)),
              _full((1, 64))],
    out_specs=_full((_G, 64)),
    out_shape=jax.ShapeDtypeStruct((_G, 64), jnp.float32),
    scratch_shapes=[pltpu.VMEM((_G, _D), jnp.float32)],
    compiler_params=pltpu.CompilerParams(
        dimension_semantics=("arbitrary",)),
)


def kernel(x, edge_index, batch, W1, b1, W2, b2, W3, b3, Wjk, bjk,
           Wm1, bm1, Wm2, bm2):
    epw = _E // _NW
    ppw = _EW - epw
    wid = jnp.arange(_NW, dtype=jnp.int32)
    pad_dst = _N + 3 * wid[:, None] + (jnp.arange(ppw, dtype=jnp.int32) % 3)
    pad_src = ((wid[:, None] * 9973 + jnp.arange(ppw, dtype=jnp.int32) * 131)
               % _N).astype(jnp.int32)
    src = jnp.concatenate([edge_index[0].reshape(_NW, epw), pad_src], axis=1)
    dst = jnp.concatenate([edge_index[1].reshape(_NW, epw), pad_dst], axis=1)
    idx_packed = jnp.stack([src.reshape(_NW, _NCHUNK, _K),
                            dst.reshape(_NW, _NCHUNK, _K)], axis=2)

    x_pad = jnp.pad(x, ((0, _N_PAD - _N), (0, 0)))
    batch_pad = jnp.pad(batch, (0, _N_PAD - _N),
                        constant_values=jnp.int32(2 ** 30))
    batch3 = batch_pad.reshape(_NBLK, 1, _BLK)
    zeros_tile = jnp.zeros((_RPT, _D), jnp.float32)
    ones_rows = jnp.ones((_K, _DW), jnp.float32)

    perm = jnp.asarray(_PERM, jnp.int32)

    def pack_bf(u):
        ub = u[:, perm].astype(jnp.bfloat16).reshape(_N_PAD, _D // 2, 2)
        return lax.bitcast_convert_type(ub, jnp.int32)

    deg_parts = _deg_kernel(idx_packed, ones_rows, zeros_tile)
    dinv = _dinv_kernel(deg_parts)
    u1 = _tca(x_pad, dinv, W1)
    p1 = _agg_kernel(pack_bf(u1), idx_packed, zeros_tile)
    h1, u2 = _tcb(p1, u1, dinv, b1.reshape(1, _D), W2)
    p2 = _agg_kernel(pack_bf(u2), idx_packed, zeros_tile)
    h2, u3 = _tcb(p2, u2, dinv, b2.reshape(1, _D), W3)
    p3 = _agg_kernel(pack_bf(u3), idx_packed, zeros_tile)
    out = _tcc(p3, u3, dinv, b3.reshape(1, _D), h1, h2,
               Wjk.reshape(3, _D, _D), bjk.reshape(1, _D), batch3,
               Wm1, bm1.reshape(1, _D), Wm2, bm2.reshape(1, 64))
    return out

# --- scband reference (transcript-rebuilt; emitter-appended) ---
"""Pipeline reference for scband-gcn-2388001817259 (READ-ONLY COPY).

The authoritative reference and input builder live on the scoring server;
editing this copy changes nothing except your own understanding.
"""

import jax, jax.numpy as jnp
import numpy as np

N = 10000
E = 320000
D_IN = 128
D_H = 128
D_OUT = 64
NUM_GRAPHS = 128


def _glorot(key, shape):
    lim = np.sqrt(6.0 / (shape[0] + shape[1]))
    return jax.random.uniform(key, shape, jnp.float32, -lim, lim)


def setup_inputs(seed: int = 0) -> dict:
    key = jax.random.key(seed)
    ks = jax.random.split(key, 12)
    x = jax.random.normal(ks[0], (N, D_IN), dtype=jnp.float32)
    edge_index = jax.random.randint(ks[1], (2, E), 0, N, dtype=jnp.int32)
    batch = jnp.sort(jax.random.randint(ks[2], (N,), 0, NUM_GRAPHS, dtype=jnp.int32))
    return {
        "x": x,
        "edge_index": edge_index,
        "batch": batch,
        "W1": _glorot(ks[3], (D_IN, D_H)), "b1": jnp.zeros((D_H,), jnp.float32),
        "W2": _glorot(ks[4], (D_H, D_H)), "b2": jnp.zeros((D_H,), jnp.float32),
        "W3": _glorot(ks[5], (D_H, D_H)), "b3": jnp.zeros((D_H,), jnp.float32),
        "Wjk": _glorot(ks[6], (3 * D_H, D_H)), "bjk": jnp.zeros((D_H,), jnp.float32),
        "Wm1": _glorot(ks[7], (D_H, D_H)), "bm1": jnp.zeros((D_H,), jnp.float32),
        "Wm2": _glorot(ks[8], (D_H, D_OUT)), "bm2": jnp.zeros((D_OUT,), jnp.float32),
    }


def _gcn_layer(h, src, dst, W, b):
    # GCNConv: h' = D^-1/2 (A + I) D^-1/2 (h W) + b
    h = h @ W
    loop = jnp.arange(N, dtype=src.dtype)
    s = jnp.concatenate([src, loop])
    d = jnp.concatenate([dst, loop])
    deg = jax.ops.segment_sum(jnp.ones_like(d, jnp.float32), d, num_segments=N)
    dinv = jnp.where(deg > 0, jax.lax.rsqrt(jnp.maximum(deg, 1e-12)), 0.0)
    norm = dinv[s] * dinv[d]
    msg = h[s] * norm[:, None]
    out = jax.ops.segment_sum(msg, d, num_segments=N)
    return out + b


def reference(x, edge_index, batch, W1, b1, W2, b2, W3, b3, Wjk, bjk, Wm1, bm1, Wm2, bm2):
    src = edge_index[0]
    dst = edge_index[1]
    xs = []
    h = x
    for W, b in ((W1, b1), (W2, b2), (W3, b3)):
        h = jax.nn.relu(_gcn_layer(h, src, dst, W, b))
        xs.append(h)
    # jumping knowledge: concatenate layer outputs, project back to hidden_dim
    h = jnp.concatenate(xs, axis=1) @ Wjk + bjk
    # global_add_pool over graphs in the batch
    g = jax.ops.segment_sum(h, batch, num_segments=NUM_GRAPHS)
    # MLP head (eval mode: dropout identity, batchnorm ~identity at init)
    g = jax.nn.relu(g @ Wm1 + bm1)
    out = g @ Wm2 + bm2
    return out

if __name__ == "__main__":
    import jax
    _d = setup_inputs()
    print(jax.jit(kernel)(*tuple(_d.values())))

</pallas_src>

<mosaic_0001>
#map = affine_map<(d0, d1) -> (0, 0)>
#map1 = affine_map<(d0, d1) -> (0, 0, 0, 0)>
#map2 = affine_map<(d0, d1) -> (0, 0, 0)>
module attributes {stable_mosaic.version = 14 : i64} {
  func.func @_agg_kernel(%arg0: i32, %arg1: i32, %arg2: memref<10112x64xi32, #tpu.memory_space<hbm>>, %arg3: memref<32x160x2x64xi32, #tpu.memory_space<hbm>>, %arg4: memref<632x128xf32, #tpu.memory_space<hbm>>, %arg5: memref<2x10112x128xf32, #tpu.memory_space<hbm>>, %arg6: memref<80x2x64xi32, #tpu.memory_space<vmem>>, %arg7: memref<64x64xi32, #tpu.memory_space<vmem>>, %arg8: memref<64x64xi32, #tpu.memory_space<vmem>>, %arg9: memref<64x128xf32, #tpu.memory_space<vmem>>, %arg10: memref<64x128xf32, #tpu.memory_space<vmem>>, %arg11: memref<10112x128xf32, #tpu.memory_space<vmem_shared>>, %arg12: memref<!tpu.dma_semaphore, #tpu.memory_space<semaphore_mem>>, %arg13: memref<!tpu.dma_semaphore, #tpu.memory_space<semaphore_mem>>, %arg14: memref<!tpu.dma_semaphore, #tpu.memory_space<semaphore_mem>>, %arg15: memref<!tpu.dma_semaphore, #tpu.memory_space<semaphore_mem>>) attributes {dimension_semantics = [#tpu.dimension_semantics<core_parallel>, #tpu.dimension_semantics<subcore_parallel>], iteration_bounds = array<i64: 2, 16>, scalar_prefetch = 0 : i64, scratch_operands = 10 : i64, tpu.core_type = #tpu.core_type<sc_vector_subcore>, window_params = [{transform_indices = #map}, {transform_indices = #map1}, {transform_indices = #map}, {transform_indices = #map2}]} {
    %mul3A = arith.constant 16 : i32
    %mul3A_0 = arith.muli %arg0, %mul3A : i32
    %add3A = arith.addi %mul3A_0, %arg1 : i32
    %mul3A_1 = arith.constant 632 : i32
    %mul3A_2 = arith.muli %arg1, %mul3A_1 : i32
    "tpu.region"() ({
      %run_scoped3A = tpu.sem_alloc : memref<!tpu.dma_semaphore, #tpu.memory_space<semaphore_mem>>
      %dma_start3A = arith.constant 0 : i32
      %dma_start3A_13 = tpu.memref_slice %arg11[%mul3A_2, %dma_start3A] : memref<10112x128xf32, #tpu.memory_space<vmem_shared>> -> memref<632x128xf32, #tpu.memory_space<vmem_shared>>
      tpu.enqueue_dma source(%arg4 : memref<632x128xf32, #tpu.memory_space<hbm>>) target(%dma_start3A_13 : memref<632x128xf32, #tpu.memory_space<vmem_shared>>) target_semaphore(%run_scoped3A : memref<!tpu.dma_semaphore, #tpu.memory_space<semaphore_mem>>)
      %dma_wait3A = arith.constant 0 : i32
      %dma_wait3A_14 = tpu.memref_slice %arg11[%mul3A_2, %dma_wait3A] : memref<10112x128xf32, #tpu.memory_space<vmem_shared>> -> memref<632x128xf32, #tpu.memory_space<vmem_shared>>
      tpu.wait_dma2 semaphore(%run_scoped3A : memref<!tpu.dma_semaphore, #tpu.memory_space<semaphore_mem>>) src(%arg4 : memref<632x128xf32, #tpu.memory_space<hbm>>) dst(%dma_wait3A_14 : memref<632x128xf32, #tpu.memory_space<vmem_shared>>)
      tpu.yield
    }) : () -> ()
    %barrier3A = arith.constant 0 : index
    tpu.barrier barrier_id(%barrier3A)
    %scan3A = arith.constant 0 : i32
    %scan3A_3 = arith.constant 0 : i32
    %scan3A_4 = arith.constant 2 : i32
    %scan3A_5 = arith.addi %scan3A_3, %scan3A_4 : i32
    %scan3A_6 = arith.constant 1 : i32
    scf.for %scan3A_13 = %scan3A_3 to %scan3A_5 step %scan3A_6  : i32 {
      %mul3A_14 = arith.constant 80 : i32
      %mul3A_15 = arith.muli %scan3A_13, %mul3A_14 : i32
      "tpu.region"() ({
        %run_scoped3A = tpu.sem_alloc : memref<!tpu.dma_semaphore, #tpu.memory_space<semaphore_mem>>
        %dma_start3A_44 = arith.constant 0 : i32
        %dma_start3A_45 = arith.constant 0 : i32
        %dma_start3A_46 = tpu.memref_slice %arg3[%add3A, %mul3A_15, %dma_start3A_44, %dma_start3A_45] : memref<32x160x2x64xi32, #tpu.memory_space<hbm>> -> memref<1x80x2x64xi32, #tpu.memory_space<hbm>>
        %dma_start3A_47 = tpu.memref_squeeze %dma_start3A_46 : memref<1x80x2x64xi32, #tpu.memory_space<hbm>> -> memref<80x2x64xi32, #tpu.memory_space<hbm>>
        %dma_start3A_48 = arith.constant 0 : i32
        %dma_start3A_49 = arith.constant 0 : i32
        %dma_start3A_50 = tpu.memref_slice %arg3[%add3A, %mul3A_15, %dma_start3A_48, %dma_start3A_49] : memref<32x160x2x64xi32, #tpu.memory_space<hbm>> -> memref<1x80x2x64xi32, #tpu.memory_space<hbm>>
        %dma_start3A_51 = tpu.memref_squeeze %dma_start3A_50 : memref<1x80x2x64xi32, #tpu.memory_space<hbm>> -> memref<80x2x64xi32, #tpu.memory_space<hbm>>
        tpu.enqueue_dma source(%dma_start3A_51 : memref<80x2x64xi32, #tpu.memory_space<hbm>>) target(%arg6 : memref<80x2x64xi32, #tpu.memory_space<vmem>>) target_semaphore(%run_scoped3A : memref<!tpu.dma_semaphore, #tpu.memory_space<semaphore_mem>>)
        %dma_wait3A_52 = arith.constant 0 : i32
        %dma_wait3A_53 = arith.constant 0 : i32
        %dma_wait3A_54 = tpu.memref_slice %arg3[%add3A, %mul3A_15, %dma_wait3A_52, %dma_wait3A_53] : memref<32x160x2x64xi32, #tpu.memory_space<hbm>> -> memref<1x80x2x64xi32, #tpu.memory_space<hbm>>
        %dma_wait3A_55 = tpu.memref_squeeze %dma_wait3A_54 : memref<1x80x2x64xi32, #tpu.memory_space<hbm>> -> memref<80x2x64xi32, #tpu.memory_space<hbm>>
        %dma_wait3A_56 = arith.constant 0 : i32
        %dma_wait3A_57 = arith.constant 0 : i32
        %dma_wait3A_58 = tpu.memref_slice %arg3[%add3A, %mul3A_15, %dma_wait3A_56, %dma_wait3A_57] : memref<32x160x2x64xi32, #tpu.memory_space<hbm>> -> memref<1x80x2x64xi32, #tpu.memory_space<hbm>>
        %dma_wait3A_59 = tpu.memref_squeeze %dma_wait3A_58 : memref<1x80x2x64xi32, #tpu.memory_space<hbm>> -> memref<80x2x64xi32, #tpu.memory_space<hbm>>
        tpu.wait_dma2 semaphore(%run_scoped3A : memref<!tpu.dma_semaphore, #tpu.memory_space<semaphore_mem>>) src(%dma_wait3A_59 : memref<80x2x64xi32, #tpu.memory_space<hbm>>) dst(%arg6 : memref<80x2x64xi32, #tpu.memory_space<vmem>>)
        tpu.yield
      }) : () -> ()
      %dma_start3A = arith.constant 0 : i32
      %dma_start3A_16 = arith.constant 0 : i32
      %dma_start3A_17 = arith.constant 0 : i32
      %dma_start3A_18 = tpu.memref_slice %arg6[%dma_start3A, %dma_start3A_16, %dma_start3A_17] : memref<80x2x64xi32, #tpu.memory_space<vmem>> -> memref<1x1x64xi32, #tpu.memory_space<vmem>>
      %dma_start3A_19 = tpu.memref_squeeze %dma_start3A_18 : memref<1x1x64xi32, #tpu.memory_space<vmem>> -> memref<64xi32, #tpu.memory_space<vmem>>
      %dma_start3A_20 = arith.constant 0 : i32
      %dma_start3A_21 = arith.constant 0 : i32
      %dma_start3A_22 = tpu.memref_slice %arg2[%dma_start3A_20, %dma_start3A_21] : memref<10112x64xi32, #tpu.memory_space<hbm>> -> memref<10112x64xi32, #tpu.memory_space<hbm>>
      tpu.enqueue_indirect_dma source(%dma_start3A_22 : memref<10112x64xi32, #tpu.memory_space<hbm>>) target(%arg7 : memref<64x64xi32, #tpu.memory_space<vmem>>) offsets(%dma_start3A_19 : memref<64xi32, #tpu.memory_space<vmem>>) semaphore(%arg12 : memref<!tpu.dma_semaphore, #tpu.memory_space<semaphore_mem>>)
      %scan3A_23 = arith.constant 0 : i32
      %scan3A_24 = arith.constant 0 : i32
      %scan3A_25 = arith.constant 40 : i32
      %scan3A_26 = arith.addi %scan3A_24, %scan3A_25 : i32
      %scan3A_27 = arith.constant 1 : i32
      scf.for %scan3A_44 = %scan3A_24 to %scan3A_26 step %scan3A_27  : i32 {
        %mul3A_45 = arith.constant 2 : i32
        %mul3A_46 = arith.muli %mul3A_45, %scan3A_44 : i32
        %dma_wait3A_47 = arith.constant 0 : i32
        %dma_wait3A_48 = arith.constant 0 : i32
        %dma_wait3A_49 = arith.constant 0 : i32
        %dma_wait3A_50 = tpu.memref_slice %arg6[%dma_wait3A_47, %dma_wait3A_48, %dma_wait3A_49] : memref<80x2x64xi32, #tpu.memory_space<vmem>> -> memref<1x1x64xi32, #tpu.memory_space<vmem>>
        %dma_wait3A_51 = tpu.memref_squeeze %dma_wait3A_50 : memref<1x1x64xi32, #tpu.memory_space<vmem>> -> memref<64xi32, #tpu.memory_space<vmem>>
        %dma_wait3A_52 = arith.constant 0 : i32
        %dma_wait3A_53 = arith.constant 0 : i32
        %dma_wait3A_54 = tpu.memref_slice %arg2[%dma_wait3A_52, %dma_wait3A_53] : memref<10112x64xi32, #tpu.memory_space<hbm>> -> memref<10112x64xi32, #tpu.memory_space<hbm>>
        tpu.wait_indirect_dma semaphore(%arg12 : memref<!tpu.dma_semaphore, #tpu.memory_space<semaphore_mem>>) src(%dma_wait3A_54 : memref<10112x64xi32, #tpu.memory_space<hbm>>) dst(%arg7 : memref<64x64xi32, #tpu.memory_space<vmem>>)
        %add3A_55 = arith.constant 1 : i32
        %add3A_56 = arith.addi %mul3A_46, %add3A_55 : i32
        %dma_start3A_57 = arith.constant 0 : i32
        %dma_start3A_58 = arith.constant 0 : i32
        %dma_start3A_59 = tpu.memref_slice %arg6[%add3A_56, %dma_start3A_57, %dma_start3A_58] : memref<80x2x64xi32, #tpu.memory_space<vmem>> -> memref<1x1x64xi32, #tpu.memory_space<vmem>>
        %dma_start3A_60 = tpu.memref_squeeze %dma_start3A_59 : memref<1x1x64xi32, #tpu.memory_space<vmem>> -> memref<64xi32, #tpu.memory_space<vmem>>
        %dma_start3A_61 = arith.constant 0 : i32
        %dma_start3A_62 = arith.constant 0 : i32
        %dma_start3A_63 = tpu.memref_slice %arg2[%dma_start3A_61, %dma_start3A_62] : memref<10112x64xi32, #tpu.memory_space<hbm>> -> memref<10112x64xi32, #tpu.memory_space<hbm>>
        tpu.enqueue_indirect_dma source(%dma_start3A_63 : memref<10112x64xi32, #tpu.memory_space<hbm>>) target(%arg8 : memref<64x64xi32, #tpu.memory_space<vmem>>) offsets(%dma_start3A_60 : memref<64xi32, #tpu.memory_space<vmem>>) semaphore(%arg13 : memref<!tpu.dma_semaphore, #tpu.memory_space<semaphore_mem>>)
        %gt3A = arith.constant 0 : i32
        %gt3A_64 = arith.cmpi sgt, %scan3A_44, %gt3A : i32
        %convert_element_type3A = arith.extui %gt3A_64 : i1 to i32
        %cond3A = arith.constant 0 : i32
        %cond3A_65 = arith.cmpi ne, %convert_element_type3A, %cond3A : i32
        scf.if %cond3A_65 {
          %dma_wait3A_111 = arith.constant 0 : i32
          %dma_wait3A_112 = arith.constant 1 : i32
          %dma_wait3A_113 = arith.constant 0 : i32
          %dma_wait3A_114 = tpu.memref_slice %arg6[%dma_wait3A_111, %dma_wait3A_112, %dma_wait3A_113] : memref<80x2x64xi32, #tpu.memory_space<vmem>> -> memref<1x1x64xi32, #tpu.memory_space<vmem>>
          %dma_wait3A_115 = tpu.memref_squeeze %dma_wait3A_114 : memref<1x1x64xi32, #tpu.memory_space<vmem>> -> memref<64xi32, #tpu.memory_space<vmem>>
          %dma_wait3A_116 = arith.constant 0 : i32
          %dma_wait3A_117 = arith.constant 0 : i32
          %dma_wait3A_118 = tpu.memref_slice %arg11[%dma_wait3A_116, %dma_wait3A_117] : memref<10112x128xf32, #tpu.memory_space<vmem_shared>> -> memref<10112x128xf32, #tpu.memory_space<vmem_shared>>
          tpu.wait_indirect_dma semaphore(%arg14 : memref<!tpu.dma_semaphore, #tpu.memory_space<semaphore_mem>>) src(%arg9 : memref<64x128xf32, #tpu.memory_space<vmem>>) dst(%dma_wait3A_118 : memref<10112x128xf32, #tpu.memory_space<vmem_shared>>)
        } else {
        }
        %scan3A_66 = arith.constant 0 : i32
        %scan3A_67 = arith.constant 0 : i32
        %scan3A_68 = arith.constant 64 : i32
        %scan3A_69 = arith.addi %scan3A_67, %scan3A_68 : i32
        %scan3A_70 = arith.constant 1 : i32
        scf.for %scan3A_111 = %scan3A_67 to %scan3A_69 step %scan3A_70  : i32 {
          %get3A = arith.index_cast %scan3A_111 : i32 to index
          %get3A_112 = arith.constant 0 : index
          %get3A_113 = tpu.vector_load %arg7[%get3A, %get3A_112] {strides = array<i32>} : memref<64x64xi32, #tpu.memory_space<vmem>>, vector<16xi32>,
          %shift_left3A = arith.constant 16 : i32
          %shift_left3A_114 = vector.broadcast %shift_left3A : i32 to vector<16xi32>
          %shift_left3A_115 = arith.shli %get3A_113, %shift_left3A_114 : vector<16xi32>
          %bitcast3A = vector.bitcast %shift_left3A_115 : vector<16xi32> to vector<16xf32>
          %and3A = arith.constant -65536 : i32
          %and3A_116 = vector.broadcast %and3A : i32 to vector<16xi32>
          %and3A_117 = arith.andi %get3A_113, %and3A_116 : vector<16xi32>
          %bitcast3A_118 = vector.bitcast %and3A_117 : vector<16xi32> to vector<16xf32>
          %swap3A = arith.index_cast %scan3A_111 : i32 to index
          %swap3A_119 = arith.constant 0 : index
          %swap3A_120 = tpu.vector_load %arg9[%swap3A, %swap3A_119] {strides = array<i32>} : memref<64x128xf32, #tpu.memory_space<vmem>>, vector<16xf32>,
          tpu.vector_store %arg9[%swap3A, %swap3A_119], %bitcast3A {strides = array<i32>} : memref<64x128xf32, #tpu.memory_space<vmem>>, vector<16xf32>,
          %swap3A_121 = arith.index_cast %scan3A_111 : i32 to index
          %swap3A_122 = arith.constant 16 : index
          %swap3A_123 = tpu.vector_load %arg9[%swap3A_121, %swap3A_122] {strides = array<i32>} : memref<64x128xf32, #tpu.memory_space<vmem>>, vector<16xf32>,
          tpu.vector_store %arg9[%swap3A_121, %swap3A_122], %bitcast3A_118 {strides = array<i32>} : memref<64x128xf32, #tpu.memory_space<vmem>>, vector<16xf32>,
          %get3A_124 = arith.index_cast %scan3A_111 : i32 to index
          %get3A_125 = arith.constant 16 : index
          %get3A_126 = tpu.vector_load %arg7[%get3A_124, %get3A_125] {strides = array<i32>} : memref<64x64xi32, #tpu.memory_space<vmem>>, vector<16xi32>,
          %shift_left3A_127 = arith.constant 16 : i32
          %shift_left3A_128 = vector.broadcast %shift_left3A_127 : i32 to vector<16xi32>
          %shift_left3A_129 = arith.shli %get3A_126, %shift_left3A_128 : vector<16xi32>
          %bitcast3A_130 = vector.bitcast %shift_left3A_129 : vector<16xi32> to vector<16xf32>
          %and3A_131 = arith.constant -65536 : i32
          %and3A_132 = vector.broadcast %and3A_131 : i32 to vector<16xi32>
          %and3A_133 = arith.andi %get3A_126, %and3A_132 : vector<16xi32>
          %bitcast3A_134 = vector.bitcast %and3A_133 : vector<16xi32> to vector<16xf32>
          %swap3A_135 = arith.index_cast %scan3A_111 : i32 to index
          %swap3A_136 = arith.constant 32 : index
          %swap3A_137 = tpu.vector_load %arg9[%swap3A_135, %swap3A_136] {strides = array<i32>} : memref<64x128xf32, #tpu.memory_space<vmem>>, vector<16xf32>,
          tpu.vector_store %arg9[%swap3A_135, %swap3A_136], %bitcast3A_130 {strides = array<i32>} : memref<64x128xf32, #tpu.memory_space<vmem>>, vector<16xf32>,
          %swap3A_138 = arith.index_cast %scan3A_111 : i32 to index
          %swap3A_139 = arith.constant 48 : index
          %swap3A_140 = tpu.vector_load %arg9[%swap3A_138, %swap3A_139] {strides = array<i32>} : memref<64x128xf32, #tpu.memory_space<vmem>>, vector<16xf32>,
          tpu.vector_store %arg9[%swap3A_138, %swap3A_139], %bitcast3A_134 {strides = array<i32>} : memref<64x128xf32, #tpu.memory_space<vmem>>, vector<16xf32>,
          %get3A_141 = arith.index_cast %scan3A_111 : i32 to index
          %get3A_142 = arith.constant 32 : index
          %get3A_143 = tpu.vector_load %arg7[%get3A_141, %get3A_142] {strides = array<i32>} : memref<64x64xi32, #tpu.memory_space<vmem>>, vector<16xi32>,
          %shift_left3A_144 = arith.constant 16 : i32
          %shift_left3A_145 = vector.broadcast %shift_left3A_144 : i32 to vector<16xi32>
          %shift_left3A_146 = arith.shli %get3A_143, %shift_left3A_145 : vector<16xi32>
          %bitcast3A_147 = vector.bitcast %shift_left3A_146 : vector<16xi32> to vector<16xf32>
          %and3A_148 = arith.constant -65536 : i32
          %and3A_149 = vector.broadcast %and3A_148 : i32 to vector<16xi32>
          %and3A_150 = arith.andi %get3A_143, %and3A_149 : vector<16xi32>
          %bitcast3A_151 = vector.bitcast %and3A_150 : vector<16xi32> to vector<16xf32>
          %swap3A_152 = arith.index_cast %scan3A_111 : i32 to index
          %swap3A_153 = arith.constant 64 : index
          %swap3A_154 = tpu.vector_load %arg9[%swap3A_152, %swap3A_153] {strides = array<i32>} : memref<64x128xf32, #tpu.memory_space<vmem>>, vector<16xf32>,
          tpu.vector_store %arg9[%swap3A_152, %swap3A_153], %bitcast3A_147 {strides = array<i32>} : memref<64x128xf32, #tpu.memory_space<vmem>>, vector<16xf32>,
          %swap3A_155 = arith.index_cast %scan3A_111 : i32 to index
          %swap3A_156 = arith.constant 80 : index
          %swap3A_157 = tpu.vector_load %arg9[%swap3A_155, %swap3A_156] {strides = array<i32>} : memref<64x128xf32, #tpu.memory_space<vmem>>, vector<16xf32>,
          tpu.vector_store %arg9[%swap3A_155, %swap3A_156], %bitcast3A_151 {strides = array<i32>} : memref<64x128xf32, #tpu.memory_space<vmem>>, vector<16xf32>,
          %get3A_158 = arith.index_cast %scan3A_111 : i32 to index
          %get3A_159 = arith.constant 48 : index
          %get3A_160 = tpu.vector_load %arg7[%get3A_158, %get3A_159] {strides = array<i32>} : memref<64x64xi32, #tpu.memory_space<vmem>>, vector<16xi32>,
          %shift_left3A_161 = arith.constant 16 : i32
          %shift_left3A_162 = vector.broadcast %shift_left3A_161 : i32 to vector<16xi32>
          %shift_left3A_163 = arith.shli %get3A_160, %shift_left3A_162 : vector<16xi32>
          %bitcast3A_164 = vector.bitcast %shift_left3A_163 : vector<16xi32> to vector<16xf32>
          %and3A_165 = arith.constant -65536 : i32
          %and3A_166 = vector.broadcast %and3A_165 : i32 to vector<16xi32>
          %and3A_167 = arith.andi %get3A_160, %and3A_166 : vector<16xi32>
          %bitcast3A_168 = vector.bitcast %and3A_167 : vector<16xi32> to vector<16xf32>
          %swap3A_169 = arith.index_cast %scan3A_111 : i32 to index
          %swap3A_170 = arith.constant 96 : index
          %swap3A_171 = tpu.vector_load %arg9[%swap3A_169, %swap3A_170] {strides = array<i32>} : memref<64x128xf32, #tpu.memory_space<vmem>>, vector<16xf32>,
          tpu.vector_store %arg9[%swap3A_169, %swap3A_170], %bitcast3A_164 {strides = array<i32>} : memref<64x128xf32, #tpu.memory_space<vmem>>, vector<16xf32>,
          %swap3A_172 = arith.index_cast %scan3A_111 : i32 to index
          %swap3A_173 = arith.constant 112 : index
          %swap3A_174 = tpu.vector_load %arg9[%swap3A_172, %swap3A_173] {strides = array<i32>} : memref<64x128xf32, #tpu.memory_space<vmem>>, vector<16xf32>,
          tpu.vector_store %arg9[%swap3A_172, %swap3A_173], %bitcast3A_168 {strides = array<i32>} : memref<64x128xf32, #tpu.memory_space<vmem>>, vector<16xf32>,
        }
        %scan3A_71 = arith.constant 64 : i32
        %dma_start3A_72 = arith.constant 1 : i32
        %dma_start3A_73 = arith.constant 0 : i32
        %dma_start3A_74 = tpu.memref_slice %arg6[%mul3A_46, %dma_start3A_72, %dma_start3A_73] : memref<80x2x64xi32, #tpu.memory_space<vmem>> -> memref<1x1x64xi32, #tpu.memory_space<vmem>>
        %dma_start3A_75 = tpu.memref_squeeze %dma_start3A_74 : memref<1x1x64xi32, #tpu.memory_space<vmem>> -> memref<64xi32, #tpu.memory_space<vmem>>
        %dma_start3A_76 = arith.constant 0 : i32
        %dma_start3A_77 = arith.constant 0 : i32
        %dma_start3A_78 = tpu.memref_slice %arg11[%dma_start3A_76, %dma_start3A_77] : memref<10112x128xf32, #tpu.memory_space<vmem_shared>> -> memref<10112x128xf32, #tpu.memory_space<vmem_shared>>
        tpu.enqueue_indirect_dma source(%arg9 : memref<64x128xf32, #tpu.memory_space<vmem>>) target(%dma_start3A_78 : memref<10112x128xf32, #tpu.memory_space<vmem_shared>>) offsets(%dma_start3A_75 : memref<64xi32, #tpu.memory_space<vmem>>) semaphore(%arg14 : memref<!tpu.dma_semaphore, #tpu.memory_space<semaphore_mem>>) {add = true}
        %dma_wait3A_79 = arith.constant 0 : i32
        %dma_wait3A_80 = arith.constant 0 : i32
        %dma_wait3A_81 = arith.constant 0 : i32
        %dma_wait3A_82 = tpu.memref_slice %arg6[%dma_wait3A_79, %dma_wait3A_80, %dma_wait3A_81] : memref<80x2x64xi32, #tpu.memory_space<vmem>> -> memref<1x1x64xi32, #tpu.memory_space<vmem>>
        %dma_wait3A_83 = tpu.memref_squeeze %dma_wait3A_82 : memref<1x1x64xi32, #tpu.memory_space<vmem>> -> memref<64xi32, #tpu.memory_space<vmem>>
        %dma_wait3A_84 = arith.constant 0 : i32
        %dma_wait3A_85 = arith.constant 0 : i32
        %dma_wait3A_86 = tpu.memref_slice %arg2[%dma_wait3A_84, %dma_wait3A_85] : memref<10112x64xi32, #tpu.memory_space<hbm>> -> memref<10112x64xi32, #tpu.memory_space<hbm>>
        tpu.wait_indirect_dma semaphore(%arg13 : memref<!tpu.dma_semaphore, #tpu.memory_space<semaphore_mem>>) src(%dma_wait3A_86 : memref<10112x64xi32, #tpu.memory_space<hbm>>) dst(%arg8 : memref<64x64xi32, #tpu.memory_space<vmem>>)
        %lt3A = arith.constant 39 : i32
        %lt3A_87 = arith.cmpi slt, %scan3A_44, %lt3A : i32
        %convert_element_type3A_88 = arith.extui %lt3A_87 : i1 to i32
        %cond3A_89 = arith.constant 0 : i32
        %cond3A_90 = arith.cmpi ne, %convert_element_type3A_88, %cond3A_89 : i32
        scf.if %cond3A_90 {
          %add3A_111 = arith.constant 2 : i32
          %add3A_112 = arith.addi %mul3A_46, %add3A_111 : i32
          %dma_start3A_113 = arith.constant 0 : i32
          %dma_start3A_114 = arith.constant 0 : i32
          %dma_start3A_115 = tpu.memref_slice %arg6[%add3A_112, %dma_start3A_113, %dma_start3A_114] : memref<80x2x64xi32, #tpu.memory_space<vmem>> -> memref<1x1x64xi32, #tpu.memory_space<vmem>>
          %dma_start3A_116 = tpu.memref_squeeze %dma_start3A_115 : memref<1x1x64xi32, #tpu.memory_space<vmem>> -> memref<64xi32, #tpu.memory_space<vmem>>
          %dma_start3A_117 = arith.constant 0 : i32
          %dma_start3A_118 = arith.constant 0 : i32
          %dma_start3A_119 = tpu.memref_slice %arg2[%dma_start3A_117, %dma_start3A_118] : memref<10112x64xi32, #tpu.memory_space<hbm>> -> memref<10112x64xi32, #tpu.memory_space<hbm>>
          tpu.enqueue_indirect_dma source(%dma_start3A_119 : memref<10112x64xi32, #tpu.memory_space<hbm>>) target(%arg7 : memref<64x64xi32, #tpu.memory_space<vmem>>) offsets(%dma_start3A_116 : memref<64xi32, #tpu.memory_space<vmem>>) semaphore(%arg12 : memref<!tpu.dma_semaphore, #tpu.memory_space<semaphore_mem>>)
        } else {
        }
        %gt3A_91 = arith.constant 0 : i32
        %gt3A_92 = arith.cmpi sgt, %scan3A_44, %gt3A_91 : i32
        %convert_element_type3A_93 = arith.extui %gt3A_92 : i1 to i32
        %cond3A_94 = arith.constant 0 : i32
        %cond3A_95 = arith.cmpi ne, %convert_element_type3A_93, %cond3A_94 : i32
        scf.if %cond3A_95 {
          %dma_wait3A_111 = arith.constant 0 : i32
          %dma_wait3A_112 = arith.constant 1 : i32
          %dma_wait3A_113 = arith.constant 0 : i32
          %dma_wait3A_114 = tpu.memref_slice %arg6[%dma_wait3A_111, %dma_wait3A_112, %dma_wait3A_113] : memref<80x2x64xi32, #tpu.memory_space<vmem>> -> memref<1x1x64xi32, #tpu.memory_space<vmem>>
          %dma_wait3A_115 = tpu.memref_squeeze %dma_wait3A_114 : memref<1x1x64xi32, #tpu.memory_space<vmem>> -> memref<64xi32, #tpu.memory_space<vmem>>
          %dma_wait3A_116 = arith.constant 0 : i32
          %dma_wait3A_117 = arith.constant 0 : i32
          %dma_wait3A_118 = tpu.memref_slice %arg11[%dma_wait3A_116, %dma_wait3A_117] : memref<10112x128xf32, #tpu.memory_space<vmem_shared>> -> memref<10112x128xf32, #tpu.memory_space<vmem_shared>>
          tpu.wait_indirect_dma semaphore(%arg15 : memref<!tpu.dma_semaphore, #tpu.memory_space<semaphore_mem>>) src(%arg10 : memref<64x128xf32, #tpu.memory_space<vmem>>) dst(%dma_wait3A_118 : memref<10112x128xf32, #tpu.memory_space<vmem_shared>>)
        } else {
        }
        %scan3A_96 = arith.constant 0 : i32
        %scan3A_97 = arith.constant 0 : i32
        %scan3A_98 = arith.constant 64 : i32
        %scan3A_99 = arith.addi %scan3A_97, %scan3A_98 : i32
        %scan3A_100 = arith.constant 1 : i32
        scf.for %scan3A_111 = %scan3A_97 to %scan3A_99 step %scan3A_100  : i32 {
          %get3A = arith.index_cast %scan3A_111 : i32 to index
          %get3A_112 = arith.constant 0 : index
          %get3A_113 = tpu.vector_load %arg8[%get3A, %get3A_112] {strides = array<i32>} : memref<64x64xi32, #tpu.memory_space<vmem>>, vector<16xi32>,
          %shift_left3A = arith.constant 16 : i32
          %shift_left3A_114 = vector.broadcast %shift_left3A : i32 to vector<16xi32>
          %shift_left3A_115 = arith.shli %get3A_113, %shift_left3A_114 : vector<16xi32>
          %bitcast3A = vector.bitcast %shift_left3A_115 : vector<16xi32> to vector<16xf32>
          %and3A = arith.constant -65536 : i32
          %and3A_116 = vector.broadcast %and3A : i32 to vector<16xi32>
          %and3A_117 = arith.andi %get3A_113, %and3A_116 : vector<16xi32>
          %bitcast3A_118 = vector.bitcast %and3A_117 : vector<16xi32> to vector<16xf32>
          %swap3A = arith.index_cast %scan3A_111 : i32 to index
          %swap3A_119 = arith.constant 0 : index
          %swap3A_120 = tpu.vector_load %arg10[%swap3A, %swap3A_119] {strides = array<i32>} : memref<64x128xf32, #tpu.memory_space<vmem>>, vector<16xf32>,
          tpu.vector_store %arg10[%swap3A, %swap3A_119], %bitcast3A {strides = array<i32>} : memref<64x128xf32, #tpu.memory_space<vmem>>, vector<16xf32>,
          %swap3A_121 = arith.index_cast %scan3A_111 : i32 to index
          %swap3A_122 = arith.constant 16 : index
          %swap3A_123 = tpu.vector_load %arg10[%swap3A_121, %swap3A_122] {strides = array<i32>} : memref<64x128xf32, #tpu.memory_space<vmem>>, vector<16xf32>,
          tpu.vector_store %arg10[%swap3A_121, %swap3A_122], %bitcast3A_118 {strides = array<i32>} : memref<64x128xf32, #tpu.memory_space<vmem>>, vector<16xf32>,
          %get3A_124 = arith.index_cast %scan3A_111 : i32 to index
          %get3A_125 = arith.constant 16 : index
          %get3A_126 = tpu.vector_load %arg8[%get3A_124, %get3A_125] {strides = array<i32>} : memref<64x64xi32, #tpu.memory_space<vmem>>, vector<16xi32>,
          %shift_left3A_127 = arith.constant 16 : i32
          %shift_left3A_128 = vector.broadcast %shift_left3A_127 : i32 to vector<16xi32>
          %shift_left3A_129 = arith.shli %get3A_126, %shift_left3A_128 : vector<16xi32>
          %bitcast3A_130 = vector.bitcast %shift_left3A_129 : vector<16xi32> to vector<16xf32>
          %and3A_131 = arith.constant -65536 : i32
          %and3A_132 = vector.broadcast %and3A_131 : i32 to vector<16xi32>
          %and3A_133 = arith.andi %get3A_126, %and3A_132 : vector<16xi32>
          %bitcast3A_134 = vector.bitcast %and3A_133 : vector<16xi32> to vector<16xf32>
          %swap3A_135 = arith.index_cast %scan3A_111 : i32 to index
          %swap3A_136 = arith.constant 32 : index
          %swap3A_137 = tpu.vector_load %arg10[%swap3A_135, %swap3A_136] {strides = array<i32>} : memref<64x128xf32, #tpu.memory_space<vmem>>, vector<16xf32>,
          tpu.vector_store %arg10[%swap3A_135, %swap3A_136], %bitcast3A_130 {strides = array<i32>} : memref<64x128xf32, #tpu.memory_space<vmem>>, vector<16xf32>,
          %swap3A_138 = arith.index_cast %scan3A_111 : i32 to index
          %swap3A_139 = arith.constant 48 : index
          %swap3A_140 = tpu.vector_load %arg10[%swap3A_138, %swap3A_139] {strides = array<i32>} : memref<64x128xf32, #tpu.memory_space<vmem>>, vector<16xf32>,
          tpu.vector_store %arg10[%swap3A_138, %swap3A_139], %bitcast3A_134 {strides = array<i32>} : memref<64x128xf32, #tpu.memory_space<vmem>>, vector<16xf32>,
          %get3A_141 = arith.index_cast %scan3A_111 : i32 to index
          %get3A_142 = arith.constant 32 : index
          %get3A_143 = tpu.vector_load %arg8[%get3A_141, %get3A_142] {strides = array<i32>} : memref<64x64xi32, #tpu.memory_space<vmem>>, vector<16xi32>,
          %shift_left3A_144 = arith.constant 16 : i32
          %shift_left3A_145 = vector.broadcast %shift_left3A_144 : i32 to vector<16xi32>
          %shift_left3A_146 = arith.shli %get3A_143, %shift_left3A_145 : vector<16xi32>
          %bitcast3A_147 = vector.bitcast %shift_left3A_146 : vector<16xi32> to vector<16xf32>
          %and3A_148 = arith.constant -65536 : i32
          %and3A_149 = vector.broadcast %and3A_148 : i32 to vector<16xi32>
          %and3A_150 = arith.andi %get3A_143, %and3A_149 : vector<16xi32>
          %bitcast3A_151 = vector.bitcast %and3A_150 : vector<16xi32> to vector<16xf32>
          %swap3A_152 = arith.index_cast %scan3A_111 : i32 to index
          %swap3A_153 = arith.constant 64 : index
          %swap3A_154 = tpu.vector_load %arg10[%swap3A_152, %swap3A_153] {strides = array<i32>} : memref<64x128xf32, #tpu.memory_space<vmem>>, vector<16xf32>,
          tpu.vector_store %arg10[%swap3A_152, %swap3A_153], %bitcast3A_147 {strides = array<i32>} : memref<64x128xf32, #tpu.memory_space<vmem>>, vector<16xf32>,
          %swap3A_155 = arith.index_cast %scan3A_111 : i32 to index
          %swap3A_156 = arith.constant 80 : index
          %swap3A_157 = tpu.vector_load %arg10[%swap3A_155, %swap3A_156] {strides = array<i32>} : memref<64x128xf32, #tpu.memory_space<vmem>>, vector<16xf32>,
          tpu.vector_store %arg10[%swap3A_155, %swap3A_156], %bitcast3A_151 {strides = array<i32>} : memref<64x128xf32, #tpu.memory_space<vmem>>, vector<16xf32>,
          %get3A_158 = arith.index_cast %scan3A_111 : i32 to index
          %get3A_159 = arith.constant 48 : index
          %get3A_160 = tpu.vector_load %arg8[%get3A_158, %get3A_159] {strides = array<i32>} : memref<64x64xi32, #tpu.memory_space<vmem>>, vector<16xi32>,
          %shift_left3A_161 = arith.constant 16 : i32
          %shift_left3A_162 = vector.broadcast %shift_left3A_161 : i32 to vector<16xi32>
          %shift_left3A_163 = arith.shli %get3A_160, %shift_left3A_162 : vector<16xi32>
          %bitcast3A_164 = vector.bitcast %shift_left3A_163 : vector<16xi32> to vector<16xf32>
          %and3A_165 = arith.constant -65536 : i32
          %and3A_166 = vector.broadcast %and3A_165 : i32 to vector<16xi32>
          %and3A_167 = arith.andi %get3A_160, %and3A_166 : vector<16xi32>
          %bitcast3A_168 = vector.bitcast %and3A_167 : vector<16xi32> to vector<16xf32>
          %swap3A_169 = arith.index_cast %scan3A_111 : i32 to index
          %swap3A_170 = arith.constant 96 : index
          %swap3A_171 = tpu.vector_load %arg10[%swap3A_169, %swap3A_170] {strides = array<i32>} : memref<64x128xf32, #tpu.memory_space<vmem>>, vector<16xf32>,
          tpu.vector_store %arg10[%swap3A_169, %swap3A_170], %bitcast3A_164 {strides = array<i32>} : memref<64x128xf32, #tpu.memory_space<vmem>>, vector<16xf32>,
          %swap3A_172 = arith.index_cast %scan3A_111 : i32 to index
          %swap3A_173 = arith.constant 112 : index
          %swap3A_174 = tpu.vector_load %arg10[%swap3A_172, %swap3A_173] {strides = array<i32>} : memref<64x128xf32, #tpu.memory_space<vmem>>, vector<16xf32>,
          tpu.vector_store %arg10[%swap3A_172, %swap3A_173], %bitcast3A_168 {strides = array<i32>} : memref<64x128xf32, #tpu.memory_space<vmem>>, vector<16xf32>,
        }
        %scan3A_101 = arith.constant 64 : i32
        %add3A_102 = arith.constant 1 : i32
        %add3A_103 = arith.addi %mul3A_46, %add3A_102 : i32
        %dma_start3A_104 = arith.constant 1 : i32
        %dma_start3A_105 = arith.constant 0 : i32
        %dma_start3A_106 = tpu.memref_slice %arg6[%add3A_103, %dma_start3A_104, %dma_start3A_105] : memref<80x2x64xi32, #tpu.memory_space<vmem>> -> memref<1x1x64xi32, #tpu.memory_space<vmem>>
        %dma_start3A_107 = tpu.memref_squeeze %dma_start3A_106 : memref<1x1x64xi32, #tpu.memory_space<vmem>> -> memref<64xi32, #tpu.memory_space<vmem>>
        %dma_start3A_108 = arith.constant 0 : i32
        %dma_start3A_109 = arith.constant 0 : i32
        %dma_start3A_110 = tpu.memref_slice %arg11[%dma_start3A_108, %dma_start3A_109] : memref<10112x128xf32, #tpu.memory_space<vmem_shared>> -> memref<10112x128xf32, #tpu.memory_space<vmem_shared>>
        tpu.enqueue_indirect_dma source(%arg10 : memref<64x128xf32, #tpu.memory_space<vmem>>) target(%dma_start3A_110 : memref<10112x128xf32, #tpu.memory_space<vmem_shared>>) offsets(%dma_start3A_107 : memref<64xi32, #tpu.memory_space<vmem>>) semaphore(%arg15 : memref<!tpu.dma_semaphore, #tpu.memory_space<semaphore_mem>>) {add = true}
      }
      %scan3A_28 = arith.constant 40 : i32
      %dma_wait3A = arith.constant 0 : i32
      %dma_wait3A_29 = arith.constant 1 : i32
      %dma_wait3A_30 = arith.constant 0 : i32
      %dma_wait3A_31 = tpu.memref_slice %arg6[%dma_wait3A, %dma_wait3A_29, %dma_wait3A_30] : memref<80x2x64xi32, #tpu.memory_space<vmem>> -> memref<1x1x64xi32, #tpu.memory_space<vmem>>
      %dma_wait3A_32 = tpu.memref_squeeze %dma_wait3A_31 : memref<1x1x64xi32, #tpu.memory_space<vmem>> -> memref<64xi32, #tpu.memory_space<vmem>>
      %dma_wait3A_33 = arith.constant 0 : i32
      %dma_wait3A_34 = arith.constant 0 : i32
      %dma_wait3A_35 = tpu.memref_slice %arg11[%dma_wait3A_33, %dma_wait3A_34] : memref<10112x128xf32, #tpu.memory_space<vmem_shared>> -> memref<10112x128xf32, #tpu.memory_space<vmem_shared>>
      tpu.wait_indirect_dma semaphore(%arg14 : memref<!tpu.dma_semaphore, #tpu.memory_space<semaphore_mem>>) src(%arg9 : memref<64x128xf32, #tpu.memory_space<vmem>>) dst(%dma_wait3A_35 : memref<10112x128xf32, #tpu.memory_space<vmem_shared>>)
      %dma_wait3A_36 = arith.constant 0 : i32
      %dma_wait3A_37 = arith.constant 1 : i32
      %dma_wait3A_38 = arith.constant 0 : i32
      %dma_wait3A_39 = tpu.memref_slice %arg6[%dma_wait3A_36, %dma_wait3A_37, %dma_wait3A_38] : memref<80x2x64xi32, #tpu.memory_space<vmem>> -> memref<1x1x64xi32, #tpu.memory_space<vmem>>
      %dma_wait3A_40 = tpu.memref_squeeze %dma_wait3A_39 : memref<1x1x64xi32, #tpu.memory_space<vmem>> -> memref<64xi32, #tpu.memory_space<vmem>>
      %dma_wait3A_41 = arith.constant 0 : i32
      %dma_wait3A_42 = arith.constant 0 : i32
      %dma_wait3A_43 = tpu.memref_slice %arg11[%dma_wait3A_41, %dma_wait3A_42] : memref<10112x128xf32, #tpu.memory_space<vmem_shared>> -> memref<10112x128xf32, #tpu.memory_space<vmem_shared>>
      tpu.wait_indirect_dma semaphore(%arg15 : memref<!tpu.dma_semaphore, #tpu.memory_space<semaphore_mem>>) src(%arg10 : memref<64x128xf32, #tpu.memory_space<vmem>>) dst(%dma_wait3A_43 : memref<10112x128xf32, #tpu.memory_space<vmem_shared>>)
    }
    %scan3A_7 = arith.constant 2 : i32
    %barrier3A_8 = arith.constant 0 : index
    tpu.barrier barrier_id(%barrier3A_8)
    %mul3A_9 = arith.constant 632 : i32
    %mul3A_10 = arith.muli %arg1, %mul3A_9 : i32
    %mul3A_11 = arith.constant 632 : i32
    %mul3A_12 = arith.muli %arg1, %mul3A_11 : i32
    "tpu.region"() ({
      %run_scoped3A = tpu.sem_alloc : memref<!tpu.dma_semaphore, #tpu.memory_space<semaphore_mem>>
      %dma_start3A = arith.constant 0 : i32
      %dma_start3A_13 = tpu.memref_slice %arg5[%arg0, %mul3A_12, %dma_start3A] : memref<2x10112x128xf32, #tpu.memory_space<hbm>> -> memref<1x632x128xf32, #tpu.memory_space<hbm>>
      %dma_start3A_14 = tpu.memref_squeeze %dma_start3A_13 : memref<1x632x128xf32, #tpu.memory_space<hbm>> -> memref<632x128xf32, #tpu.memory_space<hbm>>
      %dma_start3A_15 = arith.constant 0 : i32
      %dma_start3A_16 = tpu.memref_slice %arg11[%mul3A_10, %dma_start3A_15] : memref<10112x128xf32, #tpu.memory_space<vmem_shared>> -> memref<632x128xf32, #tpu.memory_space<vmem_shared>>
      tpu.enqueue_dma source(%dma_start3A_16 : memref<632x128xf32, #tpu.memory_space<vmem_shared>>) target(%dma_start3A_14 : memref<632x128xf32, #tpu.memory_space<hbm>>) target_semaphore(%run_scoped3A : memref<!tpu.dma_semaphore, #tpu.memory_space<semaphore_mem>>)
      %dma_wait3A = arith.constant 0 : i32
      %dma_wait3A_17 = tpu.memref_slice %arg5[%arg0, %mul3A_12, %dma_wait3A] : memref<2x10112x128xf32, #tpu.memory_space<hbm>> -> memref<1x632x128xf32, #tpu.memory_space<hbm>>
      %dma_wait3A_18 = tpu.memref_squeeze %dma_wait3A_17 : memref<1x632x128xf32, #tpu.memory_space<hbm>> -> memref<632x128xf32, #tpu.memory_space<hbm>>
      %dma_wait3A_19 = arith.constant 0 : i32
      %dma_wait3A_20 = tpu.memref_slice %arg11[%mul3A_10, %dma_wait3A_19] : memref<10112x128xf32, #tpu.memory_space<vmem_shared>> -> memref<632x128xf32, #tpu.memory_space<vmem_shared>>
      tpu.wait_dma2 semaphore(%run_scoped3A : memref<!tpu.dma_semaphore, #tpu.memory_space<semaphore_mem>>) src(%dma_wait3A_20 : memref<632x128xf32, #tpu.memory_space<vmem_shared>>) dst(%dma_wait3A_18 : memref<632x128xf32, #tpu.memory_space<hbm>>)
      tpu.yield
    }) : () -> ()
    return
  }
}

#map = affine_map<(d0, d1) -> (0, 0)>
#map1 = affine_map<(d0, d1) -> (0, 0, 0, 0)>
#map2 = affine_map<(d0, d1) -> (0, 0, 0)>
module attributes {stable_mosaic.version = 14 : i64} {
  func.func @_agg_kernel(%arg0: i32, %arg1: i32, %arg2: memref<10112x64xi32, #tpu.memory_space<hbm>>, %arg3: memref<32x160x2x64xi32, #tpu.memory_space<hbm>>, %arg4: memref<632x128xf32, #tpu.memory_space<hbm>>, %arg5: memref<2x10112x128xf32, #tpu.memory_space<hbm>>, %arg6: memref<80x2x64xi32, #tpu.memory_space<vmem>>, %arg7: memref<64x64xi32, #tpu.memory_space<vmem>>, %arg8: memref<64x64xi32, #tpu.memory_space<vmem>>, %arg9: memref<64x128xf32, #tpu.memory_space<vmem>>, %arg10: memref<64x128xf32, #tpu.memory_space<vmem>>, %arg11: memref<10112x128xf32, #tpu.memory_space<vmem_shared>>, %arg12: memref<!tpu.dma_semaphore, #tpu.memory_space<semaphore_mem>>, %arg13: memref<!tpu.dma_semaphore, #tpu.memory_space<semaphore_mem>>, %arg14: memref<!tpu.dma_semaphore, #tpu.memory_space<semaphore_mem>>, %arg15: memref<!tpu.dma_semaphore, #tpu.memory_space<semaphore_mem>>) attributes {dimension_semantics = [#tpu.dimension_semantics<core_parallel>, #tpu.dimension_semantics<subcore_parallel>], iteration_bounds = array<i64: 2, 16>, scalar_prefetch = 0 : i64, scratch_operands = 10 : i64, tpu.core_type = #tpu.core_type<sc_vector_subcore>, window_params = [{transform_indices = #map}, {transform_indices = #map1}, {transform_indices = #map}, {transform_indices = #map2}]} {
    %mul3A = arith.constant 16 : i32
    %mul3A_0 = arith.muli %arg0, %mul3A : i32
    %add3A = arith.addi %mul3A_0, %arg1 : i32
    %mul3A_1 = arith.constant 632 : i32
    %mul3A_2 = arith.muli %arg1, %mul3A_1 : i32
    "tpu.region"() ({
      %run_scoped3A = tpu.sem_alloc : memref<!tpu.dma_semaphore, #tpu.memory_space<semaphore_mem>>
      %dma_start3A = arith.constant 0 : i32
      %dma_start3A_13 = tpu.memref_slice %arg11[%mul3A_2, %dma_start3A] : memref<10112x128xf32, #tpu.memory_space<vmem_shared>> -> memref<632x128xf32, #tpu.memory_space<vmem_shared>>
      tpu.enqueue_dma source(%arg4 : memref<632x128xf32, #tpu.memory_space<hbm>>) target(%dma_start3A_13 : memref<632x128xf32, #tpu.memory_space<vmem_shared>>) target_semaphore(%run_scoped3A : memref<!tpu.dma_semaphore, #tpu.memory_space<semaphore_mem>>)
      %dma_wait3A = arith.constant 0 : i32
      %dma_wait3A_14 = tpu.memref_slice %arg11[%mul3A_2, %dma_wait3A] : memref<10112x128xf32, #tpu.memory_space<vmem_shared>> -> memref<632x128xf32, #tpu.memory_space<vmem_shared>>
      tpu.wait_dma2 semaphore(%run_scoped3A : memref<!tpu.dma_semaphore, #tpu.memory_space<semaphore_mem>>) src(%arg4 : memref<632x128xf32, #tpu.memory_space<hbm>>) dst(%dma_wait3A_14 : memref<632x128xf32, #tpu.memory_space<vmem_shared>>)
      tpu.yield
    }) : () -> ()
    %barrier3A = arith.constant 0 : index
    tpu.barrier barrier_id(%barrier3A)
    %scan3A = arith.constant 0 : i32
    %scan3A_3 = arith.constant 0 : i32
    %scan3A_4 = arith.constant 2 : i32
    %scan3A_5 = arith.addi %scan3A_3, %scan3A_4 : i32
    %scan3A_6 = arith.constant 1 : i32
    scf.for %scan3A_13 = %scan3A_3 to %scan3A_5 step %scan3A_6  : i32 {
      %mul3A_14 = arith.constant 80 : i32
      %mul3A_15 = arith.muli %scan3A_13, %mul3A_14 : i32
      "tpu.region"() ({
        %run_scoped3A = tpu.sem_alloc : memref<!tpu.dma_semaphore, #tpu.memory_space<semaphore_mem>>
        %dma_start3A_44 = arith.constant 0 : i32
        %dma_start3A_45 = arith.constant 0 : i32
        %dma_start3A_46 = tpu.memref_slice %arg3[%add3A, %mul3A_15, %dma_start3A_44, %dma_start3A_45] : memref<32x160x2x64xi32, #tpu.memory_space<hbm>> -> memref<1x80x2x64xi32, #tpu.memory_space<hbm>>
        %dma_start3A_47 = tpu.memref_squeeze %dma_start3A_46 : memref<1x80x2x64xi32, #tpu.memory_space<hbm>> -> memref<80x2x64xi32, #tpu.memory_space<hbm>>
        %dma_start3A_48 = arith.constant 0 : i32
        %dma_start3A_49 = arith.constant 0 : i32
        %dma_start3A_50 = tpu.memref_slice %arg3[%add3A, %mul3A_15, %dma_start3A_48, %dma_start3A_49] : memref<32x160x2x64xi32, #tpu.memory_space<hbm>> -> memref<1x80x2x64xi32, #tpu.memory_space<hbm>>
        %dma_start3A_51 = tpu.memref_squeeze %dma_start3A_50 : memref<1x80x2x64xi32, #tpu.memory_space<hbm>> -> memref<80x2x64xi32, #tpu.memory_space<hbm>>
        tpu.enqueue_dma source(%dma_start3A_51 : memref<80x2x64xi32, #tpu.memory_space<hbm>>) target(%arg6 : memref<80x2x64xi32, #tpu.memory_space<vmem>>) target_semaphore(%run_scoped3A : memref<!tpu.dma_semaphore, #tpu.memory_space<semaphore_mem>>)
        %dma_wait3A_52 = arith.constant 0 : i32
        %dma_wait3A_53 = arith.constant 0 : i32
        %dma_wait3A_54 = tpu.memref_slice %arg3[%add3A, %mul3A_15, %dma_wait3A_52, %dma_wait3A_53] : memref<32x160x2x64xi32, #tpu.memory_space<hbm>> -> memref<1x80x2x64xi32, #tpu.memory_space<hbm>>
        %dma_wait3A_55 = tpu.memref_squeeze %dma_wait3A_54 : memref<1x80x2x64xi32, #tpu.memory_space<hbm>> -> memref<80x2x64xi32, #tpu.memory_space<hbm>>
        %dma_wait3A_56 = arith.constant 0 : i32
        %dma_wait3A_57 = arith.constant 0 : i32
        %dma_wait3A_58 = tpu.memref_slice %arg3[%add3A, %mul3A_15, %dma_wait3A_56, %dma_wait3A_57] : memref<32x160x2x64xi32, #tpu.memory_space<hbm>> -> memref<1x80x2x64xi32, #tpu.memory_space<hbm>>
        %dma_wait3A_59 = tpu.memref_squeeze %dma_wait3A_58 : memref<1x80x2x64xi32, #tpu.memory_space<hbm>> -> memref<80x2x64xi32, #tpu.memory_space<hbm>>
        tpu.wait_dma2 semaphore(%run_scoped3A : memref<!tpu.dma_semaphore, #tpu.memory_space<semaphore_mem>>) src(%dma_wait3A_59 : memref<80x2x64xi32, #tpu.memory_space<hbm>>) dst(%arg6 : memref<80x2x64xi32, #tpu.memory_space<vmem>>)
        tpu.yield
      }) : () -> ()
      %dma_start3A = arith.constant 0 : i32
      %dma_start3A_16 = arith.constant 0 : i32
      %dma_start3A_17 = arith.constant 0 : i32
      %dma_start3A_18 = tpu.memref_slice %arg6[%dma_start3A, %dma_start3A_16, %dma_start3A_17] : memref<80x2x64xi32, #tpu.memory_space<vmem>> -> memref<1x1x64xi32, #tpu.memory_space<vmem>>
      %dma_start3A_19 = tpu.memref_squeeze %dma_start3A_18 : memref<1x1x64xi32, #tpu.memory_space<vmem>> -> memref<64xi32, #tpu.memory_space<vmem>>
      %dma_start3A_20 = arith.constant 0 : i32
      %dma_start3A_21 = arith.constant 0 : i32
      %dma_start3A_22 = tpu.memref_slice %arg2[%dma_start3A_20, %dma_start3A_21] : memref<10112x64xi32, #tpu.memory_space<hbm>> -> memref<10112x64xi32, #tpu.memory_space<hbm>>
      tpu.enqueue_indirect_dma source(%dma_start3A_22 : memref<10112x64xi32, #tpu.memory_space<hbm>>) target(%arg7 : memref<64x64xi32, #tpu.memory_space<vmem>>) offsets(%dma_start3A_19 : memref<64xi32, #tpu.memory_space<vmem>>) semaphore(%arg12 : memref<!tpu.dma_semaphore, #tpu.memory_space<semaphore_mem>>)
      %scan3A_23 = arith.constant 0 : i32
      %scan3A_24 = arith.constant 0 : i32
      %scan3A_25 = arith.constant 40 : i32
      %scan3A_26 = arith.addi %scan3A_24, %scan3A_25 : i32
      %scan3A_27 = arith.constant 1 : i32
      scf.for %scan3A_44 = %scan3A_24 to %scan3A_26 step %scan3A_27  : i32 {
        %mul3A_45 = arith.constant 2 : i32
        %mul3A_46 = arith.muli %mul3A_45, %scan3A_44 : i32
        %dma_wait3A_47 = arith.constant 0 : i32
        %dma_wait3A_48 = arith.constant 0 : i32
        %dma_wait3A_49 = arith.constant 0 : i32
        %dma_wait3A_50 = tpu.memref_slice %arg6[%dma_wait3A_47, %dma_wait3A_48, %dma_wait3A_49] : memref<80x2x64xi32, #tpu.memory_space<vmem>> -> memref<1x1x64xi32, #tpu.memory_space<vmem>>
        %dma_wait3A_51 = tpu.memref_squeeze %dma_wait3A_50 : memref<1x1x64xi32, #tpu.memory_space<vmem>> -> memref<64xi32, #tpu.memory_space<vmem>>
        %dma_wait3A_52 = arith.constant 0 : i32
        %dma_wait3A_53 = arith.constant 0 : i32
        %dma_wait3A_54 = tpu.memref_slice %arg2[%dma_wait3A_52, %dma_wait3A_53] : memref<10112x64xi32, #tpu.memory_space<hbm>> -> memref<10112x64xi32, #tpu.memory_space<hbm>>
        tpu.wait_indirect_dma semaphore(%arg12 : memref<!tpu.dma_semaphore, #tpu.memory_space<semaphore_mem>>) src(%dma_wait3A_54 : memref<10112x64xi32, #tpu.memory_space<hbm>>) dst(%arg7 : memref<64x64xi32, #tpu.memory_space<vmem>>)
        %add3A_55 = arith.constant 1 : i32
        %add3A_56 = arith.addi %mul3A_46, %add3A_55 : i32
        %dma_start3A_57 = arith.constant 0 : i32
        %dma_start3A_58 = arith.constant 0 : i32
        %dma_start3A_59 = tpu.memref_slice %arg6[%add3A_56, %dma_start3A_57, %dma_start3A_58] : memref<80x2x64xi32, #tpu.memory_space<vmem>> -> memref<1x1x64xi32, #tpu.memory_space<vmem>>
        %dma_start3A_60 = tpu.memref_squeeze %dma_start3A_59 : memref<1x1x64xi32, #tpu.memory_space<vmem>> -> memref<64xi32, #tpu.memory_space<vmem>>
        %dma_start3A_61 = arith.constant 0 : i32
        %dma_start3A_62 = arith.constant 0 : i32
        %dma_start3A_63 = tpu.memref_slice %arg2[%dma_start3A_61, %dma_start3A_62] : memref<10112x64xi32, #tpu.memory_space<hbm>> -> memref<10112x64xi32, #tpu.memory_space<hbm>>
        tpu.enqueue_indirect_dma source(%dma_start3A_63 : memref<10112x64xi32, #tpu.memory_space<hbm>>) target(%arg8 : memref<64x64xi32, #tpu.memory_space<vmem>>) offsets(%dma_start3A_60 : memref<64xi32, #tpu.memory_space<vmem>>) semaphore(%arg13 : memref<!tpu.dma_semaphore, #tpu.memory_space<semaphore_mem>>)
        %gt3A = arith.constant 0 : i32
        %gt3A_64 = arith.cmpi sgt, %scan3A_44, %gt3A : i32
        %convert_element_type3A = arith.extui %gt3A_64 : i1 to i32
        %cond3A = arith.constant 0 : i32
        %cond3A_65 = arith.cmpi ne, %convert_element_type3A, %cond3A : i32
        scf.if %cond3A_65 {
          %dma_wait3A_111 = arith.constant 0 : i32
          %dma_wait3A_112 = arith.constant 1 : i32
          %dma_wait3A_113 = arith.constant 0 : i32
          %dma_wait3A_114 = tpu.memref_slice %arg6[%dma_wait3A_111, %dma_wait3A_112, %dma_wait3A_113] : memref<80x2x64xi32, #tpu.memory_space<vmem>> -> memref<1x1x64xi32, #tpu.memory_space<vmem>>
          %dma_wait3A_115 = tpu.memref_squeeze %dma_wait3A_114 : memref<1x1x64xi32, #tpu.memory_space<vmem>> -> memref<64xi32, #tpu.memory_space<vmem>>
          %dma_wait3A_116 = arith.constant 0 : i32
          %dma_wait3A_117 = arith.constant 0 : i32
          %dma_wait3A_118 = tpu.memref_slice %arg11[%dma_wait3A_116, %dma_wait3A_117] : memref<10112x128xf32, #tpu.memory_space<vmem_shared>> -> memref<10112x128xf32, #tpu.memory_space<vmem_shared>>
          tpu.wait_indirect_dma semaphore(%arg14 : memref<!tpu.dma_semaphore, #tpu.memory_space<semaphore_mem>>) src(%arg9 : memref<64x128xf32, #tpu.memory_space<vmem>>) dst(%dma_wait3A_118 : memref<10112x128xf32, #tpu.memory_space<vmem_shared>>)
        } else {
        }
        %scan3A_66 = arith.constant 0 : i32
        %scan3A_67 = arith.constant 0 : i32
        %scan3A_68 = arith.constant 64 : i32
        %scan3A_69 = arith.addi %scan3A_67, %scan3A_68 : i32
        %scan3A_70 = arith.constant 1 : i32
        scf.for %scan3A_111 = %scan3A_67 to %scan3A_69 step %scan3A_70  : i32 {
          %get3A = arith.index_cast %scan3A_111 : i32 to index
          %get3A_112 = arith.constant 0 : index
          %get3A_113 = tpu.vector_load %arg7[%get3A, %get3A_112] {strides = array<i32>} : memref<64x64xi32, #tpu.memory_space<vmem>>, vector<16xi32>,
          %shift_left3A = arith.constant 16 : i32
          %shift_left3A_114 = vector.broadcast %shift_left3A : i32 to vector<16xi32>
          %shift_left3A_115 = arith.shli %get3A_113, %shift_left3A_114 : vector<16xi32>
          %bitcast3A = vector.bitcast %shift_left3A_115 : vector<16xi32> to vector<16xf32>
          %and3A = arith.constant -65536 : i32
          %and3A_116 = vector.broadcast %and3A : i32 to vector<16xi32>
          %and3A_117 = arith.andi %get3A_113, %and3A_116 : vector<16xi32>
          %bitcast3A_118 = vector.bitcast %and3A_117 : vector<16xi32> to vector<16xf32>
          %swap3A = arith.index_cast %scan3A_111 : i32 to index
          %swap3A_119 = arith.constant 0 : index
          %swap3A_120 = tpu.vector_load %arg9[%swap3A, %swap3A_119] {strides = array<i32>} : memref<64x128xf32, #tpu.memory_space<vmem>>, vector<16xf32>,
          tpu.vector_store %arg9[%swap3A, %swap3A_119], %bitcast3A {strides = array<i32>} : memref<64x128xf32, #tpu.memory_space<vmem>>, vector<16xf32>,
          %swap3A_121 = arith.index_cast %scan3A_111 : i32 to index
          %swap3A_122 = arith.constant 16 : index
          %swap3A_123 = tpu.vector_load %arg9[%swap3A_121, %swap3A_122] {strides = array<i32>} : memref<64x128xf32, #tpu.memory_space<vmem>>, vector<16xf32>,
          tpu.vector_store %arg9[%swap3A_121, %swap3A_122], %bitcast3A_118 {strides = array<i32>} : memref<64x128xf32, #tpu.memory_space<vmem>>, vector<16xf32>,
          %get3A_124 = arith.index_cast %scan3A_111 : i32 to index
          %get3A_125 = arith.constant 16 : index
          %get3A_126 = tpu.vector_load %arg7[%get3A_124, %get3A_125] {strides = array<i32>} : memref<64x64xi32, #tpu.memory_space<vmem>>, vector<16xi32>,
          %shift_left3A_127 = arith.constant 16 : i32
          %shift_left3A_128 = vector.broadcast %shift_left3A_127 : i32 to vector<16xi32>
          %shift_left3A_129 = arith.shli %get3A_126, %shift_left3A_128 : vector<16xi32>
          %bitcast3A_130 = vector.bitcast %shift_left3A_129 : vector<16xi32> to vector<16xf32>
          %and3A_131 = arith.constant -65536 : i32
          %and3A_132 = vector.broadcast %and3A_131 : i32 to vector<16xi32>
          %and3A_133 = arith.andi %get3A_126, %and3A_132 : vector<16xi32>
          %bitcast3A_134 = vector.bitcast %and3A_133 : vector<16xi32> to vector<16xf32>
          %swap3A_135 = arith.index_cast %scan3A_111 : i32 to index
          %swap3A_136 = arith.constant 32 : index
          %swap3A_137 = tpu.vector_load %arg9[%swap3A_135, %swap3A_136] {strides = array<i32>} : memref<64x128xf32, #tpu.memory_space<vmem>>, vector<16xf32>,
          tpu.vector_store %arg9[%swap3A_135, %swap3A_136], %bitcast3A_130 {strides = array<i32>} : memref<64x128xf32, #tpu.memory_space<vmem>>, vector<16xf32>,
          %swap3A_138 = arith.index_cast %scan3A_111 : i32 to index
          %swap3A_139 = arith.constant 48 : index
          %swap3A_140 = tpu.vector_load %arg9[%swap3A_138, %swap3A_139] {strides = array<i32>} : memref<64x128xf32, #tpu.memory_space<vmem>>, vector<16xf32>,
          tpu.vector_store %arg9[%swap3A_138, %swap3A_139], %bitcast3A_134 {strides = array<i32>} : memref<64x128xf32, #tpu.memory_space<vmem>>, vector<16xf32>,
          %get3A_141 = arith.index_cast %scan3A_111 : i32 to index
          %get3A_142 = arith.constant 32 : index
          %get3A_143 = tpu.vector_load %arg7[%get3A_141, %get3A_142] {strides = array<i32>} : memref<64x64xi32, #tpu.memory_space<vmem>>, vector<16xi32>,
          %shift_left3A_144 = arith.constant 16 : i32
          %shift_left3A_145 = vector.broadcast %shift_left3A_144 : i32 to vector<16xi32>
          %shift_left3A_146 = arith.shli %get3A_143, %shift_left3A_145 : vector<16xi32>
          %bitcast3A_147 = vector.bitcast %shift_left3A_146 : vector<16xi32> to vector<16xf32>
          %and3A_148 = arith.constant -65536 : i32
          %and3A_149 = vector.broadcast %and3A_148 : i32 to vector<16xi32>
          %and3A_150 = arith.andi %get3A_143, %and3A_149 : vector<16xi32>
          %bitcast3A_151 = vector.bitcast %and3A_150 : vector<16xi32> to vector<16xf32>
          %swap3A_152 = arith.index_cast %scan3A_111 : i32 to index
          %swap3A_153 = arith.constant 64 : index
          %swap3A_154 = tpu.vector_load %arg9[%swap3A_152, %swap3A_153] {strides = array<i32>} : memref<64x128xf32, #tpu.memory_space<vmem>>, vector<16xf32>,
          tpu.vector_store %arg9[%swap3A_152, %swap3A_153], %bitcast3A_147 {strides = array<i32>} : memref<64x128xf32, #tpu.memory_space<vmem>>, vector<16xf32>,
          %swap3A_155 = arith.index_cast %scan3A_111 : i32 to index
          %swap3A_156 = arith.constant 80 : index
          %swap3A_157 = tpu.vector_load %arg9[%swap3A_155, %swap3A_156] {strides = array<i32>} : memref<64x128xf32, #tpu.memory_space<vmem>>, vector<16xf32>,
          tpu.vector_store %arg9[%swap3A_155, %swap3A_156], %bitcast3A_151 {strides = array<i32>} : memref<64x128xf32, #tpu.memory_space<vmem>>, vector<16xf32>,
          %get3A_158 = arith.index_cast %scan3A_111 : i32 to index
          %get3A_159 = arith.constant 48 : index
          %get3A_160 = tpu.vector_load %arg7[%get3A_158, %get3A_159] {strides = array<i32>} : memref<64x64xi32, #tpu.memory_space<vmem>>, vector<16xi32>,
          %shift_left3A_161 = arith.constant 16 : i32
          %shift_left3A_162 = vector.broadcast %shift_left3A_161 : i32 to vector<16xi32>
          %shift_left3A_163 = arith.shli %get3A_160, %shift_left3A_162 : vector<16xi32>
          %bitcast3A_164 = vector.bitcast %shift_left3A_163 : vector<16xi32> to vector<16xf32>
          %and3A_165 = arith.constant -65536 : i32
          %and3A_166 = vector.broadcast %and3A_165 : i32 to vector<16xi32>
          %and3A_167 = arith.andi %get3A_160, %and3A_166 : vector<16xi32>
          %bitcast3A_168 = vector.bitcast %and3A_167 : vector<16xi32> to vector<16xf32>
          %swap3A_169 = arith.index_cast %scan3A_111 : i32 to index
          %swap3A_170 = arith.constant 96 : index
          %swap3A_171 = tpu.vector_load %arg9[%swap3A_169, %swap3A_170] {strides = array<i32>} : memref<64x128xf32, #tpu.memory_space<vmem>>, vector<16xf32>,
          tpu.vector_store %arg9[%swap3A_169, %swap3A_170], %bitcast3A_164 {strides = array<i32>} : memref<64x128xf32, #tpu.memory_space<vmem>>, vector<16xf32>,
          %swap3A_172 = arith.index_cast %scan3A_111 : i32 to index
          %swap3A_173 = arith.constant 112 : index
          %swap3A_174 = tpu.vector_load %arg9[%swap3A_172, %swap3A_173] {strides = array<i32>} : memref<64x128xf32, #tpu.memory_space<vmem>>, vector<16xf32>,
          tpu.vector_store %arg9[%swap3A_172, %swap3A_173], %bitcast3A_168 {strides = array<i32>} : memref<64x128xf32, #tpu.memory_space<vmem>>, vector<16xf32>,
        }
        %scan3A_71 = arith.constant 64 : i32
        %dma_start3A_72 = arith.constant 1 : i32
        %dma_start3A_73 = arith.constant 0 : i32
        %dma_start3A_74 = tpu.memref_slice %arg6[%mul3A_46, %dma_start3A_72, %dma_start3A_73] : memref<80x2x64xi32, #tpu.memory_space<vmem>> -> memref<1x1x64xi32, #tpu.memory_space<vmem>>
        %dma_start3A_75 = tpu.memref_squeeze %dma_start3A_74 : memref<1x1x64xi32, #tpu.memory_space<vmem>> -> memref<64xi32, #tpu.memory_space<vmem>>
        %dma_start3A_76 = arith.constant 0 : i32
        %dma_start3A_77 = arith.constant 0 : i32
        %dma_start3A_78 = tpu.memref_slice %arg11[%dma_start3A_76, %dma_start3A_77] : memref<10112x128xf32, #tpu.memory_space<vmem_shared>> -> memref<10112x128xf32, #tpu.memory_space<vmem_shared>>
        tpu.enqueue_indirect_dma source(%arg9 : memref<64x128xf32, #tpu.memory_space<vmem>>) target(%dma_start3A_78 : memref<10112x128xf32, #tpu.memory_space<vmem_shared>>) offsets(%dma_start3A_75 : memref<64xi32, #tpu.memory_space<vmem>>) semaphore(%arg14 : memref<!tpu.dma_semaphore, #tpu.memory_space<semaphore_mem>>) {add = true}
        %dma_wait3A_79 = arith.constant 0 : i32
        %dma_wait3A_80 = arith.constant 0 : i32
        %dma_wait3A_81 = arith.constant 0 : i32
        %dma_wait3A_82 = tpu.memref_slice %arg6[%dma_wait3A_79, %dma_wait3A_80, %dma_wait3A_81] : memref<80x2x64xi32, #tpu.memory_space<vmem>> -> memref<1x1x64xi32, #tpu.memory_space<vmem>>
        %dma_wait3A_83 = tpu.memref_squeeze %dma_wait3A_82 : memref<1x1x64xi32, #tpu.memory_space<vmem>> -> memref<64xi32, #tpu.memory_space<vmem>>
        %dma_wait3A_84 = arith.constant 0 : i32
        %dma_wait3A_85 = arith.constant 0 : i32
        %dma_wait3A_86 = tpu.memref_slice %arg2[%dma_wait3A_84, %dma_wait3A_85] : memref<10112x64xi32, #tpu.memory_space<hbm>> -> memref<10112x64xi32, #tpu.memory_space<hbm>>
        tpu.wait_indirect_dma semaphore(%arg13 : memref<!tpu.dma_semaphore, #tpu.memory_space<semaphore_mem>>) src(%dma_wait3A_86 : memref<10112x64xi32, #tpu.memory_space<hbm>>) dst(%arg8 : memref<64x64xi32, #tpu.memory_space<vmem>>)
        %lt3A = arith.constant 39 : i32
        %lt3A_87 = arith.cmpi slt, %scan3A_44, %lt3A : i32
        %convert_element_type3A_88 = arith.extui %lt3A_87 : i1 to i32
        %cond3A_89 = arith.constant 0 : i32
        %cond3A_90 = arith.cmpi ne, %convert_element_type3A_88, %cond3A_89 : i32
        scf.if %cond3A_90 {
          %add3A_111 = arith.constant 2 : i32
          %add3A_112 = arith.addi %mul3A_46, %add3A_111 : i32
          %dma_start3A_113 = arith.constant 0 : i32
          %dma_start3A_114 = arith.constant 0 : i32
          %dma_start3A_115 = tpu.memref_slice %arg6[%add3A_112, %dma_start3A_113, %dma_start3A_114] : memref<80x2x64xi32, #tpu.memory_space<vmem>> -> memref<1x1x64xi32, #tpu.memory_space<vmem>>
          %dma_start3A_116 = tpu.memref_squeeze %dma_start3A_115 : memref<1x1x64xi32, #tpu.memory_space<vmem>> -> memref<64xi32, #tpu.memory_space<vmem>>
          %dma_start3A_117 = arith.constant 0 : i32
          %dma_start3A_118 = arith.constant 0 : i32
          %dma_start3A_119 = tpu.memref_slice %arg2[%dma_start3A_117, %dma_start3A_118] : memref<10112x64xi32, #tpu.memory_space<hbm>> -> memref<10112x64xi32, #tpu.memory_space<hbm>>
          tpu.enqueue_indirect_dma source(%dma_start3A_119 : memref<10112x64xi32, #tpu.memory_space<hbm>>) target(%arg7 : memref<64x64xi32, #tpu.memory_space<vmem>>) offsets(%dma_start3A_116 : memref<64xi32, #tpu.memory_space<vmem>>) semaphore(%arg12 : memref<!tpu.dma_semaphore, #tpu.memory_space<semaphore_mem>>)
        } else {
        }
        %gt3A_91 = arith.constant 0 : i32
        %gt3A_92 = arith.cmpi sgt, %scan3A_44, %gt3A_91 : i32
        %convert_element_type3A_93 = arith.extui %gt3A_92 : i1 to i32
        %cond3A_94 = arith.constant 0 : i32
        %cond3A_95 = arith.cmpi ne, %convert_element_type3A_93, %cond3A_94 : i32
        scf.if %cond3A_95 {
          %dma_wait3A_111 = arith.constant 0 : i32
          %dma_wait3A_112 = arith.constant 1 : i32
          %dma_wait3A_113 = arith.constant 0 : i32
          %dma_wait3A_114 = tpu.memref_slice %arg6[%dma_wait3A_111, %dma_wait3A_112, %dma_wait3A_113] : memref<80x2x64xi32, #tpu.memory_space<vmem>> -> memref<1x1x64xi32, #tpu.memory_space<vmem>>
          %dma_wait3A_115 = tpu.memref_squeeze %dma_wait3A_114 : memref<1x1x64xi32, #tpu.memory_space<vmem>> -> memref<64xi32, #tpu.memory_space<vmem>>
          %dma_wait3A_116 = arith.constant 0 : i32
          %dma_wait3A_117 = arith.constant 0 : i32
          %dma_wait3A_118 = tpu.memref_slice %arg11[%dma_wait3A_116, %dma_wait3A_117] : memref<10112x128xf32, #tpu.memory_space<vmem_shared>> -> memref<10112x128xf32, #tpu.memory_space<vmem_shared>>
          tpu.wait_indirect_dma semaphore(%arg15 : memref<!tpu.dma_semaphore, #tpu.memory_space<semaphore_mem>>) src(%arg10 : memref<64x128xf32, #tpu.memory_space<vmem>>) dst(%dma_wait3A_118 : memref<10112x128xf32, #tpu.memory_space<vmem_shared>>)
        } else {
        }
        %scan3A_96 = arith.constant 0 : i32
        %scan3A_97 = arith.constant 0 : i32
        %scan3A_98 = arith.constant 64 : i32
        %scan3A_99 = arith.addi %scan3A_97, %scan3A_98 : i32
        %scan3A_100 = arith.constant 1 : i32
        scf.for %scan3A_111 = %scan3A_97 to %scan3A_99 step %scan3A_100  : i32 {
          %get3A = arith.index_cast %scan3A_111 : i32 to index
          %get3A_112 = arith.constant 0 : index
          %get3A_113 = tpu.vector_load %arg8[%get3A, %get3A_112] {strides = array<i32>} : memref<64x64xi32, #tpu.memory_space<vmem>>, vector<16xi32>,
          %shift_left3A = arith.constant 16 : i32
          %shift_left3A_114 = vector.broadcast %shift_left3A : i32 to vector<16xi32>
          %shift_left3A_115 = arith.shli %get3A_113, %shift_left3A_114 : vector<16xi32>
          %bitcast3A = vector.bitcast %shift_left3A_115 : vector<16xi32> to vector<16xf32>
          %and3A = arith.constant -65536 : i32
          %and3A_116 = vector.broadcast %and3A : i32 to vector<16xi32>
          %and3A_117 = arith.andi %get3A_113, %and3A_116 : vector<16xi32>
          %bitcast3A_118 = vector.bitcast %and3A_117 : vector<16xi32> to vector<16xf32>
          %swap3A = arith.index_cast %scan3A_111 : i32 to index
          %swap3A_119 = arith.constant 0 : index
          %swap3A_120 = tpu.vector_load %arg10[%swap3A, %swap3A_119] {strides = array<i32>} : memref<64x128xf32, #tpu.memory_space<vmem>>, vector<16xf32>,
          tpu.vector_store %arg10[%swap3A, %swap3A_119], %bitcast3A {strides = array<i32>} : memref<64x128xf32, #tpu.memory_space<vmem>>, vector<16xf32>,
          %swap3A_121 = arith.index_cast %scan3A_111 : i32 to index
          %swap3A_122 = arith.constant 16 : index
          %swap3A_123 = tpu.vector_load %arg10[%swap3A_121, %swap3A_122] {strides = array<i32>} : memref<64x128xf32, #tpu.memory_space<vmem>>, vector<16xf32>,
          tpu.vector_store %arg10[%swap3A_121, %swap3A_122], %bitcast3A_118 {strides = array<i32>} : memref<64x128xf32, #tpu.memory_space<vmem>>, vector<16xf32>,
          %get3A_124 = arith.index_cast %scan3A_111 : i32 to index
          %get3A_125 = arith.constant 16 : index
          %get3A_126 = tpu.vector_load %arg8[%get3A_124, %get3A_125] {strides = array<i32>} : memref<64x64xi32, #tpu.memory_space<vmem>>, vector<16xi32>,
          %shift_left3A_127 = arith.constant 16 : i32
          %shift_left3A_128 = vector.broadcast %shift_left3A_127 : i32 to vector<16xi32>
          %shift_left3A_129 = arith.shli %get3A_126, %shift_left3A_128 : vector<16xi32>
          %bitcast3A_130 = vector.bitcast %shift_left3A_129 : vector<16xi32> to vector<16xf32>
          %and3A_131 = arith.constant -65536 : i32
          %and3A_132 = vector.broadcast %and3A_131 : i32 to vector<16xi32>
          %and3A_133 = arith.andi %get3A_126, %and3A_132 : vector<16xi32>
          %bitcast3A_134 = vector.bitcast %and3A_133 : vector<16xi32> to vector<16xf32>
          %swap3A_135 = arith.index_cast %scan3A_111 : i32 to index
          %swap3A_136 = arith.constant 32 : index
          %swap3A_137 = tpu.vector_load %arg10[%swap3A_135, %swap3A_136] {strides = array<i32>} : memref<64x128xf32, #tpu.memory_space<vmem>>, vector<16xf32>,
          tpu.vector_store %arg10[%swap3A_135, %swap3A_136], %bitcast3A_130 {strides = array<i32>} : memref<64x128xf32, #tpu.memory_space<vmem>>, vector<16xf32>,
          %swap3A_138 = arith.index_cast %scan3A_111 : i32 to index
          %swap3A_139 = arith.constant 48 : index
          %swap3A_140 = tpu.vector_load %arg10[%swap3A_138, %swap3A_139] {strides = array<i32>} : memref<64x128xf32, #tpu.memory_space<vmem>>, vector<16xf32>,
          tpu.vector_store %arg10[%swap3A_138, %swap3A_139], %bitcast3A_134 {strides = array<i32>} : memref<64x128xf32, #tpu.memory_space<vmem>>, vector<16xf32>,
          %get3A_141 = arith.index_cast %scan3A_111 : i32 to index
          %get3A_142 = arith.constant 32 : index
          %get3A_143 = tpu.vector_load %arg8[%get3A_141, %get3A_142] {strides = array<i32>} : memref<64x64xi32, #tpu.memory_space<vmem>>, vector<16xi32>,
          %shift_left3A_144 = arith.constant 16 : i32
          %shift_left3A_145 = vector.broadcast %shift_left3A_144 : i32 to vector<16xi32>
          %shift_left3A_146 = arith.shli %get3A_143, %shift_left3A_145 : vector<16xi32>
          %bitcast3A_147 = vector.bitcast %shift_left3A_146 : vector<16xi32> to vector<16xf32>
          %and3A_148 = arith.constant -65536 : i32
          %and3A_149 = vector.broadcast %and3A_148 : i32 to vector<16xi32>
          %and3A_150 = arith.andi %get3A_143, %and3A_149 : vector<16xi32>
          %bitcast3A_151 = vector.bitcast %and3A_150 : vector<16xi32> to vector<16xf32>
          %swap3A_152 = arith.index_cast %scan3A_111 : i32 to index
          %swap3A_153 = arith.constant 64 : index
          %swap3A_154 = tpu.vector_load %arg10[%swap3A_152, %swap3A_153] {strides = array<i32>} : memref<64x128xf32, #tpu.memory_space<vmem>>, vector<16xf32>,
          tpu.vector_store %arg10[%swap3A_152, %swap3A_153], %bitcast3A_147 {strides = array<i32>} : memref<64x128xf32, #tpu.memory_space<vmem>>, vector<16xf32>,
          %swap3A_155 = arith.index_cast %scan3A_111 : i32 to index
          %swap3A_156 = arith.constant 80 : index
          %swap3A_157 = tpu.vector_load %arg10[%swap3A_155, %swap3A_156] {strides = array<i32>} : memref<64x128xf32, #tpu.memory_space<vmem>>, vector<16xf32>,
          tpu.vector_store %arg10[%swap3A_155, %swap3A_156], %bitcast3A_151 {strides = array<i32>} : memref<64x128xf32, #tpu.memory_space<vmem>>, vector<16xf32>,
          %get3A_158 = arith.index_cast %scan3A_111 : i32 to index
          %get3A_159 = arith.constant 48 : index
          %get3A_160 = tpu.vector_load %arg8[%get3A_158, %get3A_159] {strides = array<i32>} : memref<64x64xi32, #tpu.memory_space<vmem>>, vector<16xi32>,
          %shift_left3A_161 = arith.constant 16 : i32
          %shift_left3A_162 = vector.broadcast %shift_left3A_161 : i32 to vector<16xi32>
          %shift_left3A_163 = arith.shli %get3A_160, %shift_left3A_162 : vector<16xi32>
          %bitcast3A_164 = vector.bitcast %shift_left3A_163 : vector<16xi32> to vector<16xf32>
          %and3A_165 = arith.constant -65536 : i32
          %and3A_166 = vector.broadcast %and3A_165 : i32 to vector<16xi32>
          %and3A_167 = arith.andi %get3A_160, %and3A_166 : vector<16xi32>
          %bitcast3A_168 = vector.bitcast %and3A_167 : vector<16xi32> to vector<16xf32>
          %swap3A_169 = arith.index_cast %scan3A_111 : i32 to index
          %swap3A_170 = arith.constant 96 : index
          %swap3A_171 = tpu.vector_load %arg10[%swap3A_169, %swap3A_170] {strides = array<i32>} : memref<64x128xf32, #tpu.memory_space<vmem>>, vector<16xf32>,
          tpu.vector_store %arg10[%swap3A_169, %swap3A_170], %bitcast3A_164 {strides = array<i32>} : memref<64x128xf32, #tpu.memory_space<vmem>>, vector<16xf32>,
          %swap3A_172 = arith.index_cast %scan3A_111 : i32 to index
          %swap3A_173 = arith.constant 112 : index
          %swap3A_174 = tpu.vector_load %arg10[%swap3A_172, %swap3A_173] {strides = array<i32>} : memref<64x128xf32, #tpu.memory_space<vmem>>, vector<16xf32>,
          tpu.vector_store %arg10[%swap3A_172, %swap3A_173], %bitcast3A_168 {strides = array<i32>} : memref<64x128xf32, #tpu.memory_space<vmem>>, vector<16xf32>,
        }
        %scan3A_101 = arith.constant 64 : i32
        %add3A_102 = arith.constant 1 : i32
        %add3A_103 = arith.addi %mul3A_46, %add3A_102 : i32
        %dma_start3A_104 = arith.constant 1 : i32
        %dma_start3A_105 = arith.constant 0 : i32
        %dma_start3A_106 = tpu.memref_slice %arg6[%add3A_103, %dma_start3A_104, %dma_start3A_105] : memref<80x2x64xi32, #tpu.memory_space<vmem>> -> memref<1x1x64xi32, #tpu.memory_space<vmem>>
        %dma_start3A_107 = tpu.memref_squeeze %dma_start3A_106 : memref<1x1x64xi32, #tpu.memory_space<vmem>> -> memref<64xi32, #tpu.memory_space<vmem>>
        %dma_start3A_108 = arith.constant 0 : i32
        %dma_start3A_109 = arith.constant 0 : i32
        %dma_start3A_110 = tpu.memref_slice %arg11[%dma_start3A_108, %dma_start3A_109] : memref<10112x128xf32, #tpu.memory_space<vmem_shared>> -> memref<10112x128xf32, #tpu.memory_space<vmem_shared>>
        tpu.enqueue_indirect_dma source(%arg10 : memref<64x128xf32, #tpu.memory_space<vmem>>) target(%dma_start3A_110 : memref<10112x128xf32, #tpu.memory_space<vmem_shared>>) offsets(%dma_start3A_107 : memref<64xi32, #tpu.memory_space<vmem>>) semaphore(%arg15 : memref<!tpu.dma_semaphore, #tpu.memory_space<semaphore_mem>>) {add = true}
      }
      %scan3A_28 = arith.constant 40 : i32
      %dma_wait3A = arith.constant 0 : i32
      %dma_wait3A_29 = arith.constant 1 : i32
      %dma_wait3A_30 = arith.constant 0 : i32
      %dma_wait3A_31 = tpu.memref_slice %arg6[%dma_wait3A, %dma_wait3A_29, %dma_wait3A_30] : memref<80x2x64xi32, #tpu.memory_space<vmem>> -> memref<1x1x64xi32, #tpu.memory_space<vmem>>
      %dma_wait3A_32 = tpu.memref_squeeze %dma_wait3A_31 : memref<1x1x64xi32, #tpu.memory_space<vmem>> -> memref<64xi32, #tpu.memory_space<vmem>>
      %dma_wait3A_33 = arith.constant 0 : i32
      %dma_wait3A_34 = arith.constant 0 : i32
      %dma_wait3A_35 = tpu.memref_slice %arg11[%dma_wait3A_33, %dma_wait3A_34] : memref<10112x128xf32, #tpu.memory_space<vmem_shared>> -> memref<10112x128xf32, #tpu.memory_space<vmem_shared>>
      tpu.wait_indirect_dma semaphore(%arg14 : memref<!tpu.dma_semaphore, #tpu.memory_space<semaphore_mem>>) src(%arg9 : memref<64x128xf32, #tpu.memory_space<vmem>>) dst(%dma_wait3A_35 : memref<10112x128xf32, #tpu.memory_space<vmem_shared>>)
      %dma_wait3A_36 = arith.constant 0 : i32
      %dma_wait3A_37 = arith.constant 1 : i32
      %dma_wait3A_38 = arith.constant 0 : i32
      %dma_wait3A_39 = tpu.memref_slice %arg6[%dma_wait3A_36, %dma_wait3A_37, %dma_wait3A_38] : memref<80x2x64xi32, #tpu.memory_space<vmem>> -> memref<1x1x64xi32, #tpu.memory_space<vmem>>
      %dma_wait3A_40 = tpu.memref_squeeze %dma_wait3A_39 : memref<1x1x64xi32, #tpu.memory_space<vmem>> -> memref<64xi32, #tpu.memory_space<vmem>>
      %dma_wait3A_41 = arith.constant 0 : i32
      %dma_wait3A_42 = arith.constant 0 : i32
      %dma_wait3A_43 = tpu.memref_slice %arg11[%dma_wait3A_41, %dma_wait3A_42] : memref<10112x128xf32, #tpu.memory_space<vmem_shared>> -> memref<10112x128xf32, #tpu.memory_space<vmem_shared>>
      tpu.wait_indirect_dma semaphore(%arg15 : memref<!tpu.dma_semaphore, #tpu.memory_space<semaphore_mem>>) src(%arg10 : memref<64x128xf32, #tpu.memory_space<vmem>>) dst(%dma_wait3A_43 : memref<10112x128xf32, #tpu.memory_space<vmem_shared>>)
    }
    %scan3A_7 = arith.constant 2 : i32
    %barrier3A_8 = arith.constant 0 : index
    tpu.barrier barrier_id(%barrier3A_8)
    %mul3A_9 = arith.constant 632 : i32
    %mul3A_10 = arith.muli %arg1, %mul3A_9 : i32
    %mul3A_11 = arith.constant 632 : i32
    %mul3A_12 = arith.muli %arg1, %mul3A_11 : i32
    "tpu.region"() ({
      %run_scoped3A = tpu.sem_alloc : memref<!tpu.dma_semaphore, #tpu.memory_space<semaphore_mem>>
      %dma_start3A = arith.constant 0 : i32
      %dma_start3A_13 = tpu.memref_slice %arg5[%arg0, %mul3A_12, %dma_start3A] : memref<2x10112x128xf32, #tpu.memory_space<hbm>> -> memref<1x632x128xf32, #tpu.memory_space<hbm>>
      %dma_start3A_14 = tpu.memref_squeeze %dma_start3A_13 : memref<1x632x128xf32, #tpu.memory_space<hbm>> -> memref<632x128xf32, #tpu.memory_space<hbm>>
      %dma_start3A_15 = arith.constant 0 : i32
      %dma_start3A_16 = tpu.memref_slice %arg11[%mul3A_10, %dma_start3A_15] : memref<10112x128xf32, #tpu.memory_space<vmem_shared>> -> memref<632x128xf32, #tpu.memory_space<vmem_shared>>
      tpu.enqueue_dma source(%dma_start3A_16 : memref<632x128xf32, #tpu.memory_space<vmem_shared>>) target(%dma_start3A_14 : memref<632x128xf32, #tpu.memory_space<hbm>>) target_semaphore(%run_scoped3A : memref<!tpu.dma_semaphore, #tpu.memory_space<semaphore_mem>>)
      %dma_wait3A = arith.constant 0 : i32
      %dma_wait3A_17 = tpu.memref_slice %arg5[%arg0, %mul3A_12, %dma_wait3A] : memref<2x10112x128xf32, #tpu.memory_space<hbm>> -> memref<1x632x128xf32, #tpu.memory_space<hbm>>
      %dma_wait3A_18 = tpu.memref_squeeze %dma_wait3A_17 : memref<1x632x128xf32, #tpu.memory_space<hbm>> -> memref<632x128xf32, #tpu.memory_space<hbm>>
      %dma_wait3A_19 = arith.constant 0 : i32
      %dma_wait3A_20 = tpu.memref_slice %arg11[%mul3A_10, %dma_wait3A_19] : memref<10112x128xf32, #tpu.memory_space<vmem_shared>> -> memref<632x128xf32, #tpu.memory_space<vmem_shared>>
      tpu.wait_dma2 semaphore(%run_scoped3A : memref<!tpu.dma_semaphore, #tpu.memory_space<semaphore_mem>>) src(%dma_wait3A_20 : memref<632x128xf32, #tpu.memory_space<vmem_shared>>) dst(%dma_wait3A_18 : memref<632x128xf32, #tpu.memory_space<hbm>>)
      tpu.yield
    }) : () -> ()
    return
  }
}

#map = affine_map<(d0, d1) -> (0, 0, 0, 0)>
#map1 = affine_map<(d0, d1) -> (0, 0)>
#map2 = affine_map<(d0, d1) -> (0, 0, 0)>
module attributes {stable_mosaic.version = 14 : i64} {
  func.func @_deg_kernel(%arg0: i32, %arg1: i32, %arg2: memref<32x160x2x64xi32, #tpu.memory_space<hbm>>, %arg3: memref<64x128xf32, #tpu.memory_space<hbm>>, %arg4: memref<632x128xf32, #tpu.memory_space<hbm>>, %arg5: memref<2x10112x128xf32, #tpu.memory_space<hbm>>, %arg6: memref<160x2x64xi32, #tpu.memory_space<vmem>>, %arg7: memref<64x128xf32, #tpu.memory_space<vmem>>, %arg8: memref<10112x128xf32, #tpu.memory_space<vmem_shared>>, %arg9: memref<!tpu.dma_semaphore, #tpu.memory_space<semaphore_mem>>) attributes {dimension_semantics = [#tpu.dimension_semantics<core_parallel>, #tpu.dimension_semantics<subcore_parallel>], iteration_bounds = array<i64: 2, 16>, scalar_prefetch = 0 : i64, scratch_operands = 4 : i64, tpu.core_type = #tpu.core_type<sc_vector_subcore>, window_params = [{transform_indices = #map}, {transform_indices = #map1}, {transform_indices = #map1}, {transform_indices = #map2}]} {
    %mul3A = arith.constant 16 : i32
    %mul3A_0 = arith.muli %arg0, %mul3A : i32
    %add3A = arith.addi %mul3A_0, %arg1 : i32
    %mul3A_1 = arith.constant 632 : i32
    %mul3A_2 = arith.muli %arg1, %mul3A_1 : i32
    "tpu.region"() ({
      %run_scoped3A = tpu.sem_alloc : memref<!tpu.dma_semaphore, #tpu.memory_space<semaphore_mem>>
      %dma_start3A = arith.constant 0 : i32
      %dma_start3A_19 = tpu.memref_slice %arg8[%mul3A_2, %dma_start3A] : memref<10112x128xf32, #tpu.memory_space<vmem_shared>> -> memref<632x128xf32, #tpu.memory_space<vmem_shared>>
      tpu.enqueue_dma source(%arg4 : memref<632x128xf32, #tpu.memory_space<hbm>>) target(%dma_start3A_19 : memref<632x128xf32, #tpu.memory_space<vmem_shared>>) target_semaphore(%run_scoped3A : memref<!tpu.dma_semaphore, #tpu.memory_space<semaphore_mem>>)
      %dma_wait3A = arith.constant 0 : i32
      %dma_wait3A_20 = tpu.memref_slice %arg8[%mul3A_2, %dma_wait3A] : memref<10112x128xf32, #tpu.memory_space<vmem_shared>> -> memref<632x128xf32, #tpu.memory_space<vmem_shared>>
      tpu.wait_dma2 semaphore(%run_scoped3A : memref<!tpu.dma_semaphore, #tpu.memory_space<semaphore_mem>>) src(%arg4 : memref<632x128xf32, #tpu.memory_space<hbm>>) dst(%dma_wait3A_20 : memref<632x128xf32, #tpu.memory_space<vmem_shared>>)
      tpu.yield
    }) : () -> ()
    "tpu.region"() ({
      %run_scoped3A = tpu.sem_alloc : memref<!tpu.dma_semaphore, #tpu.memory_space<semaphore_mem>>
      tpu.enqueue_dma source(%arg3 : memref<64x128xf32, #tpu.memory_space<hbm>>) target(%arg7 : memref<64x128xf32, #tpu.memory_space<vmem>>) target_semaphore(%run_scoped3A : memref<!tpu.dma_semaphore, #tpu.memory_space<semaphore_mem>>)
      tpu.wait_dma2 semaphore(%run_scoped3A : memref<!tpu.dma_semaphore, #tpu.memory_space<semaphore_mem>>) src(%arg3 : memref<64x128xf32, #tpu.memory_space<hbm>>) dst(%arg7 : memref<64x128xf32, #tpu.memory_space<vmem>>)
      tpu.yield
    }) : () -> ()
    "tpu.region"() ({
      %run_scoped3A = tpu.sem_alloc : memref<!tpu.dma_semaphore, #tpu.memory_space<semaphore_mem>>
      %dma_start3A = arith.constant 0 : i32
      %dma_start3A_19 = arith.constant 0 : i32
      %dma_start3A_20 = arith.constant 0 : i32
      %dma_start3A_21 = tpu.memref_slice %arg2[%add3A, %dma_start3A, %dma_start3A_19, %dma_start3A_20] : memref<32x160x2x64xi32, #tpu.memory_space<hbm>> -> memref<1x160x2x64xi32, #tpu.memory_space<hbm>>
      %dma_start3A_22 = tpu.memref_squeeze %dma_start3A_21 : memref<1x160x2x64xi32, #tpu.memory_space<hbm>> -> memref<160x2x64xi32, #tpu.memory_space<hbm>>
      %dma_start3A_23 = arith.constant 0 : i32
      %dma_start3A_24 = arith.constant 0 : i32
      %dma_start3A_25 = arith.constant 0 : i32
      %dma_start3A_26 = tpu.memref_slice %arg2[%add3A, %dma_start3A_23, %dma_start3A_24, %dma_start3A_25] : memref<32x160x2x64xi32, #tpu.memory_space<hbm>> -> memref<1x160x2x64xi32, #tpu.memory_space<hbm>>
      %dma_start3A_27 = tpu.memref_squeeze %dma_start3A_26 : memref<1x160x2x64xi32, #tpu.memory_space<hbm>> -> memref<160x2x64xi32, #tpu.memory_space<hbm>>
      tpu.enqueue_dma source(%dma_start3A_27 : memref<160x2x64xi32, #tpu.memory_space<hbm>>) target(%arg6 : memref<160x2x64xi32, #tpu.memory_space<vmem>>) target_semaphore(%run_scoped3A : memref<!tpu.dma_semaphore, #tpu.memory_space<semaphore_mem>>)
      %dma_wait3A = arith.constant 0 : i32
      %dma_wait3A_28 = arith.constant 0 : i32
      %dma_wait3A_29 = arith.constant 0 : i32
      %dma_wait3A_30 = tpu.memref_slice %arg2[%add3A, %dma_wait3A, %dma_wait3A_28, %dma_wait3A_29] : memref<32x160x2x64xi32, #tpu.memory_space<hbm>> -> memref<1x160x2x64xi32, #tpu.memory_space<hbm>>
      %dma_wait3A_31 = tpu.memref_squeeze %dma_wait3A_30 : memref<1x160x2x64xi32, #tpu.memory_space<hbm>> -> memref<160x2x64xi32, #tpu.memory_space<hbm>>
      %dma_wait3A_32 = arith.constant 0 : i32
      %dma_wait3A_33 = arith.constant 0 : i32
      %dma_wait3A_34 = arith.constant 0 : i32
      %dma_wait3A_35 = tpu.memref_slice %arg2[%add3A, %dma_wait3A_32, %dma_wait3A_33, %dma_wait3A_34] : memref<32x160x2x64xi32, #tpu.memory_space<hbm>> -> memref<1x160x2x64xi32, #tpu.memory_space<hbm>>
      %dma_wait3A_36 = tpu.memref_squeeze %dma_wait3A_35 : memref<1x160x2x64xi32, #tpu.memory_space<hbm>> -> memref<160x2x64xi32, #tpu.memory_space<hbm>>
      tpu.wait_dma2 semaphore(%run_scoped3A : memref<!tpu.dma_semaphore, #tpu.memory_space<semaphore_mem>>) src(%dma_wait3A_36 : memref<160x2x64xi32, #tpu.memory_space<hbm>>) dst(%arg6 : memref<160x2x64xi32, #tpu.memory_space<vmem>>)
      tpu.yield
    }) : () -> ()
    %barrier3A = arith.constant 0 : index
    tpu.barrier barrier_id(%barrier3A)
    %scan3A = arith.constant 0 : i32
    %scan3A_3 = arith.constant 0 : i32
    %scan3A_4 = arith.constant 160 : i32
    %scan3A_5 = arith.addi %scan3A_3, %scan3A_4 : i32
    %scan3A_6 = arith.constant 1 : i32
    scf.for %scan3A_19 = %scan3A_3 to %scan3A_5 step %scan3A_6  : i32 {
      %dma_start3A = arith.constant 1 : i32
      %dma_start3A_20 = arith.constant 0 : i32
      %dma_start3A_21 = tpu.memref_slice %arg6[%scan3A_19, %dma_start3A, %dma_start3A_20] : memref<160x2x64xi32, #tpu.memory_space<vmem>> -> memref<1x1x64xi32, #tpu.memory_space<vmem>>
      %dma_start3A_22 = tpu.memref_squeeze %dma_start3A_21 : memref<1x1x64xi32, #tpu.memory_space<vmem>> -> memref<64xi32, #tpu.memory_space<vmem>>
      %dma_start3A_23 = arith.constant 0 : i32
      %dma_start3A_24 = arith.constant 0 : i32
      %dma_start3A_25 = tpu.memref_slice %arg8[%dma_start3A_23, %dma_start3A_24] : memref<10112x128xf32, #tpu.memory_space<vmem_shared>> -> memref<10112x128xf32, #tpu.memory_space<vmem_shared>>
      tpu.enqueue_indirect_dma source(%arg7 : memref<64x128xf32, #tpu.memory_space<vmem>>) target(%dma_start3A_25 : memref<10112x128xf32, #tpu.memory_space<vmem_shared>>) offsets(%dma_start3A_22 : memref<64xi32, #tpu.memory_space<vmem>>) semaphore(%arg9 : memref<!tpu.dma_semaphore, #tpu.memory_space<semaphore_mem>>) {add = true}
    }
    %scan3A_7 = arith.constant 160 : i32
    %scan3A_8 = arith.constant 0 : i32
    %scan3A_9 = arith.constant 0 : i32
    %scan3A_10 = arith.constant 160 : i32
    %scan3A_11 = arith.addi %scan3A_9, %scan3A_10 : i32
    %scan3A_12 = arith.constant 1 : i32
    scf.for %scan3A_19 = %scan3A_9 to %scan3A_11 step %scan3A_12  : i32 {
      %dma_wait3A = arith.constant 1 : i32
      %dma_wait3A_20 = arith.constant 0 : i32
      %dma_wait3A_21 = tpu.memref_slice %arg6[%scan3A_19, %dma_wait3A, %dma_wait3A_20] : memref<160x2x64xi32, #tpu.memory_space<vmem>> -> memref<1x1x64xi32, #tpu.memory_space<vmem>>
      %dma_wait3A_22 = tpu.memref_squeeze %dma_wait3A_21 : memref<1x1x64xi32, #tpu.memory_space<vmem>> -> memref<64xi32, #tpu.memory_space<vmem>>
      %dma_wait3A_23 = arith.constant 0 : i32
      %dma_wait3A_24 = arith.constant 0 : i32
      %dma_wait3A_25 = tpu.memref_slice %arg8[%dma_wait3A_23, %dma_wait3A_24] : memref<10112x128xf32, #tpu.memory_space<vmem_shared>> -> memref<10112x128xf32, #tpu.memory_space<vmem_shared>>
      tpu.wait_indirect_dma semaphore(%arg9 : memref<!tpu.dma_semaphore, #tpu.memory_space<semaphore_mem>>) src(%arg7 : memref<64x128xf32, #tpu.memory_space<vmem>>) dst(%dma_wait3A_25 : memref<10112x128xf32, #tpu.memory_space<vmem_shared>>)
    }
    %scan3A_13 = arith.constant 160 : i32
    %barrier3A_14 = arith.constant 0 : index
    tpu.barrier barrier_id(%barrier3A_14)
    %mul3A_15 = arith.constant 632 : i32
    %mul3A_16 = arith.muli %arg1, %mul3A_15 : i32
    %mul3A_17 = arith.constant 632 : i32
    %mul3A_18 = arith.muli %arg1, %mul3A_17 : i32
    "tpu.region"() ({
      %run_scoped3A = tpu.sem_alloc : memref<!tpu.dma_semaphore, #tpu.memory_space<semaphore_mem>>
      %dma_start3A = arith.constant 0 : i32
      %dma_start3A_19 = tpu.memref_slice %arg5[%arg0, %mul3A_18, %dma_start3A] : memref<2x10112x128xf32, #tpu.memory_space<hbm>> -> memref<1x632x128xf32, #tpu.memory_space<hbm>>
      %dma_start3A_20 = tpu.memref_squeeze %dma_start3A_19 : memref<1x632x128xf32, #tpu.memory_space<hbm>> -> memref<632x128xf32, #tpu.memory_space<hbm>>
      %dma_start3A_21 = arith.constant 0 : i32
      %dma_start3A_22 = tpu.memref_slice %arg8[%mul3A_16, %dma_start3A_21] : memref<10112x128xf32, #tpu.memory_space<vmem_shared>> -> memref<632x128xf32, #tpu.memory_space<vmem_shared>>
      tpu.enqueue_dma source(%dma_start3A_22 : memref<632x128xf32, #tpu.memory_space<vmem_shared>>) target(%dma_start3A_20 : memref<632x128xf32, #tpu.memory_space<hbm>>) target_semaphore(%run_scoped3A : memref<!tpu.dma_semaphore, #tpu.memory_space<semaphore_mem>>)
      %dma_wait3A = arith.constant 0 : i32
      %dma_wait3A_23 = tpu.memref_slice %arg5[%arg0, %mul3A_18, %dma_wait3A] : memref<2x10112x128xf32, #tpu.memory_space<hbm>> -> memref<1x632x128xf32, #tpu.memory_space<hbm>>
      %dma_wait3A_24 = tpu.memref_squeeze %dma_wait3A_23 : memref<1x632x128xf32, #tpu.memory_space<hbm>> -> memref<632x128xf32, #tpu.memory_space<hbm>>
      %dma_wait3A_25 = arith.constant 0 : i32
      %dma_wait3A_26 = tpu.memref_slice %arg8[%mul3A_16, %dma_wait3A_25] : memref<10112x128xf32, #tpu.memory_space<vmem_shared>> -> memref<632x128xf32, #tpu.memory_space<vmem_shared>>
      tpu.wait_dma2 semaphore(%run_scoped3A : memref<!tpu.dma_semaphore, #tpu.memory_space<semaphore_mem>>) src(%dma_wait3A_26 : memref<632x128xf32, #tpu.memory_space<vmem_shared>>) dst(%dma_wait3A_24 : memref<632x128xf32, #tpu.memory_space<hbm>>)
      tpu.yield
    }) : () -> ()
    return
  }
}

#map = affine_map<(d0, d1) -> (0, 0)>
#map1 = affine_map<(d0, d1) -> (0, 0, 0, 0)>
#map2 = affine_map<(d0, d1) -> (0, 0, 0)>
module attributes {stable_mosaic.version = 14 : i64} {
  func.func @_agg_kernel(%arg0: i32, %arg1: i32, %arg2: memref<10112x64xi32, #tpu.memory_space<hbm>>, %arg3: memref<32x160x2x64xi32, #tpu.memory_space<hbm>>, %arg4: memref<632x128xf32, #tpu.memory_space<hbm>>, %arg5: memref<2x10112x128xf32, #tpu.memory_space<hbm>>, %arg6: memref<80x2x64xi32, #tpu.memory_space<vmem>>, %arg7: memref<64x64xi32, #tpu.memory_space<vmem>>, %arg8: memref<64x64xi32, #tpu.memory_space<vmem>>, %arg9: memref<64x128xf32, #tpu.memory_space<vmem>>, %arg10: memref<64x128xf32, #tpu.memory_space<vmem>>, %arg11: memref<10112x128xf32, #tpu.memory_space<vmem_shared>>, %arg12: memref<!tpu.dma_semaphore, #tpu.memory_space<semaphore_mem>>, %arg13: memref<!tpu.dma_semaphore, #tpu.memory_space<semaphore_mem>>, %arg14: memref<!tpu.dma_semaphore, #tpu.memory_space<semaphore_mem>>, %arg15: memref<!tpu.dma_semaphore, #tpu.memory_space<semaphore_mem>>) attributes {dimension_semantics = [#tpu.dimension_semantics<core_parallel>, #tpu.dimension_semantics<subcore_parallel>], iteration_bounds = array<i64: 2, 16>, scalar_prefetch = 0 : i64, scratch_operands = 10 : i64, tpu.core_type = #tpu.core_type<sc_vector_subcore>, window_params = [{transform_indices = #map}, {transform_indices = #map1}, {transform_indices = #map}, {transform_indices = #map2}]} {
    %mul3A = arith.constant 16 : i32
    %mul3A_0 = arith.muli %arg0, %mul3A : i32
    %add3A = arith.addi %mul3A_0, %arg1 : i32
    %mul3A_1 = arith.constant 632 : i32
    %mul3A_2 = arith.muli %arg1, %mul3A_1 : i32
    "tpu.region"() ({
      %run_scoped3A = tpu.sem_alloc : memref<!tpu.dma_semaphore, #tpu.memory_space<semaphore_mem>>
      %dma_start3A = arith.constant 0 : i32
      %dma_start3A_13 = tpu.memref_slice %arg11[%mul3A_2, %dma_start3A] : memref<10112x128xf32, #tpu.memory_space<vmem_shared>> -> memref<632x128xf32, #tpu.memory_space<vmem_shared>>
      tpu.enqueue_dma source(%arg4 : memref<632x128xf32, #tpu.memory_space<hbm>>) target(%dma_start3A_13 : memref<632x128xf32, #tpu.memory_space<vmem_shared>>) target_semaphore(%run_scoped3A : memref<!tpu.dma_semaphore, #tpu.memory_space<semaphore_mem>>)
      %dma_wait3A = arith.constant 0 : i32
      %dma_wait3A_14 = tpu.memref_slice %arg11[%mul3A_2, %dma_wait3A] : memref<10112x128xf32, #tpu.memory_space<vmem_shared>> -> memref<632x128xf32, #tpu.memory_space<vmem_shared>>
      tpu.wait_dma2 semaphore(%run_scoped3A : memref<!tpu.dma_semaphore, #tpu.memory_space<semaphore_mem>>) src(%arg4 : memref<632x128xf32, #tpu.memory_space<hbm>>) dst(%dma_wait3A_14 : memref<632x128xf32, #tpu.memory_space<vmem_shared>>)
      tpu.yield
    }) : () -> ()
    %barrier3A = arith.constant 0 : index
    tpu.barrier barrier_id(%barrier3A)
    %scan3A = arith.constant 0 : i32
    %scan3A_3 = arith.constant 0 : i32
    %scan3A_4 = arith.constant 2 : i32
    %scan3A_5 = arith.addi %scan3A_3, %scan3A_4 : i32
    %scan3A_6 = arith.constant 1 : i32
    scf.for %scan3A_13 = %scan3A_3 to %scan3A_5 step %scan3A_6  : i32 {
      %mul3A_14 = arith.constant 80 : i32
      %mul3A_15 = arith.muli %scan3A_13, %mul3A_14 : i32
      "tpu.region"() ({
        %run_scoped3A = tpu.sem_alloc : memref<!tpu.dma_semaphore, #tpu.memory_space<semaphore_mem>>
        %dma_start3A_44 = arith.constant 0 : i32
        %dma_start3A_45 = arith.constant 0 : i32
        %dma_start3A_46 = tpu.memref_slice %arg3[%add3A, %mul3A_15, %dma_start3A_44, %dma_start3A_45] : memref<32x160x2x64xi32, #tpu.memory_space<hbm>> -> memref<1x80x2x64xi32, #tpu.memory_space<hbm>>
        %dma_start3A_47 = tpu.memref_squeeze %dma_start3A_46 : memref<1x80x2x64xi32, #tpu.memory_space<hbm>> -> memref<80x2x64xi32, #tpu.memory_space<hbm>>
        %dma_start3A_48 = arith.constant 0 : i32
        %dma_start3A_49 = arith.constant 0 : i32
        %dma_start3A_50 = tpu.memref_slice %arg3[%add3A, %mul3A_15, %dma_start3A_48, %dma_start3A_49] : memref<32x160x2x64xi32, #tpu.memory_space<hbm>> -> memref<1x80x2x64xi32, #tpu.memory_space<hbm>>
        %dma_start3A_51 = tpu.memref_squeeze %dma_start3A_50 : memref<1x80x2x64xi32, #tpu.memory_space<hbm>> -> memref<80x2x64xi32, #tpu.memory_space<hbm>>
        tpu.enqueue_dma source(%dma_start3A_51 : memref<80x2x64xi32, #tpu.memory_space<hbm>>) target(%arg6 : memref<80x2x64xi32, #tpu.memory_space<vmem>>) target_semaphore(%run_scoped3A : memref<!tpu.dma_semaphore, #tpu.memory_space<semaphore_mem>>)
        %dma_wait3A_52 = arith.constant 0 : i32
        %dma_wait3A_53 = arith.constant 0 : i32
        %dma_wait3A_54 = tpu.memref_slice %arg3[%add3A, %mul3A_15, %dma_wait3A_52, %dma_wait3A_53] : memref<32x160x2x64xi32, #tpu.memory_space<hbm>> -> memref<1x80x2x64xi32, #tpu.memory_space<hbm>>
        %dma_wait3A_55 = tpu.memref_squeeze %dma_wait3A_54 : memref<1x80x2x64xi32, #tpu.memory_space<hbm>> -> memref<80x2x64xi32, #tpu.memory_space<hbm>>
        %dma_wait3A_56 = arith.constant 0 : i32
        %dma_wait3A_57 = arith.constant 0 : i32
        %dma_wait3A_58 = tpu.memref_slice %arg3[%add3A, %mul3A_15, %dma_wait3A_56, %dma_wait3A_57] : memref<32x160x2x64xi32, #tpu.memory_space<hbm>> -> memref<1x80x2x64xi32, #tpu.memory_space<hbm>>
        %dma_wait3A_59 = tpu.memref_squeeze %dma_wait3A_58 : memref<1x80x2x64xi32, #tpu.memory_space<hbm>> -> memref<80x2x64xi32, #tpu.memory_space<hbm>>
        tpu.wait_dma2 semaphore(%run_scoped3A : memref<!tpu.dma_semaphore, #tpu.memory_space<semaphore_mem>>) src(%dma_wait3A_59 : memref<80x2x64xi32, #tpu.memory_space<hbm>>) dst(%arg6 : memref<80x2x64xi32, #tpu.memory_space<vmem>>)
        tpu.yield
      }) : () -> ()
      %dma_start3A = arith.constant 0 : i32
      %dma_start3A_16 = arith.constant 0 : i32
      %dma_start3A_17 = arith.constant 0 : i32
      %dma_start3A_18 = tpu.memref_slice %arg6[%dma_start3A, %dma_start3A_16, %dma_start3A_17] : memref<80x2x64xi32, #tpu.memory_space<vmem>> -> memref<1x1x64xi32, #tpu.memory_space<vmem>>
      %dma_start3A_19 = tpu.memref_squeeze %dma_start3A_18 : memref<1x1x64xi32, #tpu.memory_space<vmem>> -> memref<64xi32, #tpu.memory_space<vmem>>
      %dma_start3A_20 = arith.constant 0 : i32
      %dma_start3A_21 = arith.constant 0 : i32
      %dma_start3A_22 = tpu.memref_slice %arg2[%dma_start3A_20, %dma_start3A_21] : memref<10112x64xi32, #tpu.memory_space<hbm>> -> memref<10112x64xi32, #tpu.memory_space<hbm>>
      tpu.enqueue_indirect_dma source(%dma_start3A_22 : memref<10112x64xi32, #tpu.memory_space<hbm>>) target(%arg7 : memref<64x64xi32, #tpu.memory_space<vmem>>) offsets(%dma_start3A_19 : memref<64xi32, #tpu.memory_space<vmem>>) semaphore(%arg12 : memref<!tpu.dma_semaphore, #tpu.memory_space<semaphore_mem>>)
      %scan3A_23 = arith.constant 0 : i32
      %scan3A_24 = arith.constant 0 : i32
      %scan3A_25 = arith.constant 40 : i32
      %scan3A_26 = arith.addi %scan3A_24, %scan3A_25 : i32
      %scan3A_27 = arith.constant 1 : i32
      scf.for %scan3A_44 = %scan3A_24 to %scan3A_26 step %scan3A_27  : i32 {
        %mul3A_45 = arith.constant 2 : i32
        %mul3A_46 = arith.muli %mul3A_45, %scan3A_44 : i32
        %dma_wait3A_47 = arith.constant 0 : i32
        %dma_wait3A_48 = arith.constant 0 : i32
        %dma_wait3A_49 = arith.constant 0 : i32
        %dma_wait3A_50 = tpu.memref_slice %arg6[%dma_wait3A_47, %dma_wait3A_48, %dma_wait3A_49] : memref<80x2x64xi32, #tpu.memory_space<vmem>> -> memref<1x1x64xi32, #tpu.memory_space<vmem>>
        %dma_wait3A_51 = tpu.memref_squeeze %dma_wait3A_50 : memref<1x1x64xi32, #tpu.memory_space<vmem>> -> memref<64xi32, #tpu.memory_space<vmem>>
        %dma_wait3A_52 = arith.constant 0 : i32
        %dma_wait3A_53 = arith.constant 0 : i32
        %dma_wait3A_54 = tpu.memref_slice %arg2[%dma_wait3A_52, %dma_wait3A_53] : memref<10112x64xi32, #tpu.memory_space<hbm>> -> memref<10112x64xi32, #tpu.memory_space<hbm>>
        tpu.wait_indirect_dma semaphore(%arg12 : memref<!tpu.dma_semaphore, #tpu.memory_space<semaphore_mem>>) src(%dma_wait3A_54 : memref<10112x64xi32, #tpu.memory_space<hbm>>) dst(%arg7 : memref<64x64xi32, #tpu.memory_space<vmem>>)
        %add3A_55 = arith.constant 1 : i32
        %add3A_56 = arith.addi %mul3A_46, %add3A_55 : i32
        %dma_start3A_57 = arith.constant 0 : i32
        %dma_start3A_58 = arith.constant 0 : i32
        %dma_start3A_59 = tpu.memref_slice %arg6[%add3A_56, %dma_start3A_57, %dma_start3A_58] : memref<80x2x64xi32, #tpu.memory_space<vmem>> -> memref<1x1x64xi32, #tpu.memory_space<vmem>>
        %dma_start3A_60 = tpu.memref_squeeze %dma_start3A_59 : memref<1x1x64xi32, #tpu.memory_space<vmem>> -> memref<64xi32, #tpu.memory_space<vmem>>
        %dma_start3A_61 = arith.constant 0 : i32
        %dma_start3A_62 = arith.constant 0 : i32
        %dma_start3A_63 = tpu.memref_slice %arg2[%dma_start3A_61, %dma_start3A_62] : memref<10112x64xi32, #tpu.memory_space<hbm>> -> memref<10112x64xi32, #tpu.memory_space<hbm>>
        tpu.enqueue_indirect_dma source(%dma_start3A_63 : memref<10112x64xi32, #tpu.memory_space<hbm>>) target(%arg8 : memref<64x64xi32, #tpu.memory_space<vmem>>) offsets(%dma_start3A_60 : memref<64xi32, #tpu.memory_space<vmem>>) semaphore(%arg13 : memref<!tpu.dma_semaphore, #tpu.memory_space<semaphore_mem>>)
        %gt3A = arith.constant 0 : i32
        %gt3A_64 = arith.cmpi sgt, %scan3A_44, %gt3A : i32
        %convert_element_type3A = arith.extui %gt3A_64 : i1 to i32
        %cond3A = arith.constant 0 : i32
        %cond3A_65 = arith.cmpi ne, %convert_element_type3A, %cond3A : i32
        scf.if %cond3A_65 {
          %dma_wait3A_111 = arith.constant 0 : i32
          %dma_wait3A_112 = arith.constant 1 : i32
          %dma_wait3A_113 = arith.constant 0 : i32
          %dma_wait3A_114 = tpu.memref_slice %arg6[%dma_wait3A_111, %dma_wait3A_112, %dma_wait3A_113] : memref<80x2x64xi32, #tpu.memory_space<vmem>> -> memref<1x1x64xi32, #tpu.memory_space<vmem>>
          %dma_wait3A_115 = tpu.memref_squeeze %dma_wait3A_114 : memref<1x1x64xi32, #tpu.memory_space<vmem>> -> memref<64xi32, #tpu.memory_space<vmem>>
          %dma_wait3A_116 = arith.constant 0 : i32
          %dma_wait3A_117 = arith.constant 0 : i32
          %dma_wait3A_118 = tpu.memref_slice %arg11[%dma_wait3A_116, %dma_wait3A_117] : memref<10112x128xf32, #tpu.memory_space<vmem_shared>> -> memref<10112x128xf32, #tpu.memory_space<vmem_shared>>
          tpu.wait_indirect_dma semaphore(%arg14 : memref<!tpu.dma_semaphore, #tpu.memory_space<semaphore_mem>>) src(%arg9 : memref<64x128xf32, #tpu.memory_space<vmem>>) dst(%dma_wait3A_118 : memref<10112x128xf32, #tpu.memory_space<vmem_shared>>)
        } else {
        }
        %scan3A_66 = arith.constant 0 : i32
        %scan3A_67 = arith.constant 0 : i32
        %scan3A_68 = arith.constant 64 : i32
        %scan3A_69 = arith.addi %scan3A_67, %scan3A_68 : i32
        %scan3A_70 = arith.constant 1 : i32
        scf.for %scan3A_111 = %scan3A_67 to %scan3A_69 step %scan3A_70  : i32 {
          %get3A = arith.index_cast %scan3A_111 : i32 to index
          %get3A_112 = arith.constant 0 : index
          %get3A_113 = tpu.vector_load %arg7[%get3A, %get3A_112] {strides = array<i32>} : memref<64x64xi32, #tpu.memory_space<vmem>>, vector<16xi32>,
          %shift_left3A = arith.constant 16 : i32
          %shift_left3A_114 = vector.broadcast %shift_left3A : i32 to vector<16xi32>
          %shift_left3A_115 = arith.shli %get3A_113, %shift_left3A_114 : vector<16xi32>
          %bitcast3A = vector.bitcast %shift_left3A_115 : vector<16xi32> to vector<16xf32>
          %and3A = arith.constant -65536 : i32
          %and3A_116 = vector.broadcast %and3A : i32 to vector<16xi32>
          %and3A_117 = arith.andi %get3A_113, %and3A_116 : vector<16xi32>
          %bitcast3A_118 = vector.bitcast %and3A_117 : vector<16xi32> to vector<16xf32>
          %swap3A = arith.index_cast %scan3A_111 : i32 to index
          %swap3A_119 = arith.constant 0 : index
          %swap3A_120 = tpu.vector_load %arg9[%swap3A, %swap3A_119] {strides = array<i32>} : memref<64x128xf32, #tpu.memory_space<vmem>>, vector<16xf32>,
          tpu.vector_store %arg9[%swap3A, %swap3A_119], %bitcast3A {strides = array<i32>} : memref<64x128xf32, #tpu.memory_space<vmem>>, vector<16xf32>,
          %swap3A_121 = arith.index_cast %scan3A_111 : i32 to index
          %swap3A_122 = arith.constant 16 : index
          %swap3A_123 = tpu.vector_load %arg9[%swap3A_121, %swap3A_122] {strides = array<i32>} : memref<64x128xf32, #tpu.memory_space<vmem>>, vector<16xf32>,
          tpu.vector_store %arg9[%swap3A_121, %swap3A_122], %bitcast3A_118 {strides = array<i32>} : memref<64x128xf32, #tpu.memory_space<vmem>>, vector<16xf32>,
          %get3A_124 = arith.index_cast %scan3A_111 : i32 to index
          %get3A_125 = arith.constant 16 : index
          %get3A_126 = tpu.vector_load %arg7[%get3A_124, %get3A_125] {strides = array<i32>} : memref<64x64xi32, #tpu.memory_space<vmem>>, vector<16xi32>,
          %shift_left3A_127 = arith.constant 16 : i32
          %shift_left3A_128 = vector.broadcast %shift_left3A_127 : i32 to vector<16xi32>
          %shift_left3A_129 = arith.shli %get3A_126, %shift_left3A_128 : vector<16xi32>
          %bitcast3A_130 = vector.bitcast %shift_left3A_129 : vector<16xi32> to vector<16xf32>
          %and3A_131 = arith.constant -65536 : i32
          %and3A_132 = vector.broadcast %and3A_131 : i32 to vector<16xi32>
          %and3A_133 = arith.andi %get3A_126, %and3A_132 : vector<16xi32>
          %bitcast3A_134 = vector.bitcast %and3A_133 : vector<16xi32> to vector<16xf32>
          %swap3A_135 = arith.index_cast %scan3A_111 : i32 to index
          %swap3A_136 = arith.constant 32 : index
          %swap3A_137 = tpu.vector_load %arg9[%swap3A_135, %swap3A_136] {strides = array<i32>} : memref<64x128xf32, #tpu.memory_space<vmem>>, vector<16xf32>,
          tpu.vector_store %arg9[%swap3A_135, %swap3A_136], %bitcast3A_130 {strides = array<i32>} : memref<64x128xf32, #tpu.memory_space<vmem>>, vector<16xf32>,
          %swap3A_138 = arith.index_cast %scan3A_111 : i32 to index
          %swap3A_139 = arith.constant 48 : index
          %swap3A_140 = tpu.vector_load %arg9[%swap3A_138, %swap3A_139] {strides = array<i32>} : memref<64x128xf32, #tpu.memory_space<vmem>>, vector<16xf32>,
          tpu.vector_store %arg9[%swap3A_138, %swap3A_139], %bitcast3A_134 {strides = array<i32>} : memref<64x128xf32, #tpu.memory_space<vmem>>, vector<16xf32>,
          %get3A_141 = arith.index_cast %scan3A_111 : i32 to index
          %get3A_142 = arith.constant 32 : index
          %get3A_143 = tpu.vector_load %arg7[%get3A_141, %get3A_142] {strides = array<i32>} : memref<64x64xi32, #tpu.memory_space<vmem>>, vector<16xi32>,
          %shift_left3A_144 = arith.constant 16 : i32
          %shift_left3A_145 = vector.broadcast %shift_left3A_144 : i32 to vector<16xi32>
          %shift_left3A_146 = arith.shli %get3A_143, %shift_left3A_145 : vector<16xi32>
          %bitcast3A_147 = vector.bitcast %shift_left3A_146 : vector<16xi32> to vector<16xf32>
          %and3A_148 = arith.constant -65536 : i32
          %and3A_149 = vector.broadcast %and3A_148 : i32 to vector<16xi32>
          %and3A_150 = arith.andi %get3A_143, %and3A_149 : vector<16xi32>
          %bitcast3A_151 = vector.bitcast %and3A_150 : vector<16xi32> to vector<16xf32>
          %swap3A_152 = arith.index_cast %scan3A_111 : i32 to index
          %swap3A_153 = arith.constant 64 : index
          %swap3A_154 = tpu.vector_load %arg9[%swap3A_152, %swap3A_153] {strides = array<i32>} : memref<64x128xf32, #tpu.memory_space<vmem>>, vector<16xf32>,
          tpu.vector_store %arg9[%swap3A_152, %swap3A_153], %bitcast3A_147 {strides = array<i32>} : memref<64x128xf32, #tpu.memory_space<vmem>>, vector<16xf32>,
          %swap3A_155 = arith.index_cast %scan3A_111 : i32 to index
          %swap3A_156 = arith.constant 80 : index
          %swap3A_157 = tpu.vector_load %arg9[%swap3A_155, %swap3A_156] {strides = array<i32>} : memref<64x128xf32, #tpu.memory_space<vmem>>, vector<16xf32>,
          tpu.vector_store %arg9[%swap3A_155, %swap3A_156], %bitcast3A_151 {strides = array<i32>} : memref<64x128xf32, #tpu.memory_space<vmem>>, vector<16xf32>,
          %get3A_158 = arith.index_cast %scan3A_111 : i32 to index
          %get3A_159 = arith.constant 48 : index
          %get3A_160 = tpu.vector_load %arg7[%get3A_158, %get3A_159] {strides = array<i32>} : memref<64x64xi32, #tpu.memory_space<vmem>>, vector<16xi32>,
          %shift_left3A_161 = arith.constant 16 : i32
          %shift_left3A_162 = vector.broadcast %shift_left3A_161 : i32 to vector<16xi32>
          %shift_left3A_163 = arith.shli %get3A_160, %shift_left3A_162 : vector<16xi32>
          %bitcast3A_164 = vector.bitcast %shift_left3A_163 : vector<16xi32> to vector<16xf32>
          %and3A_165 = arith.constant -65536 : i32
          %and3A_166 = vector.broadcast %and3A_165 : i32 to vector<16xi32>
          %and3A_167 = arith.andi %get3A_160, %and3A_166 : vector<16xi32>
          %bitcast3A_168 = vector.bitcast %and3A_167 : vector<16xi32> to vector<16xf32>
          %swap3A_169 = arith.index_cast %scan3A_111 : i32 to index
          %swap3A_170 = arith.constant 96 : index
          %swap3A_171 = tpu.vector_load %arg9[%swap3A_169, %swap3A_170] {strides = array<i32>} : memref<64x128xf32, #tpu.memory_space<vmem>>, vector<16xf32>,
          tpu.vector_store %arg9[%swap3A_169, %swap3A_170], %bitcast3A_164 {strides = array<i32>} : memref<64x128xf32, #tpu.memory_space<vmem>>, vector<16xf32>,
          %swap3A_172 = arith.index_cast %scan3A_111 : i32 to index
          %swap3A_173 = arith.constant 112 : index
          %swap3A_174 = tpu.vector_load %arg9[%swap3A_172, %swap3A_173] {strides = array<i32>} : memref<64x128xf32, #tpu.memory_space<vmem>>, vector<16xf32>,
          tpu.vector_store %arg9[%swap3A_172, %swap3A_173], %bitcast3A_168 {strides = array<i32>} : memref<64x128xf32, #tpu.memory_space<vmem>>, vector<16xf32>,
        }
        %scan3A_71 = arith.constant 64 : i32
        %dma_start3A_72 = arith.constant 1 : i32
        %dma_start3A_73 = arith.constant 0 : i32
        %dma_start3A_74 = tpu.memref_slice %arg6[%mul3A_46, %dma_start3A_72, %dma_start3A_73] : memref<80x2x64xi32, #tpu.memory_space<vmem>> -> memref<1x1x64xi32, #tpu.memory_space<vmem>>
        %dma_start3A_75 = tpu.memref_squeeze %dma_start3A_74 : memref<1x1x64xi32, #tpu.memory_space<vmem>> -> memref<64xi32, #tpu.memory_space<vmem>>
        %dma_start3A_76 = arith.constant 0 : i32
        %dma_start3A_77 = arith.constant 0 : i32
        %dma_start3A_78 = tpu.memref_slice %arg11[%dma_start3A_76, %dma_start3A_77] : memref<10112x128xf32, #tpu.memory_space<vmem_shared>> -> memref<10112x128xf32, #tpu.memory_space<vmem_shared>>
        tpu.enqueue_indirect_dma source(%arg9 : memref<64x128xf32, #tpu.memory_space<vmem>>) target(%dma_start3A_78 : memref<10112x128xf32, #tpu.memory_space<vmem_shared>>) offsets(%dma_start3A_75 : memref<64xi32, #tpu.memory_space<vmem>>) semaphore(%arg14 : memref<!tpu.dma_semaphore, #tpu.memory_space<semaphore_mem>>) {add = true}
        %dma_wait3A_79 = arith.constant 0 : i32
        %dma_wait3A_80 = arith.constant 0 : i32
        %dma_wait3A_81 = arith.constant 0 : i32
        %dma_wait3A_82 = tpu.memref_slice %arg6[%dma_wait3A_79, %dma_wait3A_80, %dma_wait3A_81] : memref<80x2x64xi32, #tpu.memory_space<vmem>> -> memref<1x1x64xi32, #tpu.memory_space<vmem>>
        %dma_wait3A_83 = tpu.memref_squeeze %dma_wait3A_82 : memref<1x1x64xi32, #tpu.memory_space<vmem>> -> memref<64xi32, #tpu.memory_space<vmem>>
        %dma_wait3A_84 = arith.constant 0 : i32
        %dma_wait3A_85 = arith.constant 0 : i32
        %dma_wait3A_86 = tpu.memref_slice %arg2[%dma_wait3A_84, %dma_wait3A_85] : memref<10112x64xi32, #tpu.memory_space<hbm>> -> memref<10112x64xi32, #tpu.memory_space<hbm>>
        tpu.wait_indirect_dma semaphore(%arg13 : memref<!tpu.dma_semaphore, #tpu.memory_space<semaphore_mem>>) src(%dma_wait3A_86 : memref<10112x64xi32, #tpu.memory_space<hbm>>) dst(%arg8 : memref<64x64xi32, #tpu.memory_space<vmem>>)
        %lt3A = arith.constant 39 : i32
        %lt3A_87 = arith.cmpi slt, %scan3A_44, %lt3A : i32
        %convert_element_type3A_88 = arith.extui %lt3A_87 : i1 to i32
        %cond3A_89 = arith.constant 0 : i32
        %cond3A_90 = arith.cmpi ne, %convert_element_type3A_88, %cond3A_89 : i32
        scf.if %cond3A_90 {
          %add3A_111 = arith.constant 2 : i32
          %add3A_112 = arith.addi %mul3A_46, %add3A_111 : i32
          %dma_start3A_113 = arith.constant 0 : i32
          %dma_start3A_114 = arith.constant 0 : i32
          %dma_start3A_115 = tpu.memref_slice %arg6[%add3A_112, %dma_start3A_113, %dma_start3A_114] : memref<80x2x64xi32, #tpu.memory_space<vmem>> -> memref<1x1x64xi32, #tpu.memory_space<vmem>>
          %dma_start3A_116 = tpu.memref_squeeze %dma_start3A_115 : memref<1x1x64xi32, #tpu.memory_space<vmem>> -> memref<64xi32, #tpu.memory_space<vmem>>
          %dma_start3A_117 = arith.constant 0 : i32
          %dma_start3A_118 = arith.constant 0 : i32
          %dma_start3A_119 = tpu.memref_slice %arg2[%dma_start3A_117, %dma_start3A_118] : memref<10112x64xi32, #tpu.memory_space<hbm>> -> memref<10112x64xi32, #tpu.memory_space<hbm>>
          tpu.enqueue_indirect_dma source(%dma_start3A_119 : memref<10112x64xi32, #tpu.memory_space<hbm>>) target(%arg7 : memref<64x64xi32, #tpu.memory_space<vmem>>) offsets(%dma_start3A_116 : memref<64xi32, #tpu.memory_space<vmem>>) semaphore(%arg12 : memref<!tpu.dma_semaphore, #tpu.memory_space<semaphore_mem>>)
        } else {
        }
        %gt3A_91 = arith.constant 0 : i32
        %gt3A_92 = arith.cmpi sgt, %scan3A_44, %gt3A_91 : i32
        %convert_element_type3A_93 = arith.extui %gt3A_92 : i1 to i32
        %cond3A_94 = arith.constant 0 : i32
        %cond3A_95 = arith.cmpi ne, %convert_element_type3A_93, %cond3A_94 : i32
        scf.if %cond3A_95 {
          %dma_wait3A_111 = arith.constant 0 : i32
          %dma_wait3A_112 = arith.constant 1 : i32
          %dma_wait3A_113 = arith.constant 0 : i32
          %dma_wait3A_114 = tpu.memref_slice %arg6[%dma_wait3A_111, %dma_wait3A_112, %dma_wait3A_113] : memref<80x2x64xi32, #tpu.memory_space<vmem>> -> memref<1x1x64xi32, #tpu.memory_space<vmem>>
          %dma_wait3A_115 = tpu.memref_squeeze %dma_wait3A_114 : memref<1x1x64xi32, #tpu.memory_space<vmem>> -> memref<64xi32, #tpu.memory_space<vmem>>
          %dma_wait3A_116 = arith.constant 0 : i32
          %dma_wait3A_117 = arith.constant 0 : i32
          %dma_wait3A_118 = tpu.memref_slice %arg11[%dma_wait3A_116, %dma_wait3A_117] : memref<10112x128xf32, #tpu.memory_space<vmem_shared>> -> memref<10112x128xf32, #tpu.memory_space<vmem_shared>>
          tpu.wait_indirect_dma semaphore(%arg15 : memref<!tpu.dma_semaphore, #tpu.memory_space<semaphore_mem>>) src(%arg10 : memref<64x128xf32, #tpu.memory_space<vmem>>) dst(%dma_wait3A_118 : memref<10112x128xf32, #tpu.memory_space<vmem_shared>>)
        } else {
        }
        %scan3A_96 = arith.constant 0 : i32
        %scan3A_97 = arith.constant 0 : i32
        %scan3A_98 = arith.constant 64 : i32
        %scan3A_99 = arith.addi %scan3A_97, %scan3A_98 : i32
        %scan3A_100 = arith.constant 1 : i32
        scf.for %scan3A_111 = %scan3A_97 to %scan3A_99 step %scan3A_100  : i32 {
          %get3A = arith.index_cast %scan3A_111 : i32 to index
          %get3A_112 = arith.constant 0 : index
          %get3A_113 = tpu.vector_load %arg8[%get3A, %get3A_112] {strides = array<i32>} : memref<64x64xi32, #tpu.memory_space<vmem>>, vector<16xi32>,
          %shift_left3A = arith.constant 16 : i32
          %shift_left3A_114 = vector.broadcast %shift_left3A : i32 to vector<16xi32>
          %shift_left3A_115 = arith.shli %get3A_113, %shift_left3A_114 : vector<16xi32>
          %bitcast3A = vector.bitcast %shift_left3A_115 : vector<16xi32> to vector<16xf32>
          %and3A = arith.constant -65536 : i32
          %and3A_116 = vector.broadcast %and3A : i32 to vector<16xi32>
          %and3A_117 = arith.andi %get3A_113, %and3A_116 : vector<16xi32>
          %bitcast3A_118 = vector.bitcast %and3A_117 : vector<16xi32> to vector<16xf32>
          %swap3A = arith.index_cast %scan3A_111 : i32 to index
          %swap3A_119 = arith.constant 0 : index
          %swap3A_120 = tpu.vector_load %arg10[%swap3A, %swap3A_119] {strides = array<i32>} : memref<64x128xf32, #tpu.memory_space<vmem>>, vector<16xf32>,
          tpu.vector_store %arg10[%swap3A, %swap3A_119], %bitcast3A {strides = array<i32>} : memref<64x128xf32, #tpu.memory_space<vmem>>, vector<16xf32>,
          %swap3A_121 = arith.index_cast %scan3A_111 : i32 to index
          %swap3A_122 = arith.constant 16 : index
          %swap3A_123 = tpu.vector_load %arg10[%swap3A_121, %swap3A_122] {strides = array<i32>} : memref<64x128xf32, #tpu.memory_space<vmem>>, vector<16xf32>,
          tpu.vector_store %arg10[%swap3A_121, %swap3A_122], %bitcast3A_118 {strides = array<i32>} : memref<64x128xf32, #tpu.memory_space<vmem>>, vector<16xf32>,
          %get3A_124 = arith.index_cast %scan3A_111 : i32 to index
          %get3A_125 = arith.constant 16 : index
          %get3A_126 = tpu.vector_load %arg8[%get3A_124, %get3A_125] {strides = array<i32>} : memref<64x64xi32, #tpu.memory_space<vmem>>, vector<16xi32>,
          %shift_left3A_127 = arith.constant 16 : i32
          %shift_left3A_128 = vector.broadcast %shift_left3A_127 : i32 to vector<16xi32>
          %shift_left3A_129 = arith.shli %get3A_126, %shift_left3A_128 : vector<16xi32>
          %bitcast3A_130 = vector.bitcast %shift_left3A_129 : vector<16xi32> to vector<16xf32>
          %and3A_131 = arith.constant -65536 : i32
          %and3A_132 = vector.broadcast %and3A_131 : i32 to vector<16xi32>
          %and3A_133 = arith.andi %get3A_126, %and3A_132 : vector<16xi32>
          %bitcast3A_134 = vector.bitcast %and3A_133 : vector<16xi32> to vector<16xf32>
          %swap3A_135 = arith.index_cast %scan3A_111 : i32 to index
          %swap3A_136 = arith.constant 32 : index
          %swap3A_137 = tpu.vector_load %arg10[%swap3A_135, %swap3A_136] {strides = array<i32>} : memref<64x128xf32, #tpu.memory_space<vmem>>, vector<16xf32>,
          tpu.vector_store %arg10[%swap3A_135, %swap3A_136], %bitcast3A_130 {strides = array<i32>} : memref<64x128xf32, #tpu.memory_space<vmem>>, vector<16xf32>,
          %swap3A_138 = arith.index_cast %scan3A_111 : i32 to index
          %swap3A_139 = arith.constant 48 : index
          %swap3A_140 = tpu.vector_load %arg10[%swap3A_138, %swap3A_139] {strides = array<i32>} : memref<64x128xf32, #tpu.memory_space<vmem>>, vector<16xf32>,
          tpu.vector_store %arg10[%swap3A_138, %swap3A_139], %bitcast3A_134 {strides = array<i32>} : memref<64x128xf32, #tpu.memory_space<vmem>>, vector<16xf32>,
          %get3A_141 = arith.index_cast %scan3A_111 : i32 to index
          %get3A_142 = arith.constant 32 : index
          %get3A_143 = tpu.vector_load %arg8[%get3A_141, %get3A_142] {strides = array<i32>} : memref<64x64xi32, #tpu.memory_space<vmem>>, vector<16xi32>,
          %shift_left3A_144 = arith.constant 16 : i32
          %shift_left3A_145 = vector.broadcast %shift_left3A_144 : i32 to vector<16xi32>
          %shift_left3A_146 = arith.shli %get3A_143, %shift_left3A_145 : vector<16xi32>
          %bitcast3A_147 = vector.bitcast %shift_left3A_146 : vector<16xi32> to vector<16xf32>
          %and3A_148 = arith.constant -65536 : i32
          %and3A_149 = vector.broadcast %and3A_148 : i32 to vector<16xi32>
          %and3A_150 = arith.andi %get3A_143, %and3A_149 : vector<16xi32>
          %bitcast3A_151 = vector.bitcast %and3A_150 : vector<16xi32> to vector<16xf32>
          %swap3A_152 = arith.index_cast %scan3A_111 : i32 to index
          %swap3A_153 = arith.constant 64 : index
          %swap3A_154 = tpu.vector_load %arg10[%swap3A_152, %swap3A_153] {strides = array<i32>} : memref<64x128xf32, #tpu.memory_space<vmem>>, vector<16xf32>,
          tpu.vector_store %arg10[%swap3A_152, %swap3A_153], %bitcast3A_147 {strides = array<i32>} : memref<64x128xf32, #tpu.memory_space<vmem>>, vector<16xf32>,
          %swap3A_155 = arith.index_cast %scan3A_111 : i32 to index
          %swap3A_156 = arith.constant 80 : index
          %swap3A_157 = tpu.vector_load %arg10[%swap3A_155, %swap3A_156] {strides = array<i32>} : memref<64x128xf32, #tpu.memory_space<vmem>>, vector<16xf32>,
          tpu.vector_store %arg10[%swap3A_155, %swap3A_156], %bitcast3A_151 {strides = array<i32>} : memref<64x128xf32, #tpu.memory_space<vmem>>, vector<16xf32>,
          %get3A_158 = arith.index_cast %scan3A_111 : i32 to index
          %get3A_159 = arith.constant 48 : index
          %get3A_160 = tpu.vector_load %arg8[%get3A_158, %get3A_159] {strides = array<i32>} : memref<64x64xi32, #tpu.memory_space<vmem>>, vector<16xi32>,
          %shift_left3A_161 = arith.constant 16 : i32
          %shift_left3A_162 = vector.broadcast %shift_left3A_161 : i32 to vector<16xi32>
          %shift_left3A_163 = arith.shli %get3A_160, %shift_left3A_162 : vector<16xi32>
          %bitcast3A_164 = vector.bitcast %shift_left3A_163 : vector<16xi32> to vector<16xf32>
          %and3A_165 = arith.constant -65536 : i32
          %and3A_166 = vector.broadcast %and3A_165 : i32 to vector<16xi32>
          %and3A_167 = arith.andi %get3A_160, %and3A_166 : vector<16xi32>
          %bitcast3A_168 = vector.bitcast %and3A_167 : vector<16xi32> to vector<16xf32>
          %swap3A_169 = arith.index_cast %scan3A_111 : i32 to index
          %swap3A_170 = arith.constant 96 : index
          %swap3A_171 = tpu.vector_load %arg10[%swap3A_169, %swap3A_170] {strides = array<i32>} : memref<64x128xf32, #tpu.memory_space<vmem>>, vector<16xf32>,
          tpu.vector_store %arg10[%swap3A_169, %swap3A_170], %bitcast3A_164 {strides = array<i32>} : memref<64x128xf32, #tpu.memory_space<vmem>>, vector<16xf32>,
          %swap3A_172 = arith.index_cast %scan3A_111 : i32 to index
          %swap3A_173 = arith.constant 112 : index
          %swap3A_174 = tpu.vector_load %arg10[%swap3A_172, %swap3A_173] {strides = array<i32>} : memref<64x128xf32, #tpu.memory_space<vmem>>, vector<16xf32>,
          tpu.vector_store %arg10[%swap3A_172, %swap3A_173], %bitcast3A_168 {strides = array<i32>} : memref<64x128xf32, #tpu.memory_space<vmem>>, vector<16xf32>,
        }
        %scan3A_101 = arith.constant 64 : i32
        %add3A_102 = arith.constant 1 : i32
        %add3A_103 = arith.addi %mul3A_46, %add3A_102 : i32
        %dma_start3A_104 = arith.constant 1 : i32
        %dma_start3A_105 = arith.constant 0 : i32
        %dma_start3A_106 = tpu.memref_slice %arg6[%add3A_103, %dma_start3A_104, %dma_start3A_105] : memref<80x2x64xi32, #tpu.memory_space<vmem>> -> memref<1x1x64xi32, #tpu.memory_space<vmem>>
        %dma_start3A_107 = tpu.memref_squeeze %dma_start3A_106 : memref<1x1x64xi32, #tpu.memory_space<vmem>> -> memref<64xi32, #tpu.memory_space<vmem>>
        %dma_start3A_108 = arith.constant 0 : i32
        %dma_start3A_109 = arith.constant 0 : i32
        %dma_start3A_110 = tpu.memref_slice %arg11[%dma_start3A_108, %dma_start3A_109] : memref<10112x128xf32, #tpu.memory_space<vmem_shared>> -> memref<10112x128xf32, #tpu.memory_space<vmem_shared>>
        tpu.enqueue_indirect_dma source(%arg10 : memref<64x128xf32, #tpu.memory_space<vmem>>) target(%dma_start3A_110 : memref<10112x128xf32, #tpu.memory_space<vmem_shared>>) offsets(%dma_start3A_107 : memref<64xi32, #tpu.memory_space<vmem>>) semaphore(%arg15 : memref<!tpu.dma_semaphore, #tpu.memory_space<semaphore_mem>>) {add = true}
      }
      %scan3A_28 = arith.constant 40 : i32
      %dma_wait3A = arith.constant 0 : i32
      %dma_wait3A_29 = arith.constant 1 : i32
      %dma_wait3A_30 = arith.constant 0 : i32
      %dma_wait3A_31 = tpu.memref_slice %arg6[%dma_wait3A, %dma_wait3A_29, %dma_wait3A_30] : memref<80x2x64xi32, #tpu.memory_space<vmem>> -> memref<1x1x64xi32, #tpu.memory_space<vmem>>
      %dma_wait3A_32 = tpu.memref_squeeze %dma_wait3A_31 : memref<1x1x64xi32, #tpu.memory_space<vmem>> -> memref<64xi32, #tpu.memory_space<vmem>>
      %dma_wait3A_33 = arith.constant 0 : i32
      %dma_wait3A_34 = arith.constant 0 : i32
      %dma_wait3A_35 = tpu.memref_slice %arg11[%dma_wait3A_33, %dma_wait3A_34] : memref<10112x128xf32, #tpu.memory_space<vmem_shared>> -> memref<10112x128xf32, #tpu.memory_space<vmem_shared>>
      tpu.wait_indirect_dma semaphore(%arg14 : memref<!tpu.dma_semaphore, #tpu.memory_space<semaphore_mem>>) src(%arg9 : memref<64x128xf32, #tpu.memory_space<vmem>>) dst(%dma_wait3A_35 : memref<10112x128xf32, #tpu.memory_space<vmem_shared>>)
      %dma_wait3A_36 = arith.constant 0 : i32
      %dma_wait3A_37 = arith.constant 1 : i32
      %dma_wait3A_38 = arith.constant 0 : i32
      %dma_wait3A_39 = tpu.memref_slice %arg6[%dma_wait3A_36, %dma_wait3A_37, %dma_wait3A_38] : memref<80x2x64xi32, #tpu.memory_space<vmem>> -> memref<1x1x64xi32, #tpu.memory_space<vmem>>
      %dma_wait3A_40 = tpu.memref_squeeze %dma_wait3A_39 : memref<1x1x64xi32, #tpu.memory_space<vmem>> -> memref<64xi32, #tpu.memory_space<vmem>>
      %dma_wait3A_41 = arith.constant 0 : i32
      %dma_wait3A_42 = arith.constant 0 : i32
      %dma_wait3A_43 = tpu.memref_slice %arg11[%dma_wait3A_41, %dma_wait3A_42] : memref<10112x128xf32, #tpu.memory_space<vmem_shared>> -> memref<10112x128xf32, #tpu.memory_space<vmem_shared>>
      tpu.wait_indirect_dma semaphore(%arg15 : memref<!tpu.dma_semaphore, #tpu.memory_space<semaphore_mem>>) src(%arg10 : memref<64x128xf32, #tpu.memory_space<vmem>>) dst(%dma_wait3A_43 : memref<10112x128xf32, #tpu.memory_space<vmem_shared>>)
    }
    %scan3A_7 = arith.constant 2 : i32
    %barrier3A_8 = arith.constant 0 : index
    tpu.barrier barrier_id(%barrier3A_8)
    %mul3A_9 = arith.constant 632 : i32
    %mul3A_10 = arith.muli %arg1, %mul3A_9 : i32
    %mul3A_11 = arith.constant 632 : i32
    %mul3A_12 = arith.muli %arg1, %mul3A_11 : i32
    "tpu.region"() ({
      %run_scoped3A = tpu.sem_alloc : memref<!tpu.dma_semaphore, #tpu.memory_space<semaphore_mem>>
      %dma_start3A = arith.constant 0 : i32
      %dma_start3A_13 = tpu.memref_slice %arg5[%arg0, %mul3A_12, %dma_start3A] : memref<2x10112x128xf32, #tpu.memory_space<hbm>> -> memref<1x632x128xf32, #tpu.memory_space<hbm>>
      %dma_start3A_14 = tpu.memref_squeeze %dma_start3A_13 : memref<1x632x128xf32, #tpu.memory_space<hbm>> -> memref<632x128xf32, #tpu.memory_space<hbm>>
      %dma_start3A_15 = arith.constant 0 : i32
      %dma_start3A_16 = tpu.memref_slice %arg11[%mul3A_10, %dma_start3A_15] : memref<10112x128xf32, #tpu.memory_space<vmem_shared>> -> memref<632x128xf32, #tpu.memory_space<vmem_shared>>
      tpu.enqueue_dma source(%dma_start3A_16 : memref<632x128xf32, #tpu.memory_space<vmem_shared>>) target(%dma_start3A_14 : memref<632x128xf32, #tpu.memory_space<hbm>>) target_semaphore(%run_scoped3A : memref<!tpu.dma_semaphore, #tpu.memory_space<semaphore_mem>>)
      %dma_wait3A = arith.constant 0 : i32
      %dma_wait3A_17 = tpu.memref_slice %arg5[%arg0, %mul3A_12, %dma_wait3A] : memref<2x10112x128xf32, #tpu.memory_space<hbm>> -> memref<1x632x128xf32, #tpu.memory_space<hbm>>
      %dma_wait3A_18 = tpu.memref_squeeze %dma_wait3A_17 : memref<1x632x128xf32, #tpu.memory_space<hbm>> -> memref<632x128xf32, #tpu.memory_space<hbm>>
      %dma_wait3A_19 = arith.constant 0 : i32
      %dma_wait3A_20 = tpu.memref_slice %arg11[%mul3A_10, %dma_wait3A_19] : memref<10112x128xf32, #tpu.memory_space<vmem_shared>> -> memref<632x128xf32, #tpu.memory_space<vmem_shared>>
      tpu.wait_dma2 semaphore(%run_scoped3A : memref<!tpu.dma_semaphore, #tpu.memory_space<semaphore_mem>>) src(%dma_wait3A_20 : memref<632x128xf32, #tpu.memory_space<vmem_shared>>) dst(%dma_wait3A_18 : memref<632x128xf32, #tpu.memory_space<hbm>>)
      tpu.yield
    }) : () -> ()
    return
  }
}

module attributes {stable_mosaic.version = 14 : i64} {
  func.func @_dinv_body(%arg0: memref<2x10112x128xf32, #tpu.memory_space<vmem>>, %arg1: memref<10112x1xf32, #tpu.memory_space<vmem>>) attributes {dimension_semantics = [], scalar_prefetch = 0 : i64, scratch_operands = 0 : i64, tpu.core_type = #tpu.core_type<tc>} {
    %get3A = arith.constant 0 : index
    %get3A_0 = arith.constant 0 : index
    %get3A_1 = arith.constant 0 : index
    %get3A_2 = vector.load %arg0[%get3A, %get3A_0, %get3A_1] : memref<2x10112x128xf32, #tpu.memory_space<vmem>>, vector<1x10112x1xf32>
    %get3A_3 = vector.shape_cast %get3A_2 : vector<1x10112x1xf32> to vector<10112xf32>
    %get3A_4 = arith.constant 1 : index
    %get3A_5 = arith.constant 0 : index
    %get3A_6 = arith.constant 0 : index
    %get3A_7 = vector.load %arg0[%get3A_4, %get3A_5, %get3A_6] : memref<2x10112x128xf32, #tpu.memory_space<vmem>>, vector<1x10112x1xf32>
    %get3A_8 = vector.shape_cast %get3A_7 : vector<1x10112x1xf32> to vector<10112xf32>
    %add3A = arith.addf %get3A_3, %get3A_8 : vector<10112xf32>
    %add3A_9 = arith.constant 1.000000e+00 : f32
    %add3A_10 = vector.broadcast %add3A_9 : f32 to vector<10112xf32>
    %add3A_11 = arith.addf %add3A, %add3A_10 : vector<10112xf32>
    %rsqrt3A = math.rsqrt %add3A_11 : vector<10112xf32>
    %broadcast_in_dim3A = vector.shape_cast %rsqrt3A : vector<10112xf32> to vector<10112x1xf32>
    %swap3A = arith.constant 0 : index
    %swap3A_12 = arith.constant 0 : index
    %swap3A_13 = vector.load %arg1[%swap3A, %swap3A_12] : memref<10112x1xf32, #tpu.memory_space<vmem>>, vector<10112x1xf32>
    tpu.vector_store %arg1[%swap3A, %swap3A_12], %broadcast_in_dim3A {strides = array<i32>} : memref<10112x1xf32, #tpu.memory_space<vmem>>, vector<10112x1xf32>,
    return
  }
}

module attributes {stable_mosaic.version = 14 : i64} {
  func.func @_tca_body(%arg0: i32, %arg1: memref<632x128xf32, #tpu.memory_space<vmem>>, %arg2: memref<632x1xf32, #tpu.memory_space<vmem>>, %arg3: memref<128x128xf32, #tpu.memory_space<vmem>>, %arg4: memref<632x128xf32, #tpu.memory_space<vmem>>) attributes {dimension_semantics = [#tpu.dimension_semantics<parallel>], iteration_bounds = array<i64: 16>, scalar_prefetch = 0 : i64, scratch_operands = 0 : i64, tpu.core_type = #tpu.core_type<tc>, window_params = [{transform_indices = @transform_0, window_bounds = array<i64: 632, 128>}, {transform_indices = @transform_1, window_bounds = array<i64: 632, 1>}, {pipeline_mode = #tpu.pipeline_mode<synchronous>, transform_indices = @transform_2, window_bounds = array<i64: 128, 128>}, {transform_indices = @transform_3, window_bounds = array<i64: 632, 128>}]} {
    %get3A = arith.constant 0 : index
    %get3A_0 = arith.constant 0 : index
    %get3A_1 = vector.load %arg1[%get3A, %get3A_0] : memref<632x128xf32, #tpu.memory_space<vmem>>, vector<632x128xf32>
    %get3A_2 = arith.constant 0 : index
    %get3A_3 = arith.constant 0 : index
    %get3A_4 = vector.load %arg3[%get3A_2, %get3A_3] : memref<128x128xf32, #tpu.memory_space<vmem>>, vector<128x128xf32>
    %dot_general3A = arith.constant dense<0.000000e+00> : vector<632x128xf32>
    %dot_general3A_5 = tpu.matmul %get3A_1, %get3A_4, %dot_general3A {dimension_numbers = #tpu.dot_dimension_numbers<[1], [0], [0], [1], [0, 0, 1, 1], [], []>, precision = #tpu.contract_precision<fp32>, transpose_lhs_hint = false} : vector<632x128xf32>, vector<128x128xf32>, vector<632x128xf32> -> vector<632x128xf32>
    %get3A_6 = arith.constant 0 : index
    %get3A_7 = arith.constant 0 : index
    %get3A_8 = vector.load %arg2[%get3A_6, %get3A_7] : memref<632x1xf32, #tpu.memory_space<vmem>>, vector<632x1xf32>
    %mul3A = vector.broadcast %get3A_8 : vector<632x1xf32> to vector<632x128xf32>
    %mul3A_9 = arith.mulf %dot_general3A_5, %mul3A : vector<632x128xf32>
    %swap3A = arith.constant 0 : index
    %swap3A_10 = arith.constant 0 : index
    %swap3A_11 = vector.load %arg4[%swap3A, %swap3A_10] : memref<632x128xf32, #tpu.memory_space<vmem>>, vector<632x128xf32>
    tpu.vector_store %arg4[%swap3A, %swap3A_10], %mul3A_9 {strides = array<i32>} : memref<632x128xf32, #tpu.memory_space<vmem>>, vector<632x128xf32>,
    return
  }
  func.func @transform_0(%arg0: i32) -> (i32, i32) {
    %c0_i32 = arith.constant 0 : i32
    %c0_i32_0 = arith.constant 0 : i32
    return %arg0, %c0_i32 : i32, i32
  }
  func.func @transform_1(%arg0: i32) -> (i32, i32) {
    %c0_i32 = arith.constant 0 : i32
    %c0_i32_0 = arith.constant 0 : i32
    return %arg0, %c0_i32 : i32, i32
  }
  func.func @transform_2(%arg0: i32) -> (i32, i32) {
    %c0_i32 = arith.constant 0 : i32
    %c0_i32_0 = arith.constant 0 : i32
    %c0_i32_1 = arith.constant 0 : i32
    return %c0_i32, %c0_i32_0 : i32, i32
  }
  func.func @transform_3(%arg0: i32) -> (i32, i32) {
    %c0_i32 = arith.constant 0 : i32
    %c0_i32_0 = arith.constant 0 : i32
    return %arg0, %c0_i32 : i32, i32
  }
}

module attributes {stable_mosaic.version = 14 : i64} {
  func.func @_tcb_body(%arg0: i32, %arg1: memref<2x632x128xf32, #tpu.memory_space<vmem>>, %arg2: memref<632x128xf32, #tpu.memory_space<vmem>>, %arg3: memref<632x1xf32, #tpu.memory_space<vmem>>, %arg4: memref<1x128xf32, #tpu.memory_space<vmem>>, %arg5: memref<128x128xf32, #tpu.memory_space<vmem>>, %arg6: memref<632x128xf32, #tpu.memory_space<vmem>>, %arg7: memref<632x128xf32, #tpu.memory_space<vmem>>) attributes {dimension_semantics = [#tpu.dimension_semantics<parallel>], iteration_bounds = array<i64: 16>, scalar_prefetch = 0 : i64, scratch_operands = 0 : i64, tpu.core_type = #tpu.core_type<tc>, window_params = [{transform_indices = @transform_0, window_bounds = array<i64: 2, 632, 128>}, {transform_indices = @transform_1, window_bounds = array<i64: 632, 128>}, {transform_indices = @transform_2, window_bounds = array<i64: 632, 1>}, {pipeline_mode = #tpu.pipeline_mode<synchronous>, transform_indices = @transform_3, window_bounds = array<i64: 1, 128>}, {pipeline_mode = #tpu.pipeline_mode<synchronous>, transform_indices = @transform_4, window_bounds = array<i64: 128, 128>}, {transform_indices = @transform_5, window_bounds = array<i64: 632, 128>}, {transform_indices = @transform_6, window_bounds = array<i64: 632, 128>}]} {
    %get3A = arith.constant 0 : index
    %get3A_0 = arith.constant 0 : index
    %get3A_1 = vector.load %arg3[%get3A, %get3A_0] : memref<632x1xf32, #tpu.memory_space<vmem>>, vector<632x1xf32>
    %get3A_2 = arith.constant 0 : index
    %get3A_3 = arith.constant 0 : index
    %get3A_4 = arith.constant 0 : index
    %get3A_5 = vector.load %arg1[%get3A_2, %get3A_3, %get3A_4] : memref<2x632x128xf32, #tpu.memory_space<vmem>>, vector<1x632x128xf32>
    %get3A_6 = vector.shape_cast %get3A_5 : vector<1x632x128xf32> to vector<632x128xf32>
    %get3A_7 = arith.constant 1 : index
    %get3A_8 = arith.constant 0 : index
    %get3A_9 = arith.constant 0 : index
    %get3A_10 = vector.load %arg1[%get3A_7, %get3A_8, %get3A_9] : memref<2x632x128xf32, #tpu.memory_space<vmem>>, vector<1x632x128xf32>
    %get3A_11 = vector.shape_cast %get3A_10 : vector<1x632x128xf32> to vector<632x128xf32>
    %add3A = arith.addf %get3A_6, %get3A_11 : vector<632x128xf32>
    %get3A_12 = arith.constant 0 : index
    %get3A_13 = arith.constant 0 : index
    %get3A_14 = vector.load %arg2[%get3A_12, %get3A_13] : memref<632x128xf32, #tpu.memory_space<vmem>>, vector<632x128xf32>
    %add3A_15 = arith.addf %add3A, %get3A_14 : vector<632x128xf32>
    %mul3A = vector.broadcast %get3A_1 : vector<632x1xf32> to vector<632x128xf32>
    %mul3A_16 = arith.mulf %add3A_15, %mul3A : vector<632x128xf32>
    %get3A_17 = arith.constant 0 : index
    %get3A_18 = arith.constant 0 : index
    %get3A_19 = vector.load %arg4[%get3A_17, %get3A_18] : memref<1x128xf32, #tpu.memory_space<vmem>>, vector<1x128xf32>
    %add3A_20 = vector.broadcast %get3A_19 : vector<1x128xf32> to vector<632x128xf32>
    %add3A_21 = arith.addf %mul3A_16, %add3A_20 : vector<632x128xf32>
    %max3A = arith.constant 0.000000e+00 : f32
    %max3A_22 = vector.broadcast %max3A : f32 to vector<632x128xf32>
    %max3A_23 = arith.maximumf %add3A_21, %max3A_22 : vector<632x128xf32>
    %swap3A = arith.constant 0 : index
    %swap3A_24 = arith.constant 0 : index
    %swap3A_25 = vector.load %arg6[%swap3A, %swap3A_24] : memref<632x128xf32, #tpu.memory_space<vmem>>, vector<632x128xf32>
    tpu.vector_store %arg6[%swap3A, %swap3A_24], %max3A_23 {strides = array<i32>} : memref<632x128xf32, #tpu.memory_space<vmem>>, vector<632x128xf32>,
    %get3A_26 = arith.constant 0 : index
    %get3A_27 = arith.constant 0 : index
    %get3A_28 = vector.load %arg5[%get3A_26, %get3A_27] : memref<128x128xf32, #tpu.memory_space<vmem>>, vector<128x128xf32>
    %dot_general3A = arith.constant dense<0.000000e+00> : vector<632x128xf32>
    %dot_general3A_29 = tpu.matmul %max3A_23, %get3A_28, %dot_general3A {dimension_numbers = #tpu.dot_dimension_numbers<[1], [0], [0], [1], [0, 0, 1, 1], [], []>, precision = #tpu.contract_precision<fp32>, transpose_lhs_hint = false} : vector<632x128xf32>, vector<128x128xf32>, vector<632x128xf32> -> vector<632x128xf32>
    %mul3A_30 = vector.broadcast %get3A_1 : vector<632x1xf32> to vector<632x128xf32>
    %mul3A_31 = arith.mulf %dot_general3A_29, %mul3A_30 : vector<632x128xf32>
    %swap3A_32 = arith.constant 0 : index
    %swap3A_33 = arith.constant 0 : index
    %swap3A_34 = vector.load %arg7[%swap3A_32, %swap3A_33] : memref<632x128xf32, #tpu.memory_space<vmem>>, vector<632x128xf32>
    tpu.vector_store %arg7[%swap3A_32, %swap3A_33], %mul3A_31 {strides = array<i32>} : memref<632x128xf32, #tpu.memory_space<vmem>>, vector<632x128xf32>,
    return
  }
  func.func @transform_0(%arg0: i32) -> (i32, i32, i32) {
    %c0_i32 = arith.constant 0 : i32
    %c0_i32_0 = arith.constant 0 : i32
    %c0_i32_1 = arith.constant 0 : i32
    return %c0_i32, %arg0, %c0_i32_0 : i32, i32, i32
  }
  func.func @transform_1(%arg0: i32) -> (i32, i32) {
    %c0_i32 = arith.constant 0 : i32
    %c0_i32_0 = arith.constant 0 : i32
    return %arg0, %c0_i32 : i32, i32
  }
  func.func @transform_2(%arg0: i32) -> (i32, i32) {
    %c0_i32 = arith.constant 0 : i32
    %c0_i32_0 = arith.constant 0 : i32
    return %arg0, %c0_i32 : i32, i32
  }
  func.func @transform_3(%arg0: i32) -> (i32, i32) {
    %c0_i32 = arith.constant 0 : i32
    %c0_i32_0 = arith.constant 0 : i32
    %c0_i32_1 = arith.constant 0 : i32
    return %c0_i32, %c0_i32_0 : i32, i32
  }
  func.func @transform_4(%arg0: i32) -> (i32, i32) {
    %c0_i32 = arith.constant 0 : i32
    %c0_i32_0 = arith.constant 0 : i32
    %c0_i32_1 = arith.constant 0 : i32
    return %c0_i32, %c0_i32_0 : i32, i32
  }
  func.func @transform_5(%arg0: i32) -> (i32, i32) {
    %c0_i32 = arith.constant 0 : i32
    %c0_i32_0 = arith.constant 0 : i32
    return %arg0, %c0_i32 : i32, i32
  }
  func.func @transform_6(%arg0: i32) -> (i32, i32) {
    %c0_i32 = arith.constant 0 : i32
    %c0_i32_0 = arith.constant 0 : i32
    return %arg0, %c0_i32 : i32, i32
  }
}

module attributes {stable_mosaic.version = 14 : i64} {
  func.func @_tcc_body(%arg0: i32, %arg1: memref<2x632x128xf32, #tpu.memory_space<vmem>>, %arg2: memref<632x128xf32, #tpu.memory_space<vmem>>, %arg3: memref<632x1xf32, #tpu.memory_space<vmem>>, %arg4: memref<1x128xf32, #tpu.memory_space<vmem>>, %arg5: memref<632x128xf32, #tpu.memory_space<vmem>>, %arg6: memref<632x128xf32, #tpu.memory_space<vmem>>, %arg7: memref<3x128x128xf32, #tpu.memory_space<vmem>>, %arg8: memref<1x128xf32, #tpu.memory_space<vmem>>, %arg9: memref<1x1x632xi32, #tpu.memory_space<vmem>>, %arg10: memref<128x128xf32, #tpu.memory_space<vmem>>, %arg11: memref<1x128xf32, #tpu.memory_space<vmem>>, %arg12: memref<128x64xf32, #tpu.memory_space<vmem>>, %arg13: memref<1x64xf32, #tpu.memory_space<vmem>>, %arg14: memref<128x64xf32, #tpu.memory_space<vmem>>, %arg15: memref<128x128xf32, #tpu.memory_space<vmem>>) attributes {dimension_semantics = [#tpu.dimension_semantics<arbitrary>], iteration_bounds = array<i64: 16>, scalar_prefetch = 0 : i64, scratch_operands = 1 : i64, tpu.core_type = #tpu.core_type<tc>, window_params = [{transform_indices = @transform_0, window_bounds = array<i64: 2, 632, 128>}, {transform_indices = @transform_1, window_bounds = array<i64: 632, 128>}, {transform_indices = @transform_2, window_bounds = array<i64: 632, 1>}, {pipeline_mode = #tpu.pipeline_mode<synchronous>, transform_indices = @transform_3, window_bounds = array<i64: 1, 128>}, {transform_indices = @transform_4, window_bounds = array<i64: 632, 128>}, {transform_indices = @transform_5, window_bounds = array<i64: 632, 128>}, {pipeline_mode = #tpu.pipeline_mode<synchronous>, transform_indices = @transform_6, window_bounds = array<i64: 3, 128, 128>}, {pipeline_mode = #tpu.pipeline_mode<synchronous>, transform_indices = @transform_7, window_bounds = array<i64: 1, 128>}, {transform_indices = @transform_8, window_bounds = array<i64: 1, 1, 632>}, {pipeline_mode = #tpu.pipeline_mode<synchronous>, transform_indices = @transform_9, window_bounds = array<i64: 128, 128>}, {pipeline_mode = #tpu.pipeline_mode<synchronous>, transform_indices = @transform_10, window_bounds = array<i64: 1, 128>}, {pipeline_mode = #tpu.pipeline_mode<synchronous>, transform_indices = @transform_11, window_bounds = array<i64: 128, 64>}, {pipeline_mode = #tpu.pipeline_mode<synchronous>, transform_indices = @transform_12, window_bounds = array<i64: 1, 64>}, {pipeline_mode = #tpu.pipeline_mode<synchronous>, transform_indices = @transform_13, window_bounds = array<i64: 128, 64>}]} {
    %eq3A = arith.constant 0 : i32
    %eq3A_0 = arith.cmpi eq, %arg0, %eq3A : i32
    %convert_element_type3A = arith.extui %eq3A_0 : i1 to i32
    %cond3A = arith.constant 0 : i32
    %cond3A_1 = arith.cmpi ne, %convert_element_type3A, %cond3A : i32
    scf.if %cond3A_1 {
      %broadcast_in_dim3A_81 = arith.constant 0.000000e+00 : f32
      %broadcast_in_dim3A_82 = vector.broadcast %broadcast_in_dim3A_81 : f32 to vector<128x128xf32>
      %swap3A_83 = arith.constant 0 : index
      %swap3A_84 = arith.constant 0 : index
      %swap3A_85 = vector.load %arg15[%swap3A_83, %swap3A_84] : memref<128x128xf32, #tpu.memory_space<vmem>>, vector<128x128xf32>
      tpu.vector_store %arg15[%swap3A_83, %swap3A_84], %broadcast_in_dim3A_82 {strides = array<i32>} : memref<128x128xf32, #tpu.memory_space<vmem>>, vector<128x128xf32>,
    } else {
    }
    %get3A = arith.constant 0 : index
    %get3A_2 = arith.constant 0 : index
    %get3A_3 = arith.constant 0 : index
    %get3A_4 = vector.load %arg1[%get3A, %get3A_2, %get3A_3] : memref<2x632x128xf32, #tpu.memory_space<vmem>>, vector<1x632x128xf32>
    %get3A_5 = vector.shape_cast %get3A_4 : vector<1x632x128xf32> to vector<632x128xf32>
    %get3A_6 = arith.constant 1 : index
    %get3A_7 = arith.constant 0 : index
    %get3A_8 = arith.constant 0 : index
    %get3A_9 = vector.load %arg1[%get3A_6, %get3A_7, %get3A_8] : memref<2x632x128xf32, #tpu.memory_space<vmem>>, vector<1x632x128xf32>
    %get3A_10 = vector.shape_cast %get3A_9 : vector<1x632x128xf32> to vector<632x128xf32>
    %add3A = arith.addf %get3A_5, %get3A_10 : vector<632x128xf32>
    %get3A_11 = arith.constant 0 : index
    %get3A_12 = arith.constant 0 : index
    %get3A_13 = vector.load %arg2[%get3A_11, %get3A_12] : memref<632x128xf32, #tpu.memory_space<vmem>>, vector<632x128xf32>
    %add3A_14 = arith.addf %add3A, %get3A_13 : vector<632x128xf32>
    %get3A_15 = arith.constant 0 : index
    %get3A_16 = arith.constant 0 : index
    %get3A_17 = vector.load %arg3[%get3A_15, %get3A_16] : memref<632x1xf32, #tpu.memory_space<vmem>>, vector<632x1xf32>
    %mul3A = vector.broadcast %get3A_17 : vector<632x1xf32> to vector<632x128xf32>
    %mul3A_18 = arith.mulf %add3A_14, %mul3A : vector<632x128xf32>
    %get3A_19 = arith.constant 0 : index
    %get3A_20 = arith.constant 0 : index
    %get3A_21 = vector.load %arg4[%get3A_19, %get3A_20] : memref<1x128xf32, #tpu.memory_space<vmem>>, vector<1x128xf32>
    %add3A_22 = vector.broadcast %get3A_21 : vector<1x128xf32> to vector<632x128xf32>
    %add3A_23 = arith.addf %mul3A_18, %add3A_22 : vector<632x128xf32>
    %max3A = arith.constant 0.000000e+00 : f32
    %max3A_24 = vector.broadcast %max3A : f32 to vector<632x128xf32>
    %max3A_25 = arith.maximumf %add3A_23, %max3A_24 : vector<632x128xf32>
    %get3A_26 = arith.constant 0 : index
    %get3A_27 = arith.constant 0 : index
    %get3A_28 = vector.load %arg5[%get3A_26, %get3A_27] : memref<632x128xf32, #tpu.memory_space<vmem>>, vector<632x128xf32>
    %get3A_29 = arith.constant 0 : index
    %get3A_30 = arith.constant 0 : index
    %get3A_31 = arith.constant 0 : index
    %get3A_32 = vector.load %arg7[%get3A_29, %get3A_30, %get3A_31] : memref<3x128x128xf32, #tpu.memory_space<vmem>>, vector<1x128x128xf32>
    %get3A_33 = vector.shape_cast %get3A_32 : vector<1x128x128xf32> to vector<128x128xf32>
    %dot_general3A = arith.constant dense<0.000000e+00> : vector<632x128xf32>
    %dot_general3A_34 = tpu.matmul %get3A_28, %get3A_33, %dot_general3A {dimension_numbers = #tpu.dot_dimension_numbers<[1], [0], [0], [1], [0, 0, 1, 1], [], []>, precision = #tpu.contract_precision<fp32>, transpose_lhs_hint = false} : vector<632x128xf32>, vector<128x128xf32>, vector<632x128xf32> -> vector<632x128xf32>
    %get3A_35 = arith.constant 0 : index
    %get3A_36 = arith.constant 0 : index
    %get3A_37 = vector.load %arg6[%get3A_35, %get3A_36] : memref<632x128xf32, #tpu.memory_space<vmem>>, vector<632x128xf32>
    %get3A_38 = arith.constant 1 : index
    %get3A_39 = arith.constant 0 : index
    %get3A_40 = arith.constant 0 : index
    %get3A_41 = vector.load %arg7[%get3A_38, %get3A_39, %get3A_40] : memref<3x128x128xf32, #tpu.memory_space<vmem>>, vector<1x128x128xf32>
    %get3A_42 = vector.shape_cast %get3A_41 : vector<1x128x128xf32> to vector<128x128xf32>
    %dot_general3A_43 = arith.constant dense<0.000000e+00> : vector<632x128xf32>
    %dot_general3A_44 = tpu.matmul %get3A_37, %get3A_42, %dot_general3A_43 {dimension_numbers = #tpu.dot_dimension_numbers<[1], [0], [0], [1], [0, 0, 1, 1], [], []>, precision = #tpu.contract_precision<fp32>, transpose_lhs_hint = false} : vector<632x128xf32>, vector<128x128xf32>, vector<632x128xf32> -> vector<632x128xf32>
    %add3A_45 = arith.addf %dot_general3A_34, %dot_general3A_44 : vector<632x128xf32>
    %get3A_46 = arith.constant 2 : index
    %get3A_47 = arith.constant 0 : index
    %get3A_48 = arith.constant 0 : index
    %get3A_49 = vector.load %arg7[%get3A_46, %get3A_47, %get3A_48] : memref<3x128x128xf32, #tpu.memory_space<vmem>>, vector<1x128x128xf32>
    %get3A_50 = vector.shape_cast %get3A_49 : vector<1x128x128xf32> to vector<128x128xf32>
    %dot_general3A_51 = arith.constant dense<0.000000e+00> : vector<632x128xf32>
    %dot_general3A_52 = tpu.matmul %max3A_25, %get3A_50, %dot_general3A_51 {dimension_numbers = #tpu.dot_dimension_numbers<[1], [0], [0], [1], [0, 0, 1, 1], [], []>, precision = #tpu.contract_precision<fp32>, transpose_lhs_hint = false} : vector<632x128xf32>, vector<128x128xf32>, vector<632x128xf32> -> vector<632x128xf32>
    %add3A_53 = arith.addf %add3A_45, %dot_general3A_52 : vector<632x128xf32>
    %get3A_54 = arith.constant 0 : index
    %get3A_55 = arith.constant 0 : index
    %get3A_56 = vector.load %arg8[%get3A_54, %get3A_55] : memref<1x128xf32, #tpu.memory_space<vmem>>, vector<1x128xf32>
    %add3A_57 = vector.broadcast %get3A_56 : vector<1x128xf32> to vector<632x128xf32>
    %add3A_58 = arith.addf %add3A_53, %add3A_57 : vector<632x128xf32>
    %get3A_59 = arith.constant 0 : index
    %get3A_60 = arith.constant 0 : index
    %get3A_61 = arith.constant 0 : index
    %get3A_62 = vector.load %arg9[%get3A_59, %get3A_60, %get3A_61] : memref<1x1x632xi32, #tpu.memory_space<vmem>>, vector<1x1x632xi32>
    %get3A_63 = vector.shape_cast %get3A_62 : vector<1x1x632xi32> to vector<632xi32>
    %iota3A = tpu.iota {dimensions = array<i32: 1>} : vector<632x128xi32>
    %broadcast_in_dim3A = vector.shape_cast %get3A_63 : vector<632xi32> to vector<632x1xi32>
    %eq3A_64 = vector.broadcast %broadcast_in_dim3A : vector<632x1xi32> to vector<632x128xi32>
    %eq3A_65 = arith.cmpi eq, %eq3A_64, %iota3A : vector<632x128xi32>
    %convert_element_type3A_66 = arith.extui %eq3A_65 : vector<632x128xi1> to vector<632x128xi32>
    %convert_element_type3A_67 = arith.sitofp %convert_element_type3A_66 : vector<632x128xi32> to vector<632x128xf32>
    %get3A_68 = arith.constant 0 : index
    %get3A_69 = arith.constant 0 : index
    %get3A_70 = vector.load %arg15[%get3A_68, %get3A_69] : memref<128x128xf32, #tpu.memory_space<vmem>>, vector<128x128xf32>
    %dot_general3A_71 = arith.constant dense<0.000000e+00> : vector<128x128xf32>
    %dot_general3A_72 = tpu.matmul %convert_element_type3A_67, %add3A_58, %dot_general3A_71 {dimension_numbers = #tpu.dot_dimension_numbers<[0], [0], [1], [1], [0, 1, 1, 1], [], []>, precision = #tpu.contract_precision<fp32>, transpose_lhs_hint = false} : vector<632x128xf32>, vector<632x128xf32>, vector<128x128xf32> -> vector<128x128xf32>
    %add3A_73 = arith.addf %get3A_70, %dot_general3A_72 : vector<128x128xf32>
    %swap3A = arith.constant 0 : index
    %swap3A_74 = arith.constant 0 : index
    %swap3A_75 = vector.load %arg15[%swap3A, %swap3A_74] : memref<128x128xf32, #tpu.memory_space<vmem>>, vector<128x128xf32>
    tpu.vector_store %arg15[%swap3A, %swap3A_74], %add3A_73 {strides = array<i32>} : memref<128x128xf32, #tpu.memory_space<vmem>>, vector<128x128xf32>,
    %eq3A_76 = arith.constant 15 : i32
    %eq3A_77 = arith.cmpi eq, %arg0, %eq3A_76 : i32
    %convert_element_type3A_78 = arith.extui %eq3A_77 : i1 to i32
    %cond3A_79 = arith.constant 0 : i32
    %cond3A_80 = arith.cmpi ne, %convert_element_type3A_78, %cond3A_79 : i32
    scf.if %cond3A_80 {
      %get3A_81 = arith.constant 0 : index
      %get3A_82 = arith.constant 0 : index
      %get3A_83 = vector.load %arg15[%get3A_81, %get3A_82] : memref<128x128xf32, #tpu.memory_space<vmem>>, vector<128x128xf32>
      %get3A_84 = arith.constant 0 : index
      %get3A_85 = arith.constant 0 : index
      %get3A_86 = vector.load %arg10[%get3A_84, %get3A_85] : memref<128x128xf32, #tpu.memory_space<vmem>>, vector<128x128xf32>
      %dot_general3A_87 = arith.constant dense<0.000000e+00> : vector<128x128xf32>
      %dot_general3A_88 = tpu.matmul %get3A_83, %get3A_86, %dot_general3A_87 {dimension_numbers = #tpu.dot_dimension_numbers<[1], [0], [0], [1], [0, 0, 1, 1], [], []>, precision = #tpu.contract_precision<fp32>, transpose_lhs_hint = false} : vector<128x128xf32>, vector<128x128xf32>, vector<128x128xf32> -> vector<128x128xf32>
      %get3A_89 = arith.constant 0 : index
      %get3A_90 = arith.constant 0 : index
      %get3A_91 = vector.load %arg11[%get3A_89, %get3A_90] : memref<1x128xf32, #tpu.memory_space<vmem>>, vector<1x128xf32>
      %add3A_92 = vector.broadcast %get3A_91 : vector<1x128xf32> to vector<128x128xf32>
      %add3A_93 = arith.addf %dot_general3A_88, %add3A_92 : vector<128x128xf32>
      %max3A_94 = arith.constant 0.000000e+00 : f32
      %max3A_95 = vector.broadcast %max3A_94 : f32 to vector<128x128xf32>
      %max3A_96 = arith.maximumf %add3A_93, %max3A_95 : vector<128x128xf32>
      %get3A_97 = arith.constant 0 : index
      %get3A_98 = arith.constant 0 : index
      %get3A_99 = vector.load %arg12[%get3A_97, %get3A_98] : memref<128x64xf32, #tpu.memory_space<vmem>>, vector<128x64xf32>
      %dot_general3A_100 = arith.constant dense<0.000000e+00> : vector<128x64xf32>
      %dot_general3A_101 = tpu.matmul %max3A_96, %get3A_99, %dot_general3A_100 {dimension_numbers = #tpu.dot_dimension_numbers<[1], [0], [0], [1], [0, 0, 1, 1], [], []>, precision = #tpu.contract_precision<fp32>, transpose_lhs_hint = false} : vector<128x128xf32>, vector<128x64xf32>, vector<128x64xf32> -> vector<128x64xf32>
      %get3A_102 = arith.constant 0 : index
      %get3A_103 = arith.constant 0 : index
      %get3A_104 = vector.load %arg13[%get3A_102, %get3A_103] : memref<1x64xf32, #tpu.memory_space<vmem>>, vector<1x64xf32>
      %add3A_105 = vector.broadcast %get3A_104 : vector<1x64xf32> to vector<128x64xf32>
      %add3A_106 = arith.addf %dot_general3A_101, %add3A_105 : vector<128x64xf32>
      %swap3A_107 = arith.constant 0 : index
      %swap3A_108 = arith.constant 0 : index
      %swap3A_109 = vector.load %arg14[%swap3A_107, %swap3A_108] : memref<128x64xf32, #tpu.memory_space<vmem>>, vector<128x64xf32>
      tpu.vector_store %arg14[%swap3A_107, %swap3A_108], %add3A_106 {strides = array<i32>} : memref<128x64xf32, #tpu.memory_space<vmem>>, vector<128x64xf32>,
    } else {
    }
    return
  }
  func.func @transform_0(%arg0: i32) -> (i32, i32, i32) {
    %c0_i32 = arith.constant 0 : i32
    %c0_i32_0 = arith.constant 0 : i32
    %c0_i32_1 = arith.constant 0 : i32
    return %c0_i32, %arg0, %c0_i32_0 : i32, i32, i32
  }
  func.func @transform_1(%arg0: i32) -> (i32, i32) {
    %c0_i32 = arith.constant 0 : i32
    %c0_i32_0 = arith.constant 0 : i32
    return %arg0, %c0_i32 : i32, i32
  }
  func.func @transform_2(%arg0: i32) -> (i32, i32) {
    %c0_i32 = arith.constant 0 : i32
    %c0_i32_0 = arith.constant 0 : i32
    return %arg0, %c0_i32 : i32, i32
  }
  func.func @transform_3(%arg0: i32) -> (i32, i32) {
    %c0_i32 = arith.constant 0 : i32
    %c0_i32_0 = arith.constant 0 : i32
    %c0_i32_1 = arith.constant 0 : i32
    return %c0_i32, %c0_i32_0 : i32, i32
  }
  func.func @transform_4(%arg0: i32) -> (i32, i32) {
    %c0_i32 = arith.constant 0 : i32
    %c0_i32_0 = arith.constant 0 : i32
    return %arg0, %c0_i32 : i32, i32
  }
  func.func @transform_5(%arg0: i32) -> (i32, i32) {
    %c0_i32 = arith.constant 0 : i32
    %c0_i32_0 = arith.constant 0 : i32
    return %arg0, %c0_i32 : i32, i32
  }
  func.func @transform_6(%arg0: i32) -> (i32, i32, i32) {
    %c0_i32 = arith.constant 0 : i32
    %c0_i32_0 = arith.constant 0 : i32
    %c0_i32_1 = arith.constant 0 : i32
    %c0_i32_2 = arith.constant 0 : i32
    return %c0_i32, %c0_i32_0, %c0_i32_1 : i32, i32, i32
  }
  func.func @transform_7(%arg0: i32) -> (i32, i32) {
    %c0_i32 = arith.constant 0 : i32
    %c0_i32_0 = arith.constant 0 : i32
    %c0_i32_1 = arith.constant 0 : i32
    return %c0_i32, %c0_i32_0 : i32, i32
  }
  func.func @transform_8(%arg0: i32) -> (i32, i32, i32) {
    %c0_i32 = arith.constant 0 : i32
    %c0_i32_0 = arith.constant 0 : i32
    %c0_i32_1 = arith.constant 0 : i32
    return %arg0, %c0_i32, %c0_i32_0 : i32, i32, i32
  }
  func.func @transform_9(%arg0: i32) -> (i32, i32) {
    %c0_i32 = arith.constant 0 : i32
    %c0_i32_0 = arith.constant 0 : i32
    %c0_i32_1 = arith.constant 0 : i32
    return %c0_i32, %c0_i32_0 : i32, i32
  }
  func.func @transform_10(%arg0: i32) -> (i32, i32) {
    %c0_i32 = arith.constant 0 : i32
    %c0_i32_0 = arith.constant 0 : i32
    %c0_i32_1 = arith.constant 0 : i32
    return %c0_i32, %c0_i32_0 : i32, i32
  }
  func.func @transform_11(%arg0: i32) -> (i32, i32) {
    %c0_i32 = arith.constant 0 : i32
    %c0_i32_0 = arith.constant 0 : i32
    %c0_i32_1 = arith.constant 0 : i32
    return %c0_i32, %c0_i32_0 : i32, i32
  }
  func.func @transform_12(%arg0: i32) -> (i32, i32) {
    %c0_i32 = arith.constant 0 : i32
    %c0_i32_0 = arith.constant 0 : i32
    %c0_i32_1 = arith.constant 0 : i32
    return %c0_i32, %c0_i32_0 : i32, i32
  }
  func.func @transform_13(%arg0: i32) -> (i32, i32) {
    %c0_i32 = arith.constant 0 : i32
    %c0_i32_0 = arith.constant 0 : i32
    %c0_i32_1 = arith.constant 0 : i32
    return %c0_i32, %c0_i32_0 : i32, i32
  }
}

</mosaic_0001>

<sc_bundles>
// kernel: kernel.11.cloned.1.call-start
scs
__scs_entry_jumppad:
0x0: {  	(pc) =	sbr.rel $0x88, $3  }
0x1: {  	(tag) =	ssettag $0x0;
	lr =	simm.s32 $0x1  }
0x2: {  	[smem:$0x3F92] =	sst lr;
	_ =	strace $0xD0000000  }
0x3: {  	_ = 	snop  }
0x4: {  	_ = 	snop  }
0x5: {  	_ = 	snop  }
0x6: {  	_ = 	snop  }
0x7: {  	_ = 	snop  }
__scs_overlays_trampoline_lowered:
0x8: {  	[smem:$0x3FA1] =	sst s0  }
0x9: {  	[smem:$0x3FA2] =	sst s1  }
0xa: {  	[smem:$0x3FA3] =	sst s2  }
0xb: {  	[smem:$0x3FA4] =	sst s3  }
0xc: {  	[smem:$0x3FA5] =	sst s4  }
0xd: {  	[smem:$0x3FA6] =	sst s5  }
0xe: {  	[smem:$0x3FA7] =	sst s6  }
0xf: {  	[smem:$0x3FA8] =	sst s7  }
0x10: {  	[smem:$0x3FA9] =	sst s8  }
0x11: {  	[smem:$0x3FAA] =	sst s9;
	s0 =	simm.s32 @!p0 $0x0  }
0x12: {  	s1 =	sld [smem:$0x3F90];
	s0 =	simm.s32 @p0 $0x1  }
0x13: {  	[smem:$0x3FAB] =	sst s0;
	s0 =	simm.s32 @!p1 $0x0  }
0x14: {  	s2 =	sld [smem:$0x3F8F];
	s0 =	simm.s32 @p1 $0x1  }
0x15: {  	[smem:$0x3FAC] =	sst s0;
	s0 =	simm.s32 @!p2 $0x0  }
0x16: {  	s3 =	sld [smem:$0x3FDB];
	s0 =	simm.s32 @p2 $0x1  }
0x17: {  	s4 =	simm.s32 $0x1BF5;
	[smem:$0x3FAE] =	sst s0  }
0x18: {  	s0 =	sld [smem:$0x3F91];
	_ =	swait.ge [sflag:s4], $0x0  }
0x19: {  	s7 =	sld [smem:$0x3F92]  }
0x1a: {  	s8 =	sadd.s32 $0xFFFFE003, lr  }
0x1b: {  	s9 =	sadd.s32 $0xFFFFFEF7, lr;
	s5 =	simm.s32 $0xFFFFFFFF;
	p2 =	slt.u32 s8, $0xFFFFF086  }
0x1c: {  	p1 =	slt.u32 s9, $0xF7A;
	s5 =	simm.s32 @!p2 $0x0  }
0x1d: {  	s5 =	simm.s32 @p1 $0x1;
	p0 =	seq.s32 s7, s2  }
0x1e: {  	s7 =	smul.u32 @!p0 $0xF7A, s2;
	p2 =	seq.s32 @!p0 s5, $0x0  }
0x1f: {  	s9 =	smul.u32 $0xF7A, s1;
	s8 =	simm.s32 @!p0 $0x1BF5;
	p2 =	por !p2, p0  }
0x20: {  	[sflag:s8] =	ssyncset.s32 @!p0 $0xFFFFF086;
	s6 =	sadd.s32 @!p0 s3, s7;
	s7 =	simm.s32 @!p0 $0x108  }
0x21: {  	s3 =	sadd.s32 s3, s9;
	s6 =	sadd.s32 @!p0 $0x88, s6;
	s7 =	simm.s32 @p2 $0x1082  }
0x22: {  	[simem:s7], [sflag:s8] =	dma.local @!p0 [hbm:s6], $0xF7A  }
0x23: {  	s9 =	sor.u32 $0xD0000000, s2;
	s6 =	simm.s32 $0x108;
	_ =	swait.ge @!p0 [sflag:s8], $0x0  }
0x24: {  	s3 =	sadd.s32 $0x88, s3;
	s6 =	simm.s32 @!p1 $0x1082;
	[sflag:s4] =	ssyncset.s32 $0xFFFFF086  }
0x25: {  	[simem:s6], [sflag:s4] =	dma.local [hbm:s3], $0xF7A  }
0x26: {  	[smem:$0x3F92] =	sst s1;
	(tag) =	ssettag s2;
	_ =	strace s9  }
0x27: {  	s1 =	sld [smem:$0x3FA2]  }
0x28: {  	s2 =	sld [smem:$0x3FA3]  }
0x29: {  	s4 =	sld [smem:$0x3FA5]  }
0x2a: {  	p0 =	seq.s32 s5, $0x0;
	s5 =	sld [smem:$0x3FA6]  }
0x2b: {  	s6 =	sld [smem:$0x3FA7]  }
0x2c: {  	s7 =	sld [smem:$0x3FA8]  }
0x2d: {  	s3 =	simm.s32 $0x108;
	s8 =	sld [smem:$0x3FA9]  }
0x2e: {  	s3 =	simm.s32 @!p0 $0x1082;
	s9 =	sld [smem:$0x3FAA]  }
0x2f: {  	lr =	sadd.s32 s0, s3;
	s0 =	sld [smem:$0x3FA1]  }
0x30: {  	s3 =	sld [smem:$0x3FA4]  }
0x31: {  	[smem:$0x3FAD] =	sst s10  }
0x32: {  	s10 =	sld [smem:$0x3FAB];
	_ =	sdelay $0x3  }
0x33: {  	p0 =	seq.s32 s10, $0x1;
	s10 =	sld [smem:$0x3FAD];
	_ =	sdelay $0x3  }
0x34: {  	[smem:$0x3FAD] =	sst s10  }
0x35: {  	s10 =	sld [smem:$0x3FAC];
	_ =	sdelay $0x3  }
0x36: {  	p1 =	seq.s32 s10, $0x1;
	s10 =	sld [smem:$0x3FAD];
	_ =	sdelay $0x3  }
0x37: {  	[smem:$0x3FAD] =	sst s10  }
0x38: {  	s10 =	sld [smem:$0x3FAE]  }
0x39: {  	_ = 	snop;
	(pc) =	sbr.ind lr, $3  }
0x3a: {  	_ = 	snop  }
0x3b: {  	_ = 	snop  }
0x3c: {  	p2 =	seq.s32 s10, $0x1;
	s10 =	sld [smem:$0x3FAD]  }
0x3d: {  	_ =	shalt  }
0x3e: {  	_ =	shalt  }
0x3f: {  	_ =	shalt  }
0x40: {  	_ =	shalt  }
0x41: {  	_ =	shalt  }
0x42: {  	_ =	shalt  }
0x43: {  	_ =	shalt  }
0x44: {  	_ =	shalt  }
0x45: {  	_ =	shalt  }
0x46: {  	_ =	shalt  }
0x47: {  	_ =	shalt  }
0x48: {  	_ =	shalt  }
0x49: {  	_ =	shalt  }
0x4a: {  	_ =	shalt  }
0x4b: {  	_ =	shalt  }
0x4c: {  	_ =	shalt  }
0x4d: {  	_ =	shalt  }
0x4e: {  	_ =	shalt  }
0x4f: {  	_ =	shalt  }
0x50: {  	_ =	shalt  }
0x51: {  	_ =	shalt  }
0x52: {  	_ =	shalt  }
0x53: {  	_ =	shalt  }
0x54: {  	_ =	shalt  }
0x55: {  	_ =	shalt  }
0x56: {  	_ =	shalt  }
0x57: {  	_ =	shalt  }
0x58: {  	_ =	shalt  }
0x59: {  	_ =	shalt  }
0x5a: {  	_ =	shalt  }
0x5b: {  	_ =	shalt  }
0x5c: {  	_ =	shalt  }
0x5d: {  	_ =	shalt  }
0x5e: {  	_ =	shalt  }
0x5f: {  	_ =	shalt  }
0x60: {  	_ =	shalt  }
0x61: {  	_ =	shalt  }
0x62: {  	_ =	shalt  }
0x63: {  	_ =	shalt  }
0x64: {  	_ =	shalt  }
0x65: {  	_ =	shalt  }
0x66: {  	_ =	shalt  }
0x67: {  	_ =	shalt  }
0x68: {  	_ =	shalt  }
0x69: {  	_ =	shalt  }
0x6a: {  	_ =	shalt  }
0x6b: {  	_ =	shalt  }
0x6c: {  	_ =	shalt  }
0x6d: {  	_ =	shalt  }
0x6e: {  	_ =	shalt  }
0x6f: {  	_ =	shalt  }
0x70: {  	_ =	shalt  }
0x71: {  	_ =	shalt  }
0x72: {  	_ =	shalt  }
0x73: {  	_ =	shalt  }
0x74: {  	_ =	shalt  }
0x75: {  	_ =	shalt  }
0x76: {  	_ =	shalt  }
0x77: {  	_ =	shalt  }
0x78: {  	_ =	shalt  }
0x79: {  	_ =	shalt  }
0x7a: {  	_ =	shalt  }
0x7b: {  	_ =	shalt  }
0x7c: {  	_ =	shalt  }
0x7d: {  	_ =	shalt  }
0x7e: {  	_ =	shalt  }
0x7f: {  	_ =	shalt  }
0x80: {  	_ =	shalt  }
0x81: {  	_ =	shalt  }
0x82: {  	_ =	shalt  }
0x83: {  	_ =	shalt  }
0x84: {  	_ =	shalt  }
0x85: {  	_ =	shalt  }
0x86: {  	_ =	shalt  }
0x87: {  	_ =	shalt  }
.Lfunc_end0:
.L_simem_size_0:
called_computation_lowered:
.L_overlay_start_0:
0x88: {  	s2 =	sld [smem:$0x3FD9]  }
0x89: {  	s3 =	sld [smem:$0x3FFE];
	_ =	sdelay $0x1  }
0x8a: {  	s1 =	srdreg.scid  }
0x8b: {  	s0 =	sand.u32 $0x1, s1  }
0x8c: {  	s17 =	sshll.u32 s0, $0xA;
	s2 =	sadd.s32 s3, s2  }
0x8d: {  	s2 =	sadd.s32 s2, s17  }
0x8e: {  	[smem:$0x3FB9] =	sst s2  }
0x8f: {  	_ = 	snop  }
0x90: {  	s2 =	sld [smem:$0x3FD0];
	(tm) =	ssettm $0x1  }
0x91: {  	s18 =	sld [smem:$0x3FFB];
	_ =	sdelay $0x3  }
0x92: {  	_ =	strace s18  }
0x93: {  	s3 =	sld [smem:$0x3FFC];
	_ =	sdelay $0x3  }
0x94: {  	_ =	strace s3  }
0x95: {  	s3 =	sld [smem:$0x3FFD];
	_ =	sdelay $0x3  }
0x96: {  	_ =	strace s3  }
0x97: {  	_ =	strace $0x8FFFFFFF  }
0x98: {  	s19 =	sld [smem:$0x3FDB];
	_ =	sdelay $0x1  }
0x99: {  	s4 =	simm.s32 $_scs_section_size  }
0x9a: {  	s5 =	simm.s32 $_size__tile_overlayer_lowered;
	s6 =	simm.s32 $_tile_overlayer_lowered  }
0x9b: {  	s22 =	simm.s32 $0x1BFF;
	s21 =	sshll.u32 s6, $0x1;
	s3 =	sadd.s32 s4, s19  }
0x9c: {  	s7 =	simm.s32 $0x0;
	s20 =	sshll.u32 s5, $0x1;
	s5 =	sadd.s32 s21, s3  }
0x9d: {  	[timem:s7], [sflag:s22] =	dma.local [hbm:s5], s20  }
0x9e: {  	_ =	swait.ge [sflag:s22], s20  }
0x9f: {  	s4 =	ssub.s32 $0x0, s20;
	[sflag:s22] =	ssyncset.done $0x0  }
0xa0: {  	[sflag:s22] =	ssyncadd.s32 s4;
	_ =	sdelay $0x1  }
0xa1: {  	s23 =	simm.s32 $0x1B8B  }
0xa2: {  	_ =	swait.ge [sflag:s23], $0x1  }
0xa3: {  	[sflag:s23] =	ssyncset.done $0x0  }
0xa4: {  	s25 =	simm.s32 $0x1B8E;
	s24 =	sld [smem:$0x3FFE];
	[sflag:s23] =	ssyncadd.s32 $0xFFFFFFFF  }
0xa5: {  	s26 =	simm.s32 $execute0_lowered;
	[smem:$0x3FD2] =	sst s25  }
0xa6: {  	s5 =	sshll.u32 s26, $0x1;
	_ =	strace $0x80000046;
	[dreg:$0x1] =	wrdreg $0xFFFFFFFF  }
0xa7: {  	s28 =	simm.s32 $_size_execute0_lowered;
	s3 =	sadd.s32 s3, s5;
	[dreg:$0x0] =	wrdreg $0x0  }
0xa8: {  	s5 =	sshll.u32 s28, $0x1;
	[dreg:$0x2] =	wrdreg s3  }
0xa9: {  	[dreg:$0x3] =	wrdreg s5  }
0xaa: {  	[dreg:$0x4] =	wrdreg $0xC0  }
0xab: {  	_ =	task [dreg:s7], $0x5FFFF  }
0xac: {  	[dreg:$0x1] =	wrdreg $0xFFFFFFFF  }
0xad: {  	[dreg:$0x0] =	wrdreg $0x60  }
0xae: {  	[dreg:$0x2] =	wrdreg s24  }
0xaf: {  	[dreg:$0x3] =	wrdreg s2  }
0xb0: {  	[dreg:$0x4] =	wrdreg $0xC0000  }
0xb1: {  	[dreg:$0x5] =	wrdreg $0x9  }
0xb2: {  	_ =	task.clear_ibuf [dreg:s7], $0x6FFFF;
	_ =	strace $0x90000046  }
0xb3: {  	s29 =	simm.s32 $0x9;
	_ =	strace $0x80000048  }
0xb4: {  	_ =	swait.ge [sflag:s29], $0x1  }
0xb5: {  	[sflag:s29] =	ssyncadd.s32 $0xFFFFFFFF  }
0xb6: {  	_ =	strace $0x90000048  }
0xb7: {  	_ =	sfence  }
0xb8: {  	s30 =	sld [smem:$0x0];
	_ =	sdelay $0x2  }
0xb9: {  	s31 =	sshll.u32 s1, $0xD;
	s1 =	sshrl.u32 s1, $0x2  }
0xba: {  	s3 =	sand.u32 $0x4000, s31;
	s1 =	sadd.s32 s1, s30  }
0xbb: {  	s0 =	sor.u32 s3, s0;
	s1 =	sshll.u32 s1, $0x11  }
0xbc: {  	s0 =	sor.u32 s1, s0  }
0xbd: {  	s0 =	sadd.s32 $0x8F2B, s0  }
0xbe: {  	[sflag:s0] =	ssyncadd.remote.s32 $0x1  }
0xbf: {  	_ =	sfence.sel $0xFFFF  }
0xc0: {  	[dreg:$0x0] =	wrdreg $0xFFFFFFFF;
	(pc) =	sbr.abs _section_cstart, $3  }
0xc1: {  	[dreg:$0x1] =	wrdreg $0xFFFFFFFF  }
0xc2: {  	_ =	task.clear_ibuf [dreg:s7], $0x2FFFF;
	_ =	strace $0x9FFFFFFF  }
0xc3: {  	(tm) =	ssettm $0x7FFFFFFF  }
tec
execute0_lowered:
.L_overlay_start_1:
0x0: {  	(tag) =	ssettag $0x1  }
0x1: {  	s6 =	rddreg [dreg:$0x0]  }
0x2: {  	s1 =	rddreg [dreg:$0x1]  }
0x3: {  	s3 =	rddreg [dreg:$0x2];
	s2 =	srdreg.scid  }
0x4: {  	s0 =	rddreg [dreg:$0x3];
	s4 =	simm.s32 $0x0;
	s13 =	simm.s32 $0x40  }
0x5: {  	s14 =	simm.s32 $0x1;
	s7 =	sand.u32 $0x1, s2;
	s2 =	stileid.u32  }
0x6: {  	s15 =	simm.s32 $0x0;
	[smem:$0x7FF] =	sst s4;
	s8 =	smul.u32 $0x13C000, s7  }
0x7: {  	s5 =	sshll.u32 s7, $0x4;
	s9 =	smul.u32 $0x13C00, s2;
	_ =	strace $0x80000047  }
0x8: {  	s10 =	smul.u32 $0x4F000, s2;
	s31 =	ssub.s32 $0x2, s7;
	s5 =	sor.u32 s2, s5  }
0x9: {  	s11 =	sshll.u32 s2, $0x6;
	s7 =	sshrl.u32 s31, $0x1;
	s5 =	smul.u32 $0x1400, s5  }
0xa: {  	s8 =	sadd.s32 s9, s8;
	s10 =	sshrl.u32 s10, $0x2;
	s12 =	ssub.s32 s31, s7  }
0xb: {  	s8 =	sshrl.u32 s8, $0x3;
	s10 =	sadd.s32 s10, s3;
	s9 =	smax.u32 s12, $0x1  }
0xc: {  	s12 =	simm.s32 $0xA000;
	s30 =	sadd.s32 s5, s6;
	s5 =	sadd.s32 $0x2A200, s6  }
0xd: {  	s8 =	sadd.s32 s8, s6;
	s6 =	sor.u32 $0x1C02, s11;
	s10 =	sshrl.u32 s10, $0x3  }
0xe: {  	s11 =	simm.s32 $0x2;
	s7 =	sadd.s32 $0x2200, s30;
	s8 =	sadd.s32 $0x2CA00, s8  }
.LBB2_1:
0xf: {  	[spmem:s10], [sflag:s6] =	dma.local [hbm:s5], $0x2780  }
0x10: {  	_ =	swait.ge [sflag:s11], $0x2780  }
0x11: {  	[sflag:s11] =	ssyncset.done $0x0  }
0x12: {  	[sflag:s11] =	ssyncadd.s32 $0xFFFFD880  }
0x13: {  	[tilespmem:s12], [sflag:$0x2] =	stream.linear.gather [hbm4b:s1+s4], $0x2000, $0x38;
	[tilespmem:$0x1FC00] =	vst v63  }
0x14: {  	_ =	swait.ge [sflag:s11], $0x2000  }
0x15: {  	[sflag:s11] =	ssyncset.done $0x0  }
0x16: {  	[sflag:s11] =	ssyncadd.s32 $0xFFFFE000  }
0x17: {  	[tilespmem:s4], [sflag:$0x2] =	stream.linear.gather [hbm4b:s7+s4], $0xA000, $0x38;
	[tilespmem:$0x1FC00] =	vst v63  }
0x18: {  	_ =	swait.ge [sflag:s11], $0xA000  }
0x19: {  	[sflag:s11] =	ssyncset.done $0x0  }
0x1a: {  	[sflag:s11] =	ssyncadd.s32 $0xFFFF6000  }
0x1b: {  	s16 =	simm.s32 $0x200;
	[bflag:$0x0] =	sbarrier.arrive $0xFFFF  }
.LBB2_2:
0x1c: {  	p0 =	sne.s32 s16, $0x27E00  }
.Ltmp0:
0x1d: {  	_ = 	snop;
	(pc) =	sbr.rel @p0 .LBB2_2-.Ltmp0, $3  }
0x1e: {  	_ =	sdelay $0x1  }
0x1f: {  	s17 =	sshra.s32 s16, $0x2;
	s16 =	sadd.s32 $0x400, s16  }
0x20: {  	[spmem:s3] =	stream.indirect.scatter.add.f32 [tilespmem:s12], [sflag:$0x1], $0x80, s17, s13, $0xb8;
	[tilespmem:$0x1FC00] =	vst v63  }
0x21: {  	_ =	swait.ge [sflag:s14], $0x2000  }
0x22: {  	s16 =	simm.s32 $0x9F;
	[sflag:s14] =	ssyncset.done $0x0  }
.LBB2_4:
0x23: {  	p0 =	sne.s32 s16, $0x1;
	s16 =	sadd.s32 $0xFFFFFFFF, s16;
	[sflag:s14] =	ssyncadd.s32 $0xFFFFE000  }
.Ltmp1:
0x24: {  	(pc) =	sbr.rel @p0 .LBB2_4-.Ltmp1, $3  }
0x25: {  	_ =	sdelay $0x1  }
0x26: {  	_ =	swait.ge [sflag:s14], $0x2000  }
0x27: {  	[sflag:s14] =	ssyncset.done $0x0  }
0x28: {  	s15 =	sadd.s32 $0x1, s15  }
0x29: {  	[sflag:s14] =	ssyncadd.s32 $0xFFFFE000;
	p0 =	sne.s32 s15, s9  }
.Ltmp2:
0x2a: {  	[bflag:$0x0] =	sbarrier.arrive $0xFFFF;
	(pc) =	sbr.rel @p0 .LBB2_1-.Ltmp2, $4  }
0x2b: {  	[hbm:s8], [sflag:s6] =	dma.local [spmem:s10], $0x2780  }
0x2c: {  	_ =	swait.ge [sflag:s11], $0x2780  }
0x2d: {  	[sflag:s11] =	ssyncset.done $0x0  }
0x2e: {  	[sflag:s11] =	ssyncadd.s32 $0xFFFFD880  }
0x2f: {  	_ =	sfence.sel $0x180000  }
0x30: {  	[bflag:$0x0] =	sbarrier.arrive $0xFFFF  }
0x31: {  	p0 =	sne.s32 s2, $0x0;
	_ =	strace $0x90000047  }
0x32: {  	s0 =	sadd.s32 @!p0 $0x100000, s0;
	[bflag:$0x2] =	sbarrier.arrive $0xFFFF  }
0x33: {  	[sflag:s0] =	ssyncadd.tile.s32 @!p0 $0x1;
	_ =	shalt  }
.Lfunc_end2:
_tile_overlayer_lowered:
.L_overlay_start_2:
0x34: {  	(tag) =	ssettag $0x2  }
0x35: {  	s0 =	rddreg [dreg:$0x0];
	s2 =	stileid.u32  }
0x36: {  	s1 =	rddreg [dreg:$0x1];
	p0 =	sne.s32 s2, $0x0  }
0x37: {  	s3 =	rddreg [dreg:$0x2];
	[bflag:$0x3] =	sbarrier.arrive $0xFFFF;
	s2 =	simm.s32 @!p0 $0x1C02  }
0x38: {  	[timem:s3], [sflag:s2] =	dma.local @!p0 [hbm:s0], s1  }
0x39: {  	s0 =	simm.s32 @!p0 $0x2  }
0x3a: {  	_ =	swait.ge @!p0 [sflag:s0], s1  }
0x3b: {  	s1 =	ssub.s32 @!p0 $0x0, s1;
	[sflag:s0] =	ssyncset.done @!p0 $0x0  }
0x3c: {  	[sflag:s0] =	ssyncadd.s32 @!p0 s1  }
0x3d: {  	[bflag:$0x3] =	sbarrier.arrive $0xFFFF  }
0x3e: {  	_ =	shalt  }

// kernel: kernel.14.cloned.1.call-start
scs
__scs_entry_jumppad:
0x0: {  	(pc) =	sbr.rel $0x88, $3  }
0x1: {  	(tag) =	ssettag $0x0;
	lr =	simm.s32 $0x1  }
0x2: {  	[smem:$0x3F92] =	sst lr;
	_ =	strace $0xD0000000  }
0x3: {  	_ = 	snop  }
0x4: {  	_ = 	snop  }
0x5: {  	_ = 	snop  }
0x6: {  	_ = 	snop  }
0x7: {  	_ = 	snop  }
__scs_overlays_trampoline_lowered:
0x8: {  	[smem:$0x3FA1] =	sst s0  }
0x9: {  	[smem:$0x3FA2] =	sst s1  }
0xa: {  	[smem:$0x3FA3] =	sst s2  }
0xb: {  	[smem:$0x3FA4] =	sst s3  }
0xc: {  	[smem:$0x3FA5] =	sst s4  }
0xd: {  	[smem:$0x3FA6] =	sst s5  }
0xe: {  	[smem:$0x3FA7] =	sst s6  }
0xf: {  	[smem:$0x3FA8] =	sst s7  }
0x10: {  	[smem:$0x3FA9] =	sst s8  }
0x11: {  	[smem:$0x3FAA] =	sst s9;
	s0 =	simm.s32 @!p0 $0x0  }
0x12: {  	s1 =	sld [smem:$0x3F90];
	s0 =	simm.s32 @p0 $0x1  }
0x13: {  	[smem:$0x3FAB] =	sst s0;
	s0 =	simm.s32 @!p1 $0x0  }
0x14: {  	s2 =	sld [smem:$0x3F8F];
	s0 =	simm.s32 @p1 $0x1  }
0x15: {  	[smem:$0x3FAC] =	sst s0;
	s0 =	simm.s32 @!p2 $0x0  }
0x16: {  	s3 =	sld [smem:$0x3FDB];
	s0 =	simm.s32 @p2 $0x1  }
0x17: {  	s4 =	simm.s32 $0x1BF5;
	[smem:$0x3FAE] =	sst s0  }
0x18: {  	s0 =	sld [smem:$0x3F91];
	_ =	swait.ge [sflag:s4], $0x0  }
0x19: {  	s7 =	sld [smem:$0x3F92]  }
0x1a: {  	s8 =	sadd.s32 $0xFFFFE003, lr  }
0x1b: {  	s9 =	sadd.s32 $0xFFFFFEF7, lr;
	s5 =	simm.s32 $0xFFFFFFFF;
	p2 =	slt.u32 s8, $0xFFFFF086  }
0x1c: {  	p1 =	slt.u32 s9, $0xF7A;
	s5 =	simm.s32 @!p2 $0x0  }
0x1d: {  	s5 =	simm.s32 @p1 $0x1;
	p0 =	seq.s32 s7, s2  }
0x1e: {  	s7 =	smul.u32 @!p0 $0xF7A, s2;
	p2 =	seq.s32 @!p0 s5, $0x0  }
0x1f: {  	s9 =	smul.u32 $0xF7A, s1;
	s8 =	simm.s32 @!p0 $0x1BF5;
	p2 =	por !p2, p0  }
0x20: {  	[sflag:s8] =	ssyncset.s32 @!p0 $0xFFFFF086;
	s6 =	sadd.s32 @!p0 s3, s7;
	s7 =	simm.s32 @!p0 $0x108  }
0x21: {  	s3 =	sadd.s32 s3, s9;
	s6 =	sadd.s32 @!p0 $0x88, s6;
	s7 =	simm.s32 @p2 $0x1082  }
0x22: {  	[simem:s7], [sflag:s8] =	dma.local @!p0 [hbm:s6], $0xF7A  }
0x23: {  	s9 =	sor.u32 $0xD0000000, s2;
	s6 =	simm.s32 $0x108;
	_ =	swait.ge @!p0 [sflag:s8], $0x0  }
0x24: {  	s3 =	sadd.s32 $0x88, s3;
	s6 =	simm.s32 @!p1 $0x1082;
	[sflag:s4] =	ssyncset.s32 $0xFFFFF086  }
0x25: {  	[simem:s6], [sflag:s4] =	dma.local [hbm:s3], $0xF7A  }
0x26: {  	[smem:$0x3F92] =	sst s1;
	(tag) =	ssettag s2;
	_ =	strace s9  }
0x27: {  	s1 =	sld [smem:$0x3FA2]  }
0x28: {  	s2 =	sld [smem:$0x3FA3]  }
0x29: {  	s4 =	sld [smem:$0x3FA5]  }
0x2a: {  	p0 =	seq.s32 s5, $0x0;
	s5 =	sld [smem:$0x3FA6]  }
0x2b: {  	s6 =	sld [smem:$0x3FA7]  }
0x2c: {  	s7 =	sld [smem:$0x3FA8]  }
0x2d: {  	s3 =	simm.s32 $0x108;
	s8 =	sld [smem:$0x3FA9]  }
0x2e: {  	s3 =	simm.s32 @!p0 $0x1082;
	s9 =	sld [smem:$0x3FAA]  }
0x2f: {  	lr =	sadd.s32 s0, s3;
	s0 =	sld [smem:$0x3FA1]  }
0x30: {  	s3 =	sld [smem:$0x3FA4]  }
0x31: {  	[smem:$0x3FAD] =	sst s10  }
0x32: {  	s10 =	sld [smem:$0x3FAB];
	_ =	sdelay $0x3  }
0x33: {  	p0 =	seq.s32 s10, $0x1;
	s10 =	sld [smem:$0x3FAD];
	_ =	sdelay $0x3  }
0x34: {  	[smem:$0x3FAD] =	sst s10  }
0x35: {  	s10 =	sld [smem:$0x3FAC];
	_ =	sdelay $0x3  }
0x36: {  	p1 =	seq.s32 s10, $0x1;
	s10 =	sld [smem:$0x3FAD];
	_ =	sdelay $0x3  }
0x37: {  	[smem:$0x3FAD] =	sst s10  }
0x38: {  	s10 =	sld [smem:$0x3FAE]  }
0x39: {  	_ = 	snop;
	(pc) =	sbr.ind lr, $3  }
0x3a: {  	_ = 	snop  }
0x3b: {  	_ = 	snop  }
0x3c: {  	p2 =	seq.s32 s10, $0x1;
	s10 =	sld [smem:$0x3FAD]  }
0x3d: {  	_ =	shalt  }
0x3e: {  	_ =	shalt  }
0x3f: {  	_ =	shalt  }
0x40: {  	_ =	shalt  }
0x41: {  	_ =	shalt  }
0x42: {  	_ =	shalt  }
0x43: {  	_ =	shalt  }
0x44: {  	_ =	shalt  }
0x45: {  	_ =	shalt  }
0x46: {  	_ =	shalt  }
0x47: {  	_ =	shalt  }
0x48: {  	_ =	shalt  }
0x49: {  	_ =	shalt  }
0x4a: {  	_ =	shalt  }
0x4b: {  	_ =	shalt  }
0x4c: {  	_ =	shalt  }
0x4d: {  	_ =	shalt  }
0x4e: {  	_ =	shalt  }
0x4f: {  	_ =	shalt  }
0x50: {  	_ =	shalt  }
0x51: {  	_ =	shalt  }
0x52: {  	_ =	shalt  }
0x53: {  	_ =	shalt  }
0x54: {  	_ =	shalt  }
0x55: {  	_ =	shalt  }
0x56: {  	_ =	shalt  }
0x57: {  	_ =	shalt  }
0x58: {  	_ =	shalt  }
0x59: {  	_ =	shalt  }
0x5a: {  	_ =	shalt  }
0x5b: {  	_ =	shalt  }
0x5c: {  	_ =	shalt  }
0x5d: {  	_ =	shalt  }
0x5e: {  	_ =	shalt  }
0x5f: {  	_ =	shalt  }
0x60: {  	_ =	shalt  }
0x61: {  	_ =	shalt  }
0x62: {  	_ =	shalt  }
0x63: {  	_ =	shalt  }
0x64: {  	_ =	shalt  }
0x65: {  	_ =	shalt  }
0x66: {  	_ =	shalt  }
0x67: {  	_ =	shalt  }
0x68: {  	_ =	shalt  }
0x69: {  	_ =	shalt  }
0x6a: {  	_ =	shalt  }
0x6b: {  	_ =	shalt  }
0x6c: {  	_ =	shalt  }
0x6d: {  	_ =	shalt  }
0x6e: {  	_ =	shalt  }
0x6f: {  	_ =	shalt  }
0x70: {  	_ =	shalt  }
0x71: {  	_ =	shalt  }
0x72: {  	_ =	shalt  }
0x73: {  	_ =	shalt  }
0x74: {  	_ =	shalt  }
0x75: {  	_ =	shalt  }
0x76: {  	_ =	shalt  }
0x77: {  	_ =	shalt  }
0x78: {  	_ =	shalt  }
0x79: {  	_ =	shalt  }
0x7a: {  	_ =	shalt  }
0x7b: {  	_ =	shalt  }
0x7c: {  	_ =	shalt  }
0x7d: {  	_ =	shalt  }
0x7e: {  	_ =	shalt  }
0x7f: {  	_ =	shalt  }
0x80: {  	_ =	shalt  }
0x81: {  	_ =	shalt  }
0x82: {  	_ =	shalt  }
0x83: {  	_ =	shalt  }
0x84: {  	_ =	shalt  }
0x85: {  	_ =	shalt  }
0x86: {  	_ =	shalt  }
0x87: {  	_ =	shalt  }
.Lfunc_end0:
.L_simem_size_0:
called_computation.1_lowered:
.L_overlay_start_0:
0x88: {  	s2 =	sld [smem:$0x3FD9]  }
0x89: {  	s3 =	sld [smem:$0x3FFE];
	_ =	sdelay $0x1  }
0x8a: {  	s1 =	srdreg.scid  }
0x8b: {  	s0 =	sand.u32 $0x1, s1  }
0x8c: {  	s16 =	sshll.u32 s0, $0xA;
	s2 =	sadd.s32 s3, s2  }
0x8d: {  	s2 =	sadd.s32 s2, s16  }
0x8e: {  	[smem:$0x3FB9] =	sst s2  }
0x8f: {  	_ = 	snop  }
0x90: {  	(tm) =	ssettm $0x1  }
0x91: {  	s17 =	sld [smem:$0x3FFB];
	_ =	sdelay $0x3  }
0x92: {  	_ =	strace s17  }
0x93: {  	s2 =	sld [smem:$0x3FFC];
	_ =	sdelay $0x3  }
0x94: {  	_ =	strace s2  }
0x95: {  	s2 =	sld [smem:$0x3FFD];
	_ =	sdelay $0x3  }
0x96: {  	_ =	strace s2  }
0x97: {  	_ =	strace $0x8FFFFFFF  }
0x98: {  	s18 =	sld [smem:$0x3FDB];
	_ =	sdelay $0x1  }
0x99: {  	s19 =	simm.s32 $_scs_section_size  }
0x9a: {  	s4 =	simm.s32 $_size__tile_overlayer_lowered;
	s5 =	simm.s32 $_tile_overlayer_lowered  }
0x9b: {  	s22 =	simm.s32 $0x1BFF;
	s21 =	sshll.u32 s5, $0x1;
	s2 =	sadd.s32 s19, s18  }
0x9c: {  	s6 =	simm.s32 $0x0;
	s20 =	sshll.u32 s4, $0x1;
	s4 =	sadd.s32 s21, s2  }
0x9d: {  	[timem:s6], [sflag:s22] =	dma.local [hbm:s4], s20  }
0x9e: {  	_ =	swait.ge [sflag:s22], s20  }
0x9f: {  	s3 =	ssub.s32 $0x0, s20;
	[sflag:s22] =	ssyncset.done $0x0  }
0xa0: {  	[sflag:s22] =	ssyncadd.s32 s3;
	_ =	sdelay $0x1  }
0xa1: {  	s23 =	simm.s32 $0x1B8B  }
0xa2: {  	_ =	swait.ge [sflag:s23], $0x1  }
0xa3: {  	[sflag:s23] =	ssyncset.done $0x0  }
0xa4: {  	s25 =	simm.s32 $0x1B8E;
	s24 =	sld [smem:$0x3FFE];
	[sflag:s23] =	ssyncadd.s32 $0xFFFFFFFF  }
0xa5: {  	s26 =	simm.s32 $execute0_lowered;
	[smem:$0x3FD2] =	sst s25  }
0xa6: {  	s4 =	sshll.u32 s26, $0x1;
	_ =	strace $0x80000049;
	[dreg:$0x1] =	wrdreg $0xFFFFFFFF  }
0xa7: {  	s28 =	simm.s32 $_size_execute0_lowered;
	s2 =	sadd.s32 s2, s4;
	[dreg:$0x0] =	wrdreg $0x0  }
0xa8: {  	s4 =	sshll.u32 s28, $0x1;
	[dreg:$0x2] =	wrdreg s2  }
0xa9: {  	[dreg:$0x3] =	wrdreg s4  }
0xaa: {  	[dreg:$0x4] =	wrdreg $0xC0  }
0xab: {  	_ =	task [dreg:s6], $0x5FFFF  }
0xac: {  	[dreg:$0x1] =	wrdreg $0xFFFFFFFF  }
0xad: {  	[dreg:$0x0] =	wrdreg $0x60  }
0xae: {  	[dreg:$0x2] =	wrdreg s24  }
0xaf: {  	[dreg:$0x3] =	wrdreg $0x88000  }
0xb0: {  	[dreg:$0x4] =	wrdreg $0x9  }
0xb1: {  	_ =	task.clear_ibuf [dreg:s6], $0x5FFFF;
	_ =	strace $0x90000049  }
0xb2: {  	s29 =	simm.s32 $0x9;
	_ =	strace $0x8000004B  }
0xb3: {  	_ =	swait.ge [sflag:s29], $0x1  }
0xb4: {  	[sflag:s29] =	ssyncadd.s32 $0xFFFFFFFF  }
0xb5: {  	_ =	strace $0x9000004B  }
0xb6: {  	_ =	sfence  }
0xb7: {  	s30 =	sld [smem:$0x0];
	_ =	sdelay $0x2  }
0xb8: {  	s31 =	sshll.u32 s1, $0xD;
	s1 =	sshrl.u32 s1, $0x2  }
0xb9: {  	s3 =	sand.u32 $0x4000, s31;
	s1 =	sadd.s32 s1, s30  }
0xba: {  	s0 =	sor.u32 s3, s0;
	s1 =	sshll.u32 s1, $0x11  }
0xbb: {  	s0 =	sor.u32 s1, s0  }
0xbc: {  	s0 =	sadd.s32 $0x8F2B, s0  }
0xbd: {  	[sflag:s0] =	ssyncadd.remote.s32 $0x1  }
0xbe: {  	_ =	sfence.sel $0xFFFF  }
0xbf: {  	[dreg:$0x0] =	wrdreg $0xFFFFFFFF;
	(pc) =	sbr.abs _section_cstart, $3  }
0xc0: {  	[dreg:$0x1] =	wrdreg $0xFFFFFFFF  }
0xc1: {  	_ =	task.clear_ibuf [dreg:s6], $0x2FFFF;
	_ =	strace $0x9FFFFFFF  }
0xc2: {  	(tm) =	ssettm $0x7FFFFFFF  }
0xc3: {  	_ =	shalt  }
tec
execute0_lowered:
.L_overlay_start_1:
0x0: {  	(tag) =	ssettag $0x1  }
0x1: {  	s7 =	rddreg [dreg:$0x0]  }
0x2: {  	s2 =	rddreg [dreg:$0x1]  }
0x3: {  	s0 =	rddreg [dreg:$0x2]  }
0x4: {  	s4 =	srdreg.scid;
	s1 =	stileid.u32;
	s3 =	simm.s32 $0x0  }
0x5: {  	s13 =	simm.s32 $0x40;
	s14 =	simm.s32 $0x2800;
	s15 =	simm.s32 $0x1  }
0x6: {  	s16 =	simm.s32 $0x3800;
	s17 =	simm.s32 $0x4800;
	s18 =	simm.s32 $0x2  }
0x7: {  	s19 =	simm.s32 $0x6800;
	s20 =	simm.s32 $0x3;
	s21 =	simm.s32 $0x4  }
0x8: {  	s8 =	sand.u32 $0x1, s4;
	s9 =	smul.u32 $0x13C00, s1;
	[smem:$0x7FF] =	sst s3  }
0x9: {  	s4 =	sadd.s32 $0x2200, s7;
	s5 =	sadd.s32 $0x7BA00, s7;
	s31 =	sshll.u32 s1, $0x6  }
0xa: {  	s6 =	smul.u32 $0x13C000, s8;
	s11 =	ssub.s32 $0x2, s8;
	s29 =	sshll.u32 s8, $0x4  }
0xb: {  	_ =	strace $0x8000004A;
	s12 =	sshrl.u32 s11, $0x1;
	s8 =	sor.u32 s1, s29  }
0xc: {  	s30 =	sadd.s32 s9, s2;
	s10 =	sadd.s32 s9, s6;
	s6 =	sadd.s32 $0x15E00, s7  }
0xd: {  	s11 =	ssub.s32 s11, s12;
	s8 =	smul.u32 $0x5000, s8;
	s10 =	sshrl.u32 s10, $0x3  }
0xe: {  	s12 =	simm.s32 $0x5;
	s10 =	sadd.s32 s10, s7;
	s7 =	sor.u32 $0x1C05, s31  }
0xf: {  	s9 =	sadd.s32 $0x18600, s10;
	s10 =	smax.u32 s11, $0x1;
	s11 =	sshrl.u32 s30, $0x3  }
.LBB2_1:
0x10: {  	[spmem:s11], [sflag:s7] =	dma.local [hbm:s6], $0x2780  }
0x11: {  	_ =	swait.ge [sflag:s12], $0x2780  }
0x12: {  	[sflag:s12] =	ssyncset.done $0x0  }
0x13: {  	[sflag:s12] =	ssyncadd.s32 $0xFFFFD880  }
0x14: {  	p1 =	por $0x1, $0x1;
	s22 =	simm.s32 $0x0;
	[bflag:$0x0] =	sbarrier.arrive $0xFFFF  }
.LBB2_2:
0x15: {  	s22 =	sadd.s32 s8, s22  }
0x16: {  	s22 =	sshrl.u32 s22, $0x3  }
0x17: {  	s23 =	sadd.s32 s5, s22;
	s22 =	simm.s32 $0x0  }
0x18: {  	[tilespmem:s22], [sflag:$0x5] =	stream.linear.gather [hbm4b:s23+s22], $0x2800, $0x38;
	[tilespmem:$0x1C400] =	vst v63  }
0x19: {  	_ =	swait.ge [sflag:s12], $0x2800  }
0x1a: {  	[sflag:s12] =	ssyncset.done $0x0  }
0x1b: {  	p0 =	por p1, p1;
	[sflag:s12] =	ssyncadd.s32 $0xFFFFD800  }
0x1c: {  	[tilespmem:s14], [sflag:$0x1] =	stream.indirect.gather [hbm4b:s4+s13], $0x40, s22, s13, $0xb8;
	[tilespmem:$0x1C400] =	vst v63  }
.LBB2_3:
0x1d: {  	_ =	swait.ge [sflag:s15], $0x1000;
	s23 =	sshll.u32 s22, $0x8  }
0x1e: {  	[sflag:s15] =	ssyncset.done $0x0;
	s23 =	sand.u32 $0x3FFFFF00, s23  }
0x1f: {  	p1 =	seq.s32 s22, $0x0;
	[sflag:s15] =	ssyncadd.s32 $0xFFFFF000;
	s24 =	sor.u32 $0x80, s23  }
0x20: {  	[tilespmem:s16], [sflag:$0x2] =	stream.indirect.gather [hbm4b:s4+s13], $0x40, s24, s13, $0xb8;
	[tilespmem:$0x1C400] =	vst v63  }
0x21: {  	s24 =	simm.s32 @!p1 $0x3  }
0x22: {  	_ =	swait.ge @!p1 [sflag:s24], $0x2000  }
0x23: {  	[sflag:s24] =	ssyncset.done @!p1 $0x0  }
0x24: {  	s25 =	simm.s32 $0x0;
	[sflag:s24] =	ssyncadd.s32 @!p1 $0xFFFFE000  }
0x25: {  	v0 =	vld [tilespmem:s25+$0x2800];
	_ =	sdelay $0x4  }
0x26: {  	s24 =	simm.s32 $0x4840;
	v1 =	vshll.u32 v0, $0x10  }
0x27: {  	v0 =	vand.u32 $0xFFFF0000, v0;
	[tilespmem:s24+$0xFFFFFFC0] =	vst v1  }
0x28: {  	[tilespmem:s24+$0xFFFFFFD0] =	vst v0  }
0x29: {  	v0 =	vld [tilespmem:s25+$0x2810];
	_ =	sdelay $0x4  }
0x2a: {  	v1 =	vshll.u32 v0, $0x10  }
0x2b: {  	v0 =	vand.u32 $0xFFFF0000, v0;
	[tilespmem:s24+$0xFFFFFFE0] =	vst v1  }
0x2c: {  	[tilespmem:s24+$0xFFFFFFF0] =	vst v0  }
0x2d: {  	v0 =	vld [tilespmem:s25+$0x2820];
	_ =	sdelay $0x4  }
0x2e: {  	v1 =	vand.u32 $0xFFFF0000, v0  }
0x2f: {  	v0 =	vshll.u32 v0, $0x10;
	[tilespmem:s24+$0x10] =	vst v1  }
0x30: {  	[tilespmem:s24+$0x0] =	vst v0  }
0x31: {  	v0 =	vld [tilespmem:s25+$0x2830];
	_ =	sdelay $0x4  }
0x32: {  	v1 =	vshll.u32 v0, $0x10  }
0x33: {  	v0 =	vand.u32 $0xFFFF0000, v0;
	[tilespmem:s24+$0x20] =	vst v1  }
0x34: {  	s25 =	simm.s32 $0x40;
	[tilespmem:s24+$0x30] =	vst v0  }
0x35: {  	v0 =	vld [tilespmem:s25+$0x2800]  }
0x36: {  	s26 =	simm.s32 $0x200  }
.LBB2_4:
0x37: {  	p1 =	sne.s32 s26, $0x3F00;
	_ =	sdelay $0x2  }
0x38: {  	s24 =	sadd.s32 $0x80, s24;
	v1 =	vshll.u32 v0, $0x10  }
0x39: {  	v0 =	vand.u32 $0xFFFF0000, v0;
	[tilespmem:s24+$0xFFFFFFC0] =	vst v1  }
0x3a: {  	[tilespmem:s24+$0xFFFFFFD0] =	vst v0  }
0x3b: {  	v0 =	vld [tilespmem:s25+$0x2810];
	_ =	sdelay $0x4  }
0x3c: {  	v1 =	vshll.u32 v0, $0x10  }
0x3d: {  	v0 =	vand.u32 $0xFFFF0000, v0;
	[tilespmem:s24+$0xFFFFFFE0] =	vst v1  }
0x3e: {  	[tilespmem:s24+$0xFFFFFFF0] =	vst v0  }
0x3f: {  	v0 =	vld [tilespmem:s25+$0x2820];
	_ =	sdelay $0x4  }
0x40: {  	v1 =	vshll.u32 v0, $0x10;
	v0 =	vand.u32 $0xFFFF0000, v0  }
0x41: {  	[tilespmem:s24+$0x10] =	vst v0  }
0x42: {  	[tilespmem:s24+$0x0] =	vst v1  }
0x43: {  	v0 =	vld [tilespmem:s25+$0x2830];
	_ =	sdelay $0x4  }
.Ltmp0:
0x44: {  	v1 =	vshll.u32 v0, $0x10;
	v0 =	vand.u32 $0xFFFF0000, v0;
	(pc) =	sbr.rel @p1 .LBB2_4-.Ltmp0, $4  }
0x45: {  	[tilespmem:s24+$0x20] =	vst v1  }
0x46: {  	s25 =	sshra.s32 s26, $0x2;
	[tilespmem:s24+$0x30] =	vst v0  }
0x47: {  	v0 =	vld [tilespmem:s25+$0x2800]  }
0x48: {  	s26 =	sadd.s32 $0x100, s26  }
0x49: {  	_ =	sdelay $0x2  }
0x4a: {  	s24 =	sadd.s32 $0x80, s24;
	v1 =	vshll.u32 v0, $0x10  }
0x4b: {  	v0 =	vand.u32 $0xFFFF0000, v0;
	[tilespmem:s24+$0xFFFFFFC0] =	vst v1  }
0x4c: {  	[tilespmem:s24+$0xFFFFFFD0] =	vst v0  }
0x4d: {  	v0 =	vld [tilespmem:s25+$0x2810];
	_ =	sdelay $0x4  }
0x4e: {  	v1 =	vshll.u32 v0, $0x10  }
0x4f: {  	v0 =	vand.u32 $0xFFFF0000, v0;
	[tilespmem:s24+$0xFFFFFFE0] =	vst v1  }
0x50: {  	[tilespmem:s24+$0xFFFFFFF0] =	vst v0  }
0x51: {  	v0 =	vld [tilespmem:s25+$0x2820];
	_ =	sdelay $0x4  }
0x52: {  	v1 =	vand.u32 $0xFFFF0000, v0  }
0x53: {  	v0 =	vshll.u32 v0, $0x10;
	[tilespmem:s24+$0x10] =	vst v1  }
0x54: {  	[tilespmem:s24+$0x0] =	vst v0  }
0x55: {  	v0 =	vld [tilespmem:s25+$0x2830];
	_ =	sdelay $0x4  }
0x56: {  	v1 =	vshll.u32 v0, $0x10  }
0x57: {  	v0 =	vand.u32 $0xFFFF0000, v0;
	[tilespmem:s24+$0x20] =	vst v1  }
0x58: {  	s30 =	sadd.s32 $0x40, s23;
	[tilespmem:s24+$0x30] =	vst v0  }
0x59: {  	[spmem:s2] =	stream.indirect.scatter.add.f32 [tilespmem:s17], [sflag:$0x3], $0x80, s30, s13, $0xb8;
	[tilespmem:$0x1C400] =	vst v63  }
0x5a: {  	p1 =	seq.s32 s22, $0x27;
	_ =	swait.ge [sflag:s18], $0x1000  }
0x5b: {  	p2 =	seq.s32 @!p1 s22, $0x0;
	s26 =	simm.s32 @!p1 $0x2800;
	[sflag:s18] =	ssyncset.done $0x0  }
0x5c: {  	s25 =	simm.s32 @!p1 $0x40;
	s24 =	sadd.s32 @!p1 $0x100, s23;
	[sflag:s18] =	ssyncadd.s32 $0xFFFFF000  }
0x5d: {  	[tilespmem:s26], [sflag:$0x1] =	stream.indirect.gather @!p1 [hbm4b:s4+s25], $0x40, s24, s25, $0xb8;
	[tilespmem:$0x1C400] =	vst v63  }
0x5e: {  	p1 =	por p1, !p2  }
0x5f: {  	_ =	swait.ge @p1 [sflag:s21], $0x2000  }
0x60: {  	[sflag:s21] =	ssyncset.done @p1 $0x0  }
0x61: {  	s31 =	simm.s32 $0x0;
	[sflag:s21] =	ssyncadd.s32 @p1 $0xFFFFE000  }
0x62: {  	v0 =	vld [tilespmem:s31+$0x3800];
	_ =	sdelay $0x4  }
0x63: {  	s24 =	simm.s32 $0x6840;
	v1 =	vshll.u32 v0, $0x10  }
0x64: {  	v0 =	vand.u32 $0xFFFF0000, v0;
	[tilespmem:s24+$0xFFFFFFC0] =	vst v1  }
0x65: {  	[tilespmem:s24+$0xFFFFFFD0] =	vst v0  }
0x66: {  	v0 =	vld [tilespmem:s31+$0x3810];
	_ =	sdelay $0x4  }
0x67: {  	v1 =	vshll.u32 v0, $0x10  }
0x68: {  	v0 =	vand.u32 $0xFFFF0000, v0;
	[tilespmem:s24+$0xFFFFFFE0] =	vst v1  }
0x69: {  	[tilespmem:s24+$0xFFFFFFF0] =	vst v0  }
0x6a: {  	v0 =	vld [tilespmem:s31+$0x3820];
	_ =	sdelay $0x4  }
0x6b: {  	v1 =	vand.u32 $0xFFFF0000, v0  }
0x6c: {  	v0 =	vshll.u32 v0, $0x10;
	[tilespmem:s24+$0x10] =	vst v1  }
0x6d: {  	[tilespmem:s24+$0x0] =	vst v0  }
0x6e: {  	v0 =	vld [tilespmem:s31+$0x3830];
	_ =	sdelay $0x4  }
0x6f: {  	v1 =	vshll.u32 v0, $0x10  }
0x70: {  	v0 =	vand.u32 $0xFFFF0000, v0;
	[tilespmem:s24+$0x20] =	vst v1  }
0x71: {  	s25 =	simm.s32 $0x40;
	[tilespmem:s24+$0x30] =	vst v0  }
0x72: {  	v0 =	vld [tilespmem:s25+$0x3800]  }
0x73: {  	s26 =	simm.s32 $0x200  }
.LBB2_6:
0x74: {  	p1 =	sne.s32 s26, $0x3F00;
	_ =	sdelay $0x2  }
0x75: {  	s24 =	sadd.s32 $0x80, s24;
	v1 =	vshll.u32 v0, $0x10  }
0x76: {  	v0 =	vand.u32 $0xFFFF0000, v0;
	[tilespmem:s24+$0xFFFFFFC0] =	vst v1  }
0x77: {  	[tilespmem:s24+$0xFFFFFFD0] =	vst v0  }
0x78: {  	v0 =	vld [tilespmem:s25+$0x3810];
	_ =	sdelay $0x4  }
0x79: {  	v1 =	vshll.u32 v0, $0x10  }
0x7a: {  	v0 =	vand.u32 $0xFFFF0000, v0;
	[tilespmem:s24+$0xFFFFFFE0] =	vst v1  }
0x7b: {  	[tilespmem:s24+$0xFFFFFFF0] =	vst v0  }
0x7c: {  	v0 =	vld [tilespmem:s25+$0x3820];
	_ =	sdelay $0x4  }
0x7d: {  	v1 =	vshll.u32 v0, $0x10;
	v0 =	vand.u32 $0xFFFF0000, v0  }
0x7e: {  	[tilespmem:s24+$0x10] =	vst v0  }
0x7f: {  	[tilespmem:s24+$0x0] =	vst v1  }
0x80: {  	v0 =	vld [tilespmem:s25+$0x3830];
	_ =	sdelay $0x4  }
.Ltmp1:
0x81: {  	v1 =	vshll.u32 v0, $0x10;
	v0 =	vand.u32 $0xFFFF0000, v0;
	(pc) =	sbr.rel @p1 .LBB2_6-.Ltmp1, $4  }
0x82: {  	[tilespmem:s24+$0x20] =	vst v1  }
0x83: {  	s25 =	sshra.s32 s26, $0x2;
	[tilespmem:s24+$0x30] =	vst v0  }
0x84: {  	v0 =	vld [tilespmem:s25+$0x3800]  }
0x85: {  	s26 =	sadd.s32 $0x100, s26  }
0x86: {  	_ =	sdelay $0x2  }
0x87: {  	s24 =	sadd.s32 $0x80, s24;
	v1 =	vshll.u32 v0, $0x10  }
0x88: {  	v60 =	vand.u32 $0xFFFF0000, v0;
	[tilespmem:s24+$0xFFFFFFC0] =	vst v1  }
0x89: {  	[tilespmem:s24+$0xFFFFFFD0] =	vst v60  }
0x8a: {  	v0 =	vld [tilespmem:s25+$0x3810];
	_ =	sdelay $0x4  }
0x8b: {  	v61 =	vshll.u32 v0, $0x10  }
0x8c: {  	v0 =	vand.u32 $0xFFFF0000, v0;
	[tilespmem:s24+$0xFFFFFFE0] =	vst v61  }
0x8d: {  	[tilespmem:s24+$0xFFFFFFF0] =	vst v0  }
0x8e: {  	v0 =	vld [tilespmem:s25+$0x3820];
	_ =	sdelay $0x4  }
0x8f: {  	v62 =	vand.u32 $0xFFFF0000, v0  }
0x90: {  	v0 =	vshll.u32 v0, $0x10;
	[tilespmem:s24+$0x10] =	vst v62  }
0x91: {  	[tilespmem:s24+$0x0] =	vst v0  }
0x92: {  	v0 =	vld [tilespmem:s25+$0x3830];
	_ =	sdelay $0x1  }
0x93: {  	s22 =	sadd.s32 $0x1, s22  }
0x94: {  	p1 =	sne.s32 s22, $0x28  }
.Ltmp2:
0x95: {  	_ = 	snop;
	(pc) =	sbr.rel @p1 .LBB2_3-.Ltmp2, $4  }
0x96: {  	v63 =	vshll.u32 v0, $0x10  }
0x97: {  	v0 =	vand.u32 $0xFFFF0000, v0;
	[tilespmem:s24+$0x20] =	vst v63  }
0x98: {  	s23 =	sadd.s32 $0xC0, s23;
	[tilespmem:s24+$0x30] =	vst v0  }
0x99: {  	[spmem:s2] =	stream.indirect.scatter.add.f32 [tilespmem:s19], [sflag:$0x4], $0x80, s23, s13, $0xb8;
	[tilespmem:$0x1C400] =	vst v63  }
0x9a: {  	_ =	swait.ge [sflag:s20], $0x2000  }
.Ltmp3:
0x9b: {  	[sflag:s20] =	ssyncset.done $0x0;
	(pc) =	sbr.rel @p0 .LBB2_2-.Ltmp3, $4  }
0x9c: {  	[sflag:s20] =	ssyncadd.s32 $0xFFFFE000  }
0x9d: {  	_ =	swait.ge [sflag:s21], $0x2000  }
0x9e: {  	[sflag:s21] =	ssyncset.done $0x0  }
0x9f: {  	s22 =	simm.s32 $0x2800;
	p1 =	por $0x0, $0x0;
	[sflag:s21] =	ssyncadd.s32 $0xFFFFE000  }
0xa0: {  	s3 =	sadd.s32 $0x1, s3  }
0xa1: {  	p0 =	sne.s32 s3, s10  }
.Ltmp4:
0xa2: {  	[bflag:$0x0] =	sbarrier.arrive $0xFFFF;
	(pc) =	sbr.rel @p0 .LBB2_1-.Ltmp4, $4  }
0xa3: {  	[hbm:s9], [sflag:s7] =	dma.local [spmem:s11], $0x2780  }
0xa4: {  	_ =	swait.ge [sflag:s12], $0x2780  }
0xa5: {  	[sflag:s12] =	ssyncset.done $0x0  }
0xa6: {  	[sflag:s12] =	ssyncadd.s32 $0xFFFFD880  }
0xa7: {  	_ =	sfence.sel $0x180000  }
0xa8: {  	[bflag:$0x0] =	sbarrier.arrive $0xFFFF  }
0xa9: {  	p0 =	sne.s32 s1, $0x0;
	_ =	strace $0x9000004A  }
0xaa: {  	s0 =	sadd.s32 @!p0 $0x100000, s0;
	[bflag:$0x2] =	sbarrier.arrive $0xFFFF  }
0xab: {  	[sflag:s0] =	ssyncadd.tile.s32 @!p0 $0x1;
	_ =	shalt  }
.Lfunc_end2:
_tile_overlayer_lowered:
.L_overlay_start_2:
0xac: {  	(tag) =	ssettag $0x2  }
0xad: {  	s0 =	rddreg [dreg:$0x0];
	s2 =	stileid.u32  }
0xae: {  	s1 =	rddreg [dreg:$0x1];
	p0 =	sne.s32 s2, $0x0  }
0xaf: {  	s3 =	rddreg [dreg:$0x2];
	[bflag:$0x3] =	sbarrier.arrive $0xFFFF;
	s2 =	simm.s32 @!p0 $0x1C05  }
0xb0: {  	[timem:s3], [sflag:s2] =	dma.local @!p0 [hbm:s0], s1  }
0xb1: {  	s0 =	simm.s32 @!p0 $0x5  }
0xb2: {  	_ =	swait.ge @!p0 [sflag:s0], s1  }
0xb3: {  	s1 =	ssub.s32 @!p0 $0x0, s1;
	[sflag:s0] =	ssyncset.done @!p0 $0x0  }
0xb4: {  	[sflag:s0] =	ssyncadd.s32 @!p0 s1  }
0xb5: {  	[bflag:$0x3] =	sbarrier.arrive $0xFFFF  }
0xb6: {  	_ =	shalt  }

// kernel: kernel.17.cloned.1.call-start
scs
__scs_entry_jumppad:
0x0: {  	(pc) =	sbr.rel $0x88, $3  }
0x1: {  	(tag) =	ssettag $0x0;
	lr =	simm.s32 $0x1  }
0x2: {  	[smem:$0x3F92] =	sst lr;
	_ =	strace $0xD0000000  }
0x3: {  	_ = 	snop  }
0x4: {  	_ = 	snop  }
0x5: {  	_ = 	snop  }
0x6: {  	_ = 	snop  }
0x7: {  	_ = 	snop  }
__scs_overlays_trampoline_lowered:
0x8: {  	[smem:$0x3FA1] =	sst s0  }
0x9: {  	[smem:$0x3FA2] =	sst s1  }
0xa: {  	[smem:$0x3FA3] =	sst s2  }
0xb: {  	[smem:$0x3FA4] =	sst s3  }
0xc: {  	[smem:$0x3FA5] =	sst s4  }
0xd: {  	[smem:$0x3FA6] =	sst s5  }
0xe: {  	[smem:$0x3FA7] =	sst s6  }
0xf: {  	[smem:$0x3FA8] =	sst s7  }
0x10: {  	[smem:$0x3FA9] =	sst s8  }
0x11: {  	[smem:$0x3FAA] =	sst s9;
	s0 =	simm.s32 @!p0 $0x0  }
0x12: {  	s1 =	sld [smem:$0x3F90];
	s0 =	simm.s32 @p0 $0x1  }
0x13: {  	[smem:$0x3FAB] =	sst s0;
	s0 =	simm.s32 @!p1 $0x0  }
0x14: {  	s2 =	sld [smem:$0x3F8F];
	s0 =	simm.s32 @p1 $0x1  }
0x15: {  	[smem:$0x3FAC] =	sst s0;
	s0 =	simm.s32 @!p2 $0x0  }
0x16: {  	s3 =	sld [smem:$0x3FDB];
	s0 =	simm.s32 @p2 $0x1  }
0x17: {  	s4 =	simm.s32 $0x1BF5;
	[smem:$0x3FAE] =	sst s0  }
0x18: {  	s0 =	sld [smem:$0x3F91];
	_ =	swait.ge [sflag:s4], $0x0  }
0x19: {  	s7 =	sld [smem:$0x3F92]  }
0x1a: {  	s8 =	sadd.s32 $0xFFFFE003, lr  }
0x1b: {  	s9 =	sadd.s32 $0xFFFFFEF7, lr;
	s5 =	simm.s32 $0xFFFFFFFF;
	p2 =	slt.u32 s8, $0xFFFFF086  }
0x1c: {  	p1 =	slt.u32 s9, $0xF7A;
	s5 =	simm.s32 @!p2 $0x0  }
0x1d: {  	s5 =	simm.s32 @p1 $0x1;
	p0 =	seq.s32 s7, s2  }
0x1e: {  	s7 =	smul.u32 @!p0 $0xF7A, s2;
	p2 =	seq.s32 @!p0 s5, $0x0  }
0x1f: {  	s9 =	smul.u32 $0xF7A, s1;
	s8 =	simm.s32 @!p0 $0x1BF5;
	p2 =	por !p2, p0  }
0x20: {  	[sflag:s8] =	ssyncset.s32 @!p0 $0xFFFFF086;
	s6 =	sadd.s32 @!p0 s3, s7;
	s7 =	simm.s32 @!p0 $0x108  }
0x21: {  	s3 =	sadd.s32 s3, s9;
	s6 =	sadd.s32 @!p0 $0x88, s6;
	s7 =	simm.s32 @p2 $0x1082  }
0x22: {  	[simem:s7], [sflag:s8] =	dma.local @!p0 [hbm:s6], $0xF7A  }
0x23: {  	s9 =	sor.u32 $0xD0000000, s2;
	s6 =	simm.s32 $0x108;
	_ =	swait.ge @!p0 [sflag:s8], $0x0  }
0x24: {  	s3 =	sadd.s32 $0x88, s3;
	s6 =	simm.s32 @!p1 $0x1082;
	[sflag:s4] =	ssyncset.s32 $0xFFFFF086  }
0x25: {  	[simem:s6], [sflag:s4] =	dma.local [hbm:s3], $0xF7A  }
0x26: {  	[smem:$0x3F92] =	sst s1;
	(tag) =	ssettag s2;
	_ =	strace s9  }
0x27: {  	s1 =	sld [smem:$0x3FA2]  }
0x28: {  	s2 =	sld [smem:$0x3FA3]  }
0x29: {  	s4 =	sld [smem:$0x3FA5]  }
0x2a: {  	p0 =	seq.s32 s5, $0x0;
	s5 =	sld [smem:$0x3FA6]  }
0x2b: {  	s6 =	sld [smem:$0x3FA7]  }
0x2c: {  	s7 =	sld [smem:$0x3FA8]  }
0x2d: {  	s3 =	simm.s32 $0x108;
	s8 =	sld [smem:$0x3FA9]  }
0x2e: {  	s3 =	simm.s32 @!p0 $0x1082;
	s9 =	sld [smem:$0x3FAA]  }
0x2f: {  	lr =	sadd.s32 s0, s3;
	s0 =	sld [smem:$0x3FA1]  }
0x30: {  	s3 =	sld [smem:$0x3FA4]  }
0x31: {  	[smem:$0x3FAD] =	sst s10  }
0x32: {  	s10 =	sld [smem:$0x3FAB];
	_ =	sdelay $0x3  }
0x33: {  	p0 =	seq.s32 s10, $0x1;
	s10 =	sld [smem:$0x3FAD];
	_ =	sdelay $0x3  }
0x34: {  	[smem:$0x3FAD] =	sst s10  }
0x35: {  	s10 =	sld [smem:$0x3FAC];
	_ =	sdelay $0x3  }
0x36: {  	p1 =	seq.s32 s10, $0x1;
	s10 =	sld [smem:$0x3FAD];
	_ =	sdelay $0x3  }
0x37: {  	[smem:$0x3FAD] =	sst s10  }
0x38: {  	s10 =	sld [smem:$0x3FAE]  }
0x39: {  	_ = 	snop;
	(pc) =	sbr.ind lr, $3  }
0x3a: {  	_ = 	snop  }
0x3b: {  	_ = 	snop  }
0x3c: {  	p2 =	seq.s32 s10, $0x1;
	s10 =	sld [smem:$0x3FAD]  }
0x3d: {  	_ =	shalt  }
0x3e: {  	_ =	shalt  }
0x3f: {  	_ =	shalt  }
0x40: {  	_ =	shalt  }
0x41: {  	_ =	shalt  }
0x42: {  	_ =	shalt  }
0x43: {  	_ =	shalt  }
0x44: {  	_ =	shalt  }
0x45: {  	_ =	shalt  }
0x46: {  	_ =	shalt  }
0x47: {  	_ =	shalt  }
0x48: {  	_ =	shalt  }
0x49: {  	_ =	shalt  }
0x4a: {  	_ =	shalt  }
0x4b: {  	_ =	shalt  }
0x4c: {  	_ =	shalt  }
0x4d: {  	_ =	shalt  }
0x4e: {  	_ =	shalt  }
0x4f: {  	_ =	shalt  }
0x50: {  	_ =	shalt  }
0x51: {  	_ =	shalt  }
0x52: {  	_ =	shalt  }
0x53: {  	_ =	shalt  }
0x54: {  	_ =	shalt  }
0x55: {  	_ =	shalt  }
0x56: {  	_ =	shalt  }
0x57: {  	_ =	shalt  }
0x58: {  	_ =	shalt  }
0x59: {  	_ =	shalt  }
0x5a: {  	_ =	shalt  }
0x5b: {  	_ =	shalt  }
0x5c: {  	_ =	shalt  }
0x5d: {  	_ =	shalt  }
0x5e: {  	_ =	shalt  }
0x5f: {  	_ =	shalt  }
0x60: {  	_ =	shalt  }
0x61: {  	_ =	shalt  }
0x62: {  	_ =	shalt  }
0x63: {  	_ =	shalt  }
0x64: {  	_ =	shalt  }
0x65: {  	_ =	shalt  }
0x66: {  	_ =	shalt  }
0x67: {  	_ =	shalt  }
0x68: {  	_ =	shalt  }
0x69: {  	_ =	shalt  }
0x6a: {  	_ =	shalt  }
0x6b: {  	_ =	shalt  }
0x6c: {  	_ =	shalt  }
0x6d: {  	_ =	shalt  }
0x6e: {  	_ =	shalt  }
0x6f: {  	_ =	shalt  }
0x70: {  	_ =	shalt  }
0x71: {  	_ =	shalt  }
0x72: {  	_ =	shalt  }
0x73: {  	_ =	shalt  }
0x74: {  	_ =	shalt  }
0x75: {  	_ =	shalt  }
0x76: {  	_ =	shalt  }
0x77: {  	_ =	shalt  }
0x78: {  	_ =	shalt  }
0x79: {  	_ =	shalt  }
0x7a: {  	_ =	shalt  }
0x7b: {  	_ =	shalt  }
0x7c: {  	_ =	shalt  }
0x7d: {  	_ =	shalt  }
0x7e: {  	_ =	shalt  }
0x7f: {  	_ =	shalt  }
0x80: {  	_ =	shalt  }
0x81: {  	_ =	shalt  }
0x82: {  	_ =	shalt  }
0x83: {  	_ =	shalt  }
0x84: {  	_ =	shalt  }
0x85: {  	_ =	shalt  }
0x86: {  	_ =	shalt  }
0x87: {  	_ =	shalt  }
.Lfunc_end0:
.L_simem_size_0:
called_computation.2_lowered:
.L_overlay_start_0:
0x88: {  	s2 =	sld [smem:$0x3FD9]  }
0x89: {  	s3 =	sld [smem:$0x3FFE];
	_ =	sdelay $0x1  }
0x8a: {  	s1 =	srdreg.scid  }
0x8b: {  	s0 =	sand.u32 $0x1, s1  }
0x8c: {  	s16 =	sshll.u32 s0, $0xA;
	s2 =	sadd.s32 s3, s2  }
0x8d: {  	s2 =	sadd.s32 s2, s16  }
0x8e: {  	[smem:$0x3FB9] =	sst s2  }
0x8f: {  	_ = 	snop  }
0x90: {  	(tm) =	ssettm $0x1  }
0x91: {  	s17 =	sld [smem:$0x3FFB];
	_ =	sdelay $0x3  }
0x92: {  	_ =	strace s17  }
0x93: {  	s2 =	sld [smem:$0x3FFC];
	_ =	sdelay $0x3  }
0x94: {  	_ =	strace s2  }
0x95: {  	s2 =	sld [smem:$0x3FFD];
	_ =	sdelay $0x3  }
0x96: {  	_ =	strace s2  }
0x97: {  	_ =	strace $0x8FFFFFFF  }
0x98: {  	s18 =	sld [smem:$0x3FDB];
	_ =	sdelay $0x1  }
0x99: {  	s19 =	simm.s32 $_scs_section_size  }
0x9a: {  	s4 =	simm.s32 $_size__tile_overlayer_lowered;
	s5 =	simm.s32 $_tile_overlayer_lowered  }
0x9b: {  	s22 =	simm.s32 $0x1BFF;
	s21 =	sshll.u32 s5, $0x1;
	s2 =	sadd.s32 s19, s18  }
0x9c: {  	s6 =	simm.s32 $0x0;
	s20 =	sshll.u32 s4, $0x1;
	s4 =	sadd.s32 s21, s2  }
0x9d: {  	[timem:s6], [sflag:s22] =	dma.local [hbm:s4], s20  }
0x9e: {  	_ =	swait.ge [sflag:s22], s20  }
0x9f: {  	s3 =	ssub.s32 $0x0, s20;
	[sflag:s22] =	ssyncset.done $0x0  }
0xa0: {  	[sflag:s22] =	ssyncadd.s32 s3;
	_ =	sdelay $0x1  }
0xa1: {  	s23 =	simm.s32 $0x1B8B  }
0xa2: {  	_ =	swait.ge [sflag:s23], $0x1  }
0xa3: {  	[sflag:s23] =	ssyncset.done $0x0  }
0xa4: {  	s25 =	simm.s32 $0x1B8E;
	s24 =	sld [smem:$0x3FFE];
	[sflag:s23] =	ssyncadd.s32 $0xFFFFFFFF  }
0xa5: {  	s26 =	simm.s32 $execute0_lowered;
	[smem:$0x3FD2] =	sst s25  }
0xa6: {  	s4 =	sshll.u32 s26, $0x1;
	_ =	strace $0x8000004C;
	[dreg:$0x1] =	wrdreg $0xFFFFFFFF  }
0xa7: {  	s28 =	simm.s32 $_size_execute0_lowered;
	s2 =	sadd.s32 s2, s4;
	[dreg:$0x0] =	wrdreg $0x0  }
0xa8: {  	s4 =	sshll.u32 s28, $0x1;
	[dreg:$0x2] =	wrdreg s2  }
0xa9: {  	[dreg:$0x3] =	wrdreg s4  }
0xaa: {  	[dreg:$0x4] =	wrdreg $0xC0  }
0xab: {  	_ =	task [dreg:s6], $0x5FFFF  }
0xac: {  	[dreg:$0x1] =	wrdreg $0xFFFFFFFF  }
0xad: {  	[dreg:$0x0] =	wrdreg $0x60  }
0xae: {  	[dreg:$0x2] =	wrdreg s24  }
0xaf: {  	[dreg:$0x3] =	wrdreg $0x88000  }
0xb0: {  	[dreg:$0x4] =	wrdreg $0x9  }
0xb1: {  	_ =	task.clear_ibuf [dreg:s6], $0x5FFFF;
	_ =	strace $0x9000004C  }
0xb2: {  	s29 =	simm.s32 $0x9;
	_ =	strace $0x8000004E  }
0xb3: {  	_ =	swait.ge [sflag:s29], $0x1  }
0xb4: {  	[sflag:s29] =	ssyncadd.s32 $0xFFFFFFFF  }
0xb5: {  	_ =	strace $0x9000004E  }
0xb6: {  	_ =	sfence  }
0xb7: {  	s30 =	sld [smem:$0x0];
	_ =	sdelay $0x2  }
0xb8: {  	s31 =	sshll.u32 s1, $0xD;
	s1 =	sshrl.u32 s1, $0x2  }
0xb9: {  	s3 =	sand.u32 $0x4000, s31;
	s1 =	sadd.s32 s1, s30  }
0xba: {  	s0 =	sor.u32 s3, s0;
	s1 =	sshll.u32 s1, $0x11  }
0xbb: {  	s0 =	sor.u32 s1, s0  }
0xbc: {  	s0 =	sadd.s32 $0x8F2B, s0  }
0xbd: {  	[sflag:s0] =	ssyncadd.remote.s32 $0x1  }
0xbe: {  	_ =	sfence.sel $0xFFFF  }
0xbf: {  	[dreg:$0x0] =	wrdreg $0xFFFFFFFF;
	(pc) =	sbr.abs _section_cstart, $3  }
0xc0: {  	[dreg:$0x1] =	wrdreg $0xFFFFFFFF  }
0xc1: {  	_ =	task.clear_ibuf [dreg:s6], $0x2FFFF;
	_ =	strace $0x9FFFFFFF  }
0xc2: {  	(tm) =	ssettm $0x7FFFFFFF  }
0xc3: {  	_ =	shalt  }
tec
execute0_lowered:
.L_overlay_start_1:
0x0: {  	(tag) =	ssettag $0x1  }
0x1: {  	s7 =	rddreg [dreg:$0x0]  }
0x2: {  	s2 =	rddreg [dreg:$0x1]  }
0x3: {  	s0 =	rddreg [dreg:$0x2]  }
0x4: {  	s4 =	srdreg.scid;
	s1 =	stileid.u32;
	s3 =	simm.s32 $0x0  }
0x5: {  	s13 =	simm.s32 $0x40;
	s14 =	simm.s32 $0x2800;
	s15 =	simm.s32 $0x1  }
0x6: {  	s16 =	simm.s32 $0x3800;
	s17 =	simm.s32 $0x4800;
	s18 =	simm.s32 $0x2  }
0x7: {  	s19 =	simm.s32 $0x6800;
	s20 =	simm.s32 $0x3;
	s21 =	simm.s32 $0x4  }
0x8: {  	s8 =	sand.u32 $0x1, s4;
	s9 =	smul.u32 $0x13C00, s1;
	[smem:$0x7FF] =	sst s3  }
0x9: {  	s4 =	sadd.s32 $0x2200, s7;
	s5 =	sadd.s32 $0x7BA00, s7;
	s31 =	sshll.u32 s1, $0x6  }
0xa: {  	s6 =	smul.u32 $0x13C000, s8;
	s11 =	ssub.s32 $0x2, s8;
	s29 =	sshll.u32 s8, $0x4  }
0xb: {  	_ =	strace $0x8000004D;
	s12 =	sshrl.u32 s11, $0x1;
	s8 =	sor.u32 s1, s29  }
0xc: {  	s30 =	sadd.s32 s9, s2;
	s10 =	sadd.s32 s9, s6;
	s6 =	sadd.s32 $0x15E00, s7  }
0xd: {  	s11 =	ssub.s32 s11, s12;
	s8 =	smul.u32 $0x5000, s8;
	s10 =	sshrl.u32 s10, $0x3  }
0xe: {  	s12 =	simm.s32 $0x5;
	s10 =	sadd.s32 s10, s7;
	s7 =	sor.u32 $0x1C05, s31  }
0xf: {  	s9 =	sadd.s32 $0x18600, s10;
	s10 =	smax.u32 s11, $0x1;
	s11 =	sshrl.u32 s30, $0x3  }
.LBB2_1:
0x10: {  	[spmem:s11], [sflag:s7] =	dma.local [hbm:s6], $0x2780  }
0x11: {  	_ =	swait.ge [sflag:s12], $0x2780  }
0x12: {  	[sflag:s12] =	ssyncset.done $0x0  }
0x13: {  	[sflag:s12] =	ssyncadd.s32 $0xFFFFD880  }
0x14: {  	p1 =	por $0x1, $0x1;
	s22 =	simm.s32 $0x0;
	[bflag:$0x0] =	sbarrier.arrive $0xFFFF  }
.LBB2_2:
0x15: {  	s22 =	sadd.s32 s8, s22  }
0x16: {  	s22 =	sshrl.u32 s22, $0x3  }
0x17: {  	s23 =	sadd.s32 s5, s22;
	s22 =	simm.s32 $0x0  }
0x18: {  	[tilespmem:s22], [sflag:$0x5] =	stream.linear.gather [hbm4b:s23+s22], $0x2800, $0x38;
	[tilespmem:$0x1C400] =	vst v63  }
0x19: {  	_ =	swait.ge [sflag:s12], $0x2800  }
0x1a: {  	[sflag:s12] =	ssyncset.done $0x0  }
0x1b: {  	p0 =	por p1, p1;
	[sflag:s12] =	ssyncadd.s32 $0xFFFFD800  }
0x1c: {  	[tilespmem:s14], [sflag:$0x1] =	stream.indirect.gather [hbm4b:s4+s13], $0x40, s22, s13, $0xb8;
	[tilespmem:$0x1C400] =	vst v63  }
.LBB2_3:
0x1d: {  	_ =	swait.ge [sflag:s15], $0x1000;
	s23 =	sshll.u32 s22, $0x8  }
0x1e: {  	[sflag:s15] =	ssyncset.done $0x0;
	s23 =	sand.u32 $0x3FFFFF00, s23  }
0x1f: {  	p1 =	seq.s32 s22, $0x0;
	[sflag:s15] =	ssyncadd.s32 $0xFFFFF000;
	s24 =	sor.u32 $0x80, s23  }
0x20: {  	[tilespmem:s16], [sflag:$0x2] =	stream.indirect.gather [hbm4b:s4+s13], $0x40, s24, s13, $0xb8;
	[tilespmem:$0x1C400] =	vst v63  }
0x21: {  	s24 =	simm.s32 @!p1 $0x3  }
0x22: {  	_ =	swait.ge @!p1 [sflag:s24], $0x2000  }
0x23: {  	[sflag:s24] =	ssyncset.done @!p1 $0x0  }
0x24: {  	s25 =	simm.s32 $0x0;
	[sflag:s24] =	ssyncadd.s32 @!p1 $0xFFFFE000  }
0x25: {  	v0 =	vld [tilespmem:s25+$0x2800];
	_ =	sdelay $0x4  }
0x26: {  	s24 =	simm.s32 $0x4840;
	v1 =	vshll.u32 v0, $0x10  }
0x27: {  	v0 =	vand.u32 $0xFFFF0000, v0;
	[tilespmem:s24+$0xFFFFFFC0] =	vst v1  }
0x28: {  	[tilespmem:s24+$0xFFFFFFD0] =	vst v0  }
0x29: {  	v0 =	vld [tilespmem:s25+$0x2810];
	_ =	sdelay $0x4  }
0x2a: {  	v1 =	vshll.u32 v0, $0x10  }
0x2b: {  	v0 =	vand.u32 $0xFFFF0000, v0;
	[tilespmem:s24+$0xFFFFFFE0] =	vst v1  }
0x2c: {  	[tilespmem:s24+$0xFFFFFFF0] =	vst v0  }
0x2d: {  	v0 =	vld [tilespmem:s25+$0x2820];
	_ =	sdelay $0x4  }
0x2e: {  	v1 =	vand.u32 $0xFFFF0000, v0  }
0x2f: {  	v0 =	vshll.u32 v0, $0x10;
	[tilespmem:s24+$0x10] =	vst v1  }
0x30: {  	[tilespmem:s24+$0x0] =	vst v0  }
0x31: {  	v0 =	vld [tilespmem:s25+$0x2830];
	_ =	sdelay $0x4  }
0x32: {  	v1 =	vshll.u32 v0, $0x10  }
0x33: {  	v0 =	vand.u32 $0xFFFF0000, v0;
	[tilespmem:s24+$0x20] =	vst v1  }
0x34: {  	s25 =	simm.s32 $0x40;
	[tilespmem:s24+$0x30] =	vst v0  }
0x35: {  	v0 =	vld [tilespmem:s25+$0x2800]  }
0x36: {  	s26 =	simm.s32 $0x200  }
.LBB2_4:
0x37: {  	p1 =	sne.s32 s26, $0x3F00;
	_ =	sdelay $0x2  }
0x38: {  	s24 =	sadd.s32 $0x80, s24;
	v1 =	vshll.u32 v0, $0x10  }
0x39: {  	v0 =	vand.u32 $0xFFFF0000, v0;
	[tilespmem:s24+$0xFFFFFFC0] =	vst v1  }
0x3a: {  	[tilespmem:s24+$0xFFFFFFD0] =	vst v0  }
0x3b: {  	v0 =	vld [tilespmem:s25+$0x2810];
	_ =	sdelay $0x4  }
0x3c: {  	v1 =	vshll.u32 v0, $0x10  }
0x3d: {  	v0 =	vand.u32 $0xFFFF0000, v0;
	[tilespmem:s24+$0xFFFFFFE0] =	vst v1  }
0x3e: {  	[tilespmem:s24+$0xFFFFFFF0] =	vst v0  }
0x3f: {  	v0 =	vld [tilespmem:s25+$0x2820];
	_ =	sdelay $0x4  }
0x40: {  	v1 =	vshll.u32 v0, $0x10;
	v0 =	vand.u32 $0xFFFF0000, v0  }
0x41: {  	[tilespmem:s24+$0x10] =	vst v0  }
0x42: {  	[tilespmem:s24+$0x0] =	vst v1  }
0x43: {  	v0 =	vld [tilespmem:s25+$0x2830];
	_ =	sdelay $0x4  }
.Ltmp0:
0x44: {  	v1 =	vshll.u32 v0, $0x10;
	v0 =	vand.u32 $0xFFFF0000, v0;
	(pc) =	sbr.rel @p1 .LBB2_4-.Ltmp0, $4  }
0x45: {  	[tilespmem:s24+$0x20] =	vst v1  }
0x46: {  	s25 =	sshra.s32 s26, $0x2;
	[tilespmem:s24+$0x30] =	vst v0  }
0x47: {  	v0 =	vld [tilespmem:s25+$0x2800]  }
0x48: {  	s26 =	sadd.s32 $0x100, s26  }
0x49: {  	_ =	sdelay $0x2  }
0x4a: {  	s24 =	sadd.s32 $0x80, s24;
	v1 =	vshll.u32 v0, $0x10  }
0x4b: {  	v0 =	vand.u32 $0xFFFF0000, v0;
	[tilespmem:s24+$0xFFFFFFC0] =	vst v1  }
0x4c: {  	[tilespmem:s24+$0xFFFFFFD0] =	vst v0  }
0x4d: {  	v0 =	vld [tilespmem:s25+$0x2810];
	_ =	sdelay $0x4  }
0x4e: {  	v1 =	vshll.u32 v0, $0x10  }
0x4f: {  	v0 =	vand.u32 $0xFFFF0000, v0;
	[tilespmem:s24+$0xFFFFFFE0] =	vst v1  }
0x50: {  	[tilespmem:s24+$0xFFFFFFF0] =	vst v0  }
0x51: {  	v0 =	vld [tilespmem:s25+$0x2820];
	_ =	sdelay $0x4  }
0x52: {  	v1 =	vand.u32 $0xFFFF0000, v0  }
0x53: {  	v0 =	vshll.u32 v0, $0x10;
	[tilespmem:s24+$0x10] =	vst v1  }
0x54: {  	[tilespmem:s24+$0x0] =	vst v0  }
0x55: {  	v0 =	vld [tilespmem:s25+$0x2830];
	_ =	sdelay $0x4  }
0x56: {  	v1 =	vshll.u32 v0, $0x10  }
0x57: {  	v0 =	vand.u32 $0xFFFF0000, v0;
	[tilespmem:s24+$0x20] =	vst v1  }
0x58: {  	s30 =	sadd.s32 $0x40, s23;
	[tilespmem:s24+$0x30] =	vst v0  }
0x59: {  	[spmem:s2] =	stream.indirect.scatter.add.f32 [tilespmem:s17], [sflag:$0x3], $0x80, s30, s13, $0xb8;
	[tilespmem:$0x1C400] =	vst v63  }
0x5a: {  	p1 =	seq.s32 s22, $0x27;
	_ =	swait.ge [sflag:s18], $0x1000  }
0x5b: {  	p2 =	seq.s32 @!p1 s22, $0x0;
	s26 =	simm.s32 @!p1 $0x2800;
	[sflag:s18] =	ssyncset.done $0x0  }
0x5c: {  	s25 =	simm.s32 @!p1 $0x40;
	s24 =	sadd.s32 @!p1 $0x100, s23;
	[sflag:s18] =	ssyncadd.s32 $0xFFFFF000  }
0x5d: {  	[tilespmem:s26], [sflag:$0x1] =	stream.indirect.gather @!p1 [hbm4b:s4+s25], $0x40, s24, s25, $0xb8;
	[tilespmem:$0x1C400] =	vst v63  }
0x5e: {  	p1 =	por p1, !p2  }
0x5f: {  	_ =	swait.ge @p1 [sflag:s21], $0x2000  }
0x60: {  	[sflag:s21] =	ssyncset.done @p1 $0x0  }
0x61: {  	s31 =	simm.s32 $0x0;
	[sflag:s21] =	ssyncadd.s32 @p1 $0xFFFFE000  }
0x62: {  	v0 =	vld [tilespmem:s31+$0x3800];
	_ =	sdelay $0x4  }
0x63: {  	s24 =	simm.s32 $0x6840;
	v1 =	vshll.u32 v0, $0x10  }
0x64: {  	v0 =	vand.u32 $0xFFFF0000, v0;
	[tilespmem:s24+$0xFFFFFFC0] =	vst v1  }
0x65: {  	[tilespmem:s24+$0xFFFFFFD0] =	vst v0  }
0x66: {  	v0 =	vld [tilespmem:s31+$0x3810];
	_ =	sdelay $0x4  }
0x67: {  	v1 =	vshll.u32 v0, $0x10  }
0x68: {  	v0 =	vand.u32 $0xFFFF0000, v0;
	[tilespmem:s24+$0xFFFFFFE0] =	vst v1  }
0x69: {  	[tilespmem:s24+$0xFFFFFFF0] =	vst v0  }
0x6a: {  	v0 =	vld [tilespmem:s31+$0x3820];
	_ =	sdelay $0x4  }
0x6b: {  	v1 =	vand.u32 $0xFFFF0000, v0  }
0x6c: {  	v0 =	vshll.u32 v0, $0x10;
	[tilespmem:s24+$0x10] =	vst v1  }
0x6d: {  	[tilespmem:s24+$0x0] =	vst v0  }
0x6e: {  	v0 =	vld [tilespmem:s31+$0x3830];
	_ =	sdelay $0x4  }
0x6f: {  	v1 =	vshll.u32 v0, $0x10  }
0x70: {  	v0 =	vand.u32 $0xFFFF0000, v0;
	[tilespmem:s24+$0x20] =	vst v1  }
0x71: {  	s25 =	simm.s32 $0x40;
	[tilespmem:s24+$0x30] =	vst v0  }
0x72: {  	v0 =	vld [tilespmem:s25+$0x3800]  }
0x73: {  	s26 =	simm.s32 $0x200  }
.LBB2_6:
0x74: {  	p1 =	sne.s32 s26, $0x3F00;
	_ =	sdelay $0x2  }
0x75: {  	s24 =	sadd.s32 $0x80, s24;
	v1 =	vshll.u32 v0, $0x10  }
0x76: {  	v0 =	vand.u32 $0xFFFF0000, v0;
	[tilespmem:s24+$0xFFFFFFC0] =	vst v1  }
0x77: {  	[tilespmem:s24+$0xFFFFFFD0] =	vst v0  }
0x78: {  	v0 =	vld [tilespmem:s25+$0x3810];
	_ =	sdelay $0x4  }
0x79: {  	v1 =	vshll.u32 v0, $0x10  }
0x7a: {  	v0 =	vand.u32 $0xFFFF0000, v0;
	[tilespmem:s24+$0xFFFFFFE0] =	vst v1  }
0x7b: {  	[tilespmem:s24+$0xFFFFFFF0] =	vst v0  }
0x7c: {  	v0 =	vld [tilespmem:s25+$0x3820];
	_ =	sdelay $0x4  }
0x7d: {  	v1 =	vshll.u32 v0, $0x10;
	v0 =	vand.u32 $0xFFFF0000, v0  }
0x7e: {  	[tilespmem:s24+$0x10] =	vst v0  }
0x7f: {  	[tilespmem:s24+$0x0] =	vst v1  }
0x80: {  	v0 =	vld [tilespmem:s25+$0x3830];
	_ =	sdelay $0x4  }
.Ltmp1:
0x81: {  	v1 =	vshll.u32 v0, $0x10;
	v0 =	vand.u32 $0xFFFF0000, v0;
	(pc) =	sbr.rel @p1 .LBB2_6-.Ltmp1, $4  }
0x82: {  	[tilespmem:s24+$0x20] =	vst v1  }
0x83: {  	s25 =	sshra.s32 s26, $0x2;
	[tilespmem:s24+$0x30] =	vst v0  }
0x84: {  	v0 =	vld [tilespmem:s25+$0x3800]  }
0x85: {  	s26 =	sadd.s32 $0x100, s26  }
0x86: {  	_ =	sdelay $0x2  }
0x87: {  	s24 =	sadd.s32 $0x80, s24;
	v1 =	vshll.u32 v0, $0x10  }
0x88: {  	v60 =	vand.u32 $0xFFFF0000, v0;
	[tilespmem:s24+$0xFFFFFFC0] =	vst v1  }
0x89: {  	[tilespmem:s24+$0xFFFFFFD0] =	vst v60  }
0x8a: {  	v0 =	vld [tilespmem:s25+$0x3810];
	_ =	sdelay $0x4  }
0x8b: {  	v61 =	vshll.u32 v0, $0x10  }
0x8c: {  	v0 =	vand.u32 $0xFFFF0000, v0;
	[tilespmem:s24+$0xFFFFFFE0] =	vst v61  }
0x8d: {  	[tilespmem:s24+$0xFFFFFFF0] =	vst v0  }
0x8e: {  	v0 =	vld [tilespmem:s25+$0x3820];
	_ =	sdelay $0x4  }
0x8f: {  	v62 =	vand.u32 $0xFFFF0000, v0  }
0x90: {  	v0 =	vshll.u32 v0, $0x10;
	[tilespmem:s24+$0x10] =	vst v62  }
0x91: {  	[tilespmem:s24+$0x0] =	vst v0  }
0x92: {  	v0 =	vld [tilespmem:s25+$0x3830];
	_ =	sdelay $0x1  }
0x93: {  	s22 =	sadd.s32 $0x1, s22  }
0x94: {  	p1 =	sne.s32 s22, $0x28  }
.Ltmp2:
0x95: {  	_ = 	snop;
	(pc) =	sbr.rel @p1 .LBB2_3-.Ltmp2, $4  }
0x96: {  	v63 =	vshll.u32 v0, $0x10  }
0x97: {  	v0 =	vand.u32 $0xFFFF0000, v0;
	[tilespmem:s24+$0x20] =	vst v63  }
0x98: {  	s23 =	sadd.s32 $0xC0, s23;
	[tilespmem:s24+$0x30] =	vst v0  }
0x99: {  	[spmem:s2] =	stream.indirect.scatter.add.f32 [tilespmem:s19], [sflag:$0x4], $0x80, s23, s13, $0xb8;
	[tilespmem:$0x1C400] =	vst v63  }
0x9a: {  	_ =	swait.ge [sflag:s20], $0x2000  }
.Ltmp3:
0x9b: {  	[sflag:s20] =	ssyncset.done $0x0;
	(pc) =	sbr.rel @p0 .LBB2_2-.Ltmp3, $4  }
0x9c: {  	[sflag:s20] =	ssyncadd.s32 $0xFFFFE000  }
0x9d: {  	_ =	swait.ge [sflag:s21], $0x2000  }
0x9e: {  	[sflag:s21] =	ssyncset.done $0x0  }
0x9f: {  	s22 =	simm.s32 $0x2800;
	p1 =	por $0x0, $0x0;
	[sflag:s21] =	ssyncadd.s32 $0xFFFFE000  }
0xa0: {  	s3 =	sadd.s32 $0x1, s3  }
0xa1: {  	p0 =	sne.s32 s3, s10  }
.Ltmp4:
0xa2: {  	[bflag:$0x0] =	sbarrier.arrive $0xFFFF;
	(pc) =	sbr.rel @p0 .LBB2_1-.Ltmp4, $4  }
0xa3: {  	[hbm:s9], [sflag:s7] =	dma.local [spmem:s11], $0x2780  }
0xa4: {  	_ =	swait.ge [sflag:s12], $0x2780  }
0xa5: {  	[sflag:s12] =	ssyncset.done $0x0  }
0xa6: {  	[sflag:s12] =	ssyncadd.s32 $0xFFFFD880  }
0xa7: {  	_ =	sfence.sel $0x180000  }
0xa8: {  	[bflag:$0x0] =	sbarrier.arrive $0xFFFF  }
0xa9: {  	p0 =	sne.s32 s1, $0x0;
	_ =	strace $0x9000004D  }
0xaa: {  	s0 =	sadd.s32 @!p0 $0x100000, s0;
	[bflag:$0x2] =	sbarrier.arrive $0xFFFF  }
0xab: {  	[sflag:s0] =	ssyncadd.tile.s32 @!p0 $0x1;
	_ =	shalt  }
.Lfunc_end2:
_tile_overlayer_lowered:
.L_overlay_start_2:
0xac: {  	(tag) =	ssettag $0x2  }
0xad: {  	s0 =	rddreg [dreg:$0x0];
	s2 =	stileid.u32  }
0xae: {  	s1 =	rddreg [dreg:$0x1];
	p0 =	sne.s32 s2, $0x0  }
0xaf: {  	s3 =	rddreg [dreg:$0x2];
	[bflag:$0x3] =	sbarrier.arrive $0xFFFF;
	s2 =	simm.s32 @!p0 $0x1C05  }
0xb0: {  	[timem:s3], [sflag:s2] =	dma.local @!p0 [hbm:s0], s1  }
0xb1: {  	s0 =	simm.s32 @!p0 $0x5  }
0xb2: {  	_ =	swait.ge @!p0 [sflag:s0], s1  }
0xb3: {  	s1 =	ssub.s32 @!p0 $0x0, s1;
	[sflag:s0] =	ssyncset.done @!p0 $0x0  }
0xb4: {  	[sflag:s0] =	ssyncadd.s32 @!p0 s1  }
0xb5: {  	[bflag:$0x3] =	sbarrier.arrive $0xFFFF  }
0xb6: {  	_ =	shalt  }

// kernel: kernel.20.cloned.1.call-start
scs
__scs_entry_jumppad:
0x0: {  	(pc) =	sbr.rel $0x88, $3  }
0x1: {  	(tag) =	ssettag $0x0;
	lr =	simm.s32 $0x1  }
0x2: {  	[smem:$0x3F92] =	sst lr;
	_ =	strace $0xD0000000  }
0x3: {  	_ = 	snop  }
0x4: {  	_ = 	snop  }
0x5: {  	_ = 	snop  }
0x6: {  	_ = 	snop  }
0x7: {  	_ = 	snop  }
__scs_overlays_trampoline_lowered:
0x8: {  	[smem:$0x3FA1] =	sst s0  }
0x9: {  	[smem:$0x3FA2] =	sst s1  }
0xa: {  	[smem:$0x3FA3] =	sst s2  }
0xb: {  	[smem:$0x3FA4] =	sst s3  }
0xc: {  	[smem:$0x3FA5] =	sst s4  }
0xd: {  	[smem:$0x3FA6] =	sst s5  }
0xe: {  	[smem:$0x3FA7] =	sst s6  }
0xf: {  	[smem:$0x3FA8] =	sst s7  }
0x10: {  	[smem:$0x3FA9] =	sst s8  }
0x11: {  	[smem:$0x3FAA] =	sst s9;
	s0 =	simm.s32 @!p0 $0x0  }
0x12: {  	s1 =	sld [smem:$0x3F90];
	s0 =	simm.s32 @p0 $0x1  }
0x13: {  	[smem:$0x3FAB] =	sst s0;
	s0 =	simm.s32 @!p1 $0x0  }
0x14: {  	s2 =	sld [smem:$0x3F8F];
	s0 =	simm.s32 @p1 $0x1  }
0x15: {  	[smem:$0x3FAC] =	sst s0;
	s0 =	simm.s32 @!p2 $0x0  }
0x16: {  	s3 =	sld [smem:$0x3FDB];
	s0 =	simm.s32 @p2 $0x1  }
0x17: {  	s4 =	simm.s32 $0x1BF5;
	[smem:$0x3FAE] =	sst s0  }
0x18: {  	s0 =	sld [smem:$0x3F91];
	_ =	swait.ge [sflag:s4], $0x0  }
0x19: {  	s7 =	sld [smem:$0x3F92]  }
0x1a: {  	s8 =	sadd.s32 $0xFFFFE003, lr  }
0x1b: {  	s9 =	sadd.s32 $0xFFFFFEF7, lr;
	s5 =	simm.s32 $0xFFFFFFFF;
	p2 =	slt.u32 s8, $0xFFFFF086  }
0x1c: {  	p1 =	slt.u32 s9, $0xF7A;
	s5 =	simm.s32 @!p2 $0x0  }
0x1d: {  	s5 =	simm.s32 @p1 $0x1;
	p0 =	seq.s32 s7, s2  }
0x1e: {  	s7 =	smul.u32 @!p0 $0xF7A, s2;
	p2 =	seq.s32 @!p0 s5, $0x0  }
0x1f: {  	s9 =	smul.u32 $0xF7A, s1;
	s8 =	simm.s32 @!p0 $0x1BF5;
	p2 =	por !p2, p0  }
0x20: {  	[sflag:s8] =	ssyncset.s32 @!p0 $0xFFFFF086;
	s6 =	sadd.s32 @!p0 s3, s7;
	s7 =	simm.s32 @!p0 $0x108  }
0x21: {  	s3 =	sadd.s32 s3, s9;
	s6 =	sadd.s32 @!p0 $0x88, s6;
	s7 =	simm.s32 @p2 $0x1082  }
0x22: {  	[simem:s7], [sflag:s8] =	dma.local @!p0 [hbm:s6], $0xF7A  }
0x23: {  	s9 =	sor.u32 $0xD0000000, s2;
	s6 =	simm.s32 $0x108;
	_ =	swait.ge @!p0 [sflag:s8], $0x0  }
0x24: {  	s3 =	sadd.s32 $0x88, s3;
	s6 =	simm.s32 @!p1 $0x1082;
	[sflag:s4] =	ssyncset.s32 $0xFFFFF086  }
0x25: {  	[simem:s6], [sflag:s4] =	dma.local [hbm:s3], $0xF7A  }
0x26: {  	[smem:$0x3F92] =	sst s1;
	(tag) =	ssettag s2;
	_ =	strace s9  }
0x27: {  	s1 =	sld [smem:$0x3FA2]  }
0x28: {  	s2 =	sld [smem:$0x3FA3]  }
0x29: {  	s4 =	sld [smem:$0x3FA5]  }
0x2a: {  	p0 =	seq.s32 s5, $0x0;
	s5 =	sld [smem:$0x3FA6]  }
0x2b: {  	s6 =	sld [smem:$0x3FA7]  }
0x2c: {  	s7 =	sld [smem:$0x3FA8]  }
0x2d: {  	s3 =	simm.s32 $0x108;
	s8 =	sld [smem:$0x3FA9]  }
0x2e: {  	s3 =	simm.s32 @!p0 $0x1082;
	s9 =	sld [smem:$0x3FAA]  }
0x2f: {  	lr =	sadd.s32 s0, s3;
	s0 =	sld [smem:$0x3FA1]  }
0x30: {  	s3 =	sld [smem:$0x3FA4]  }
0x31: {  	[smem:$0x3FAD] =	sst s10  }
0x32: {  	s10 =	sld [smem:$0x3FAB];
	_ =	sdelay $0x3  }
0x33: {  	p0 =	seq.s32 s10, $0x1;
	s10 =	sld [smem:$0x3FAD];
	_ =	sdelay $0x3  }
0x34: {  	[smem:$0x3FAD] =	sst s10  }
0x35: {  	s10 =	sld [smem:$0x3FAC];
	_ =	sdelay $0x3  }
0x36: {  	p1 =	seq.s32 s10, $0x1;
	s10 =	sld [smem:$0x3FAD];
	_ =	sdelay $0x3  }
0x37: {  	[smem:$0x3FAD] =	sst s10  }
0x38: {  	s10 =	sld [smem:$0x3FAE]  }
0x39: {  	_ = 	snop;
	(pc) =	sbr.ind lr, $3  }
0x3a: {  	_ = 	snop  }
0x3b: {  	_ = 	snop  }
0x3c: {  	p2 =	seq.s32 s10, $0x1;
	s10 =	sld [smem:$0x3FAD]  }
0x3d: {  	_ =	shalt  }
0x3e: {  	_ =	shalt  }
0x3f: {  	_ =	shalt  }
0x40: {  	_ =	shalt  }
0x41: {  	_ =	shalt  }
0x42: {  	_ =	shalt  }
0x43: {  	_ =	shalt  }
0x44: {  	_ =	shalt  }
0x45: {  	_ =	shalt  }
0x46: {  	_ =	shalt  }
0x47: {  	_ =	shalt  }
0x48: {  	_ =	shalt  }
0x49: {  	_ =	shalt  }
0x4a: {  	_ =	shalt  }
0x4b: {  	_ =	shalt  }
0x4c: {  	_ =	shalt  }
0x4d: {  	_ =	shalt  }
0x4e: {  	_ =	shalt  }
0x4f: {  	_ =	shalt  }
0x50: {  	_ =	shalt  }
0x51: {  	_ =	shalt  }
0x52: {  	_ =	shalt  }
0x53: {  	_ =	shalt  }
0x54: {  	_ =	shalt  }
0x55: {  	_ =	shalt  }
0x56: {  	_ =	shalt  }
0x57: {  	_ =	shalt  }
0x58: {  	_ =	shalt  }
0x59: {  	_ =	shalt  }
0x5a: {  	_ =	shalt  }
0x5b: {  	_ =	shalt  }
0x5c: {  	_ =	shalt  }
0x5d: {  	_ =	shalt  }
0x5e: {  	_ =	shalt  }
0x5f: {  	_ =	shalt  }
0x60: {  	_ =	shalt  }
0x61: {  	_ =	shalt  }
0x62: {  	_ =	shalt  }
0x63: {  	_ =	shalt  }
0x64: {  	_ =	shalt  }
0x65: {  	_ =	shalt  }
0x66: {  	_ =	shalt  }
0x67: {  	_ =	shalt  }
0x68: {  	_ =	shalt  }
0x69: {  	_ =	shalt  }
0x6a: {  	_ =	shalt  }
0x6b: {  	_ =	shalt  }
0x6c: {  	_ =	shalt  }
0x6d: {  	_ =	shalt  }
0x6e: {  	_ =	shalt  }
0x6f: {  	_ =	shalt  }
0x70: {  	_ =	shalt  }
0x71: {  	_ =	shalt  }
0x72: {  	_ =	shalt  }
0x73: {  	_ =	shalt  }
0x74: {  	_ =	shalt  }
0x75: {  	_ =	shalt  }
0x76: {  	_ =	shalt  }
0x77: {  	_ =	shalt  }
0x78: {  	_ =	shalt  }
0x79: {  	_ =	shalt  }
0x7a: {  	_ =	shalt  }
0x7b: {  	_ =	shalt  }
0x7c: {  	_ =	shalt  }
0x7d: {  	_ =	shalt  }
0x7e: {  	_ =	shalt  }
0x7f: {  	_ =	shalt  }
0x80: {  	_ =	shalt  }
0x81: {  	_ =	shalt  }
0x82: {  	_ =	shalt  }
0x83: {  	_ =	shalt  }
0x84: {  	_ =	shalt  }
0x85: {  	_ =	shalt  }
0x86: {  	_ =	shalt  }
0x87: {  	_ =	shalt  }
.Lfunc_end0:
.L_simem_size_0:
called_computation.3_lowered:
.L_overlay_start_0:
0x88: {  	s2 =	sld [smem:$0x3FD9]  }
0x89: {  	s3 =	sld [smem:$0x3FFE];
	_ =	sdelay $0x1  }
0x8a: {  	s1 =	srdreg.scid  }
0x8b: {  	s0 =	sand.u32 $0x1, s1  }
0x8c: {  	s16 =	sshll.u32 s0, $0xA;
	s2 =	sadd.s32 s3, s2  }
0x8d: {  	s2 =	sadd.s32 s2, s16  }
0x8e: {  	[smem:$0x3FB9] =	sst s2  }
0x8f: {  	_ = 	snop  }
0x90: {  	(tm) =	ssettm $0x1  }
0x91: {  	s17 =	sld [smem:$0x3FFB];
	_ =	sdelay $0x3  }
0x92: {  	_ =	strace s17  }
0x93: {  	s2 =	sld [smem:$0x3FFC];
	_ =	sdelay $0x3  }
0x94: {  	_ =	strace s2  }
0x95: {  	s2 =	sld [smem:$0x3FFD];
	_ =	sdelay $0x3  }
0x96: {  	_ =	strace s2  }
0x97: {  	_ =	strace $0x8FFFFFFF  }
0x98: {  	s18 =	sld [smem:$0x3FDB];
	_ =	sdelay $0x1  }
0x99: {  	s19 =	simm.s32 $_scs_section_size  }
0x9a: {  	s4 =	simm.s32 $_size__tile_overlayer_lowered;
	s5 =	simm.s32 $_tile_overlayer_lowered  }
0x9b: {  	s22 =	simm.s32 $0x1BFF;
	s21 =	sshll.u32 s5, $0x1;
	s2 =	sadd.s32 s19, s18  }
0x9c: {  	s6 =	simm.s32 $0x0;
	s20 =	sshll.u32 s4, $0x1;
	s4 =	sadd.s32 s21, s2  }
0x9d: {  	[timem:s6], [sflag:s22] =	dma.local [hbm:s4], s20  }
0x9e: {  	_ =	swait.ge [sflag:s22], s20  }
0x9f: {  	s3 =	ssub.s32 $0x0, s20;
	[sflag:s22] =	ssyncset.done $0x0  }
0xa0: {  	[sflag:s22] =	ssyncadd.s32 s3;
	_ =	sdelay $0x1  }
0xa1: {  	s23 =	simm.s32 $0x1B8B  }
0xa2: {  	_ =	swait.ge [sflag:s23], $0x1  }
0xa3: {  	[sflag:s23] =	ssyncset.done $0x0  }
0xa4: {  	s25 =	simm.s32 $0x1B8E;
	s24 =	sld [smem:$0x3FFE];
	[sflag:s23] =	ssyncadd.s32 $0xFFFFFFFF  }
0xa5: {  	s26 =	simm.s32 $execute0_lowered;
	[smem:$0x3FD2] =	sst s25  }
0xa6: {  	s4 =	sshll.u32 s26, $0x1;
	_ =	strace $0x8000004F;
	[dreg:$0x1] =	wrdreg $0xFFFFFFFF  }
0xa7: {  	s28 =	simm.s32 $_size_execute0_lowered;
	s2 =	sadd.s32 s2, s4;
	[dreg:$0x0] =	wrdreg $0x0  }
0xa8: {  	s4 =	sshll.u32 s28, $0x1;
	[dreg:$0x2] =	wrdreg s2  }
0xa9: {  	[dreg:$0x3] =	wrdreg s4  }
0xaa: {  	[dreg:$0x4] =	wrdreg $0xC0  }
0xab: {  	_ =	task [dreg:s6], $0x5FFFF  }
0xac: {  	[dreg:$0x1] =	wrdreg $0xFFFFFFFF  }
0xad: {  	[dreg:$0x0] =	wrdreg $0x60  }
0xae: {  	[dreg:$0x2] =	wrdreg s24  }
0xaf: {  	[dreg:$0x3] =	wrdreg $0x88000  }
0xb0: {  	[dreg:$0x4] =	wrdreg $0x9  }
0xb1: {  	_ =	task.clear_ibuf [dreg:s6], $0x5FFFF;
	_ =	strace $0x9000004F  }
0xb2: {  	s29 =	simm.s32 $0x9;
	_ =	strace $0x80000051  }
0xb3: {  	_ =	swait.ge [sflag:s29], $0x1  }
0xb4: {  	[sflag:s29] =	ssyncadd.s32 $0xFFFFFFFF  }
0xb5: {  	_ =	strace $0x90000051  }
0xb6: {  	_ =	sfence  }
0xb7: {  	s30 =	sld [smem:$0x0];
	_ =	sdelay $0x2  }
0xb8: {  	s31 =	sshll.u32 s1, $0xD;
	s1 =	sshrl.u32 s1, $0x2  }
0xb9: {  	s3 =	sand.u32 $0x4000, s31;
	s1 =	sadd.s32 s1, s30  }
0xba: {  	s0 =	sor.u32 s3, s0;
	s1 =	sshll.u32 s1, $0x11  }
0xbb: {  	s0 =	sor.u32 s1, s0  }
0xbc: {  	s0 =	sadd.s32 $0x8F2B, s0  }
0xbd: {  	[sflag:s0] =	ssyncadd.remote.s32 $0x1  }
0xbe: {  	_ =	sfence.sel $0xFFFF  }
0xbf: {  	[dreg:$0x0] =	wrdreg $0xFFFFFFFF;
	(pc) =	sbr.abs _section_cstart, $3  }
0xc0: {  	[dreg:$0x1] =	wrdreg $0xFFFFFFFF  }
0xc1: {  	_ =	task.clear_ibuf [dreg:s6], $0x2FFFF;
	_ =	strace $0x9FFFFFFF  }
0xc2: {  	(tm) =	ssettm $0x7FFFFFFF  }
0xc3: {  	_ =	shalt  }
tec
execute0_lowered:
.L_overlay_start_1:
0x0: {  	(tag) =	ssettag $0x1  }
0x1: {  	s7 =	rddreg [dreg:$0x0]  }
0x2: {  	s2 =	rddreg [dreg:$0x1]  }
0x3: {  	s0 =	rddreg [dreg:$0x2]  }
0x4: {  	s4 =	srdreg.scid;
	s1 =	stileid.u32;
	s3 =	simm.s32 $0x0  }
0x5: {  	s13 =	simm.s32 $0x40;
	s14 =	simm.s32 $0x2800;
	s15 =	simm.s32 $0x1  }
0x6: {  	s16 =	simm.s32 $0x3800;
	s17 =	simm.s32 $0x4800;
	s18 =	simm.s32 $0x2  }
0x7: {  	s19 =	simm.s32 $0x6800;
	s20 =	simm.s32 $0x3;
	s21 =	simm.s32 $0x4  }
0x8: {  	s8 =	sand.u32 $0x1, s4;
	s9 =	smul.u32 $0x13C00, s1;
	[smem:$0x7FF] =	sst s3  }
0x9: {  	s4 =	sadd.s32 $0x2200, s7;
	s5 =	sadd.s32 $0x7BA00, s7;
	s31 =	sshll.u32 s1, $0x6  }
0xa: {  	s6 =	smul.u32 $0x13C000, s8;
	s11 =	ssub.s32 $0x2, s8;
	s29 =	sshll.u32 s8, $0x4  }
0xb: {  	_ =	strace $0x80000050;
	s12 =	sshrl.u32 s11, $0x1;
	s8 =	sor.u32 s1, s29  }
0xc: {  	s30 =	sadd.s32 s9, s2;
	s10 =	sadd.s32 s9, s6;
	s6 =	sadd.s32 $0x15E00, s7  }
0xd: {  	s11 =	ssub.s32 s11, s12;
	s8 =	smul.u32 $0x5000, s8;
	s10 =	sshrl.u32 s10, $0x3  }
0xe: {  	s12 =	simm.s32 $0x5;
	s10 =	sadd.s32 s10, s7;
	s7 =	sor.u32 $0x1C05, s31  }
0xf: {  	s9 =	sadd.s32 $0x18600, s10;
	s10 =	smax.u32 s11, $0x1;
	s11 =	sshrl.u32 s30, $0x3  }
.LBB2_1:
0x10: {  	[spmem:s11], [sflag:s7] =	dma.local [hbm:s6], $0x2780  }
0x11: {  	_ =	swait.ge [sflag:s12], $0x2780  }
0x12: {  	[sflag:s12] =	ssyncset.done $0x0  }
0x13: {  	[sflag:s12] =	ssyncadd.s32 $0xFFFFD880  }
0x14: {  	p1 =	por $0x1, $0x1;
	s22 =	simm.s32 $0x0;
	[bflag:$0x0] =	sbarrier.arrive $0xFFFF  }
.LBB2_2:
0x15: {  	s22 =	sadd.s32 s8, s22  }
0x16: {  	s22 =	sshrl.u32 s22, $0x3  }
0x17: {  	s23 =	sadd.s32 s5, s22;
	s22 =	simm.s32 $0x0  }
0x18: {  	[tilespmem:s22], [sflag:$0x5] =	stream.linear.gather [hbm4b:s23+s22], $0x2800, $0x38;
	[tilespmem:$0x1C400] =	vst v63  }
0x19: {  	_ =	swait.ge [sflag:s12], $0x2800  }
0x1a: {  	[sflag:s12] =	ssyncset.done $0x0  }
0x1b: {  	p0 =	por p1, p1;
	[sflag:s12] =	ssyncadd.s32 $0xFFFFD800  }
0x1c: {  	[tilespmem:s14], [sflag:$0x1] =	stream.indirect.gather [hbm4b:s4+s13], $0x40, s22, s13, $0xb8;
	[tilespmem:$0x1C400] =	vst v63  }
.LBB2_3:
0x1d: {  	_ =	swait.ge [sflag:s15], $0x1000;
	s23 =	sshll.u32 s22, $0x8  }
0x1e: {  	[sflag:s15] =	ssyncset.done $0x0;
	s23 =	sand.u32 $0x3FFFFF00, s23  }
0x1f: {  	p1 =	seq.s32 s22, $0x0;
	[sflag:s15] =	ssyncadd.s32 $0xFFFFF000;
	s24 =	sor.u32 $0x80, s23  }
0x20: {  	[tilespmem:s16], [sflag:$0x2] =	stream.indirect.gather [hbm4b:s4+s13], $0x40, s24, s13, $0xb8;
	[tilespmem:$0x1C400] =	vst v63  }
0x21: {  	s24 =	simm.s32 @!p1 $0x3  }
0x22: {  	_ =	swait.ge @!p1 [sflag:s24], $0x2000  }
0x23: {  	[sflag:s24] =	ssyncset.done @!p1 $0x0  }
0x24: {  	s25 =	simm.s32 $0x0;
	[sflag:s24] =	ssyncadd.s32 @!p1 $0xFFFFE000  }
0x25: {  	v0 =	vld [tilespmem:s25+$0x2800];
	_ =	sdelay $0x4  }
0x26: {  	s24 =	simm.s32 $0x4840;
	v1 =	vshll.u32 v0, $0x10  }
0x27: {  	v0 =	vand.u32 $0xFFFF0000, v0;
	[tilespmem:s24+$0xFFFFFFC0] =	vst v1  }
0x28: {  	[tilespmem:s24+$0xFFFFFFD0] =	vst v0  }
0x29: {  	v0 =	vld [tilespmem:s25+$0x2810];
	_ =	sdelay $0x4  }
0x2a: {  	v1 =	vshll.u32 v0, $0x10  }
0x2b: {  	v0 =	vand.u32 $0xFFFF0000, v0;
	[tilespmem:s24+$0xFFFFFFE0] =	vst v1  }
0x2c: {  	[tilespmem:s24+$0xFFFFFFF0] =	vst v0  }
0x2d: {  	v0 =	vld [tilespmem:s25+$0x2820];
	_ =	sdelay $0x4  }
0x2e: {  	v1 =	vand.u32 $0xFFFF0000, v0  }
0x2f: {  	v0 =	vshll.u32 v0, $0x10;
	[tilespmem:s24+$0x10] =	vst v1  }
0x30: {  	[tilespmem:s24+$0x0] =	vst v0  }
0x31: {  	v0 =	vld [tilespmem:s25+$0x2830];
	_ =	sdelay $0x4  }
0x32: {  	v1 =	vshll.u32 v0, $0x10  }
0x33: {  	v0 =	vand.u32 $0xFFFF0000, v0;
	[tilespmem:s24+$0x20] =	vst v1  }
0x34: {  	s25 =	simm.s32 $0x40;
	[tilespmem:s24+$0x30] =	vst v0  }
0x35: {  	v0 =	vld [tilespmem:s25+$0x2800]  }
0x36: {  	s26 =	simm.s32 $0x200  }
.LBB2_4:
0x37: {  	p1 =	sne.s32 s26, $0x3F00;
	_ =	sdelay $0x2  }
0x38: {  	s24 =	sadd.s32 $0x80, s24;
	v1 =	vshll.u32 v0, $0x10  }
0x39: {  	v0 =	vand.u32 $0xFFFF0000, v0;
	[tilespmem:s24+$0xFFFFFFC0] =	vst v1  }
0x3a: {  	[tilespmem:s24+$0xFFFFFFD0] =	vst v0  }
0x3b: {  	v0 =	vld [tilespmem:s25+$0x2810];
	_ =	sdelay $0x4  }
0x3c: {  	v1 =	vshll.u32 v0, $0x10  }
0x3d: {  	v0 =	vand.u32 $0xFFFF0000, v0;
	[tilespmem:s24+$0xFFFFFFE0] =	vst v1  }
0x3e: {  	[tilespmem:s24+$0xFFFFFFF0] =	vst v0  }
0x3f: {  	v0 =	vld [tilespmem:s25+$0x2820];
	_ =	sdelay $0x4  }
0x40: {  	v1 =	vshll.u32 v0, $0x10;
	v0 =	vand.u32 $0xFFFF0000, v0  }
0x41: {  	[tilespmem:s24+$0x10] =	vst v0  }
0x42: {  	[tilespmem:s24+$0x0] =	vst v1  }
0x43: {  	v0 =	vld [tilespmem:s25+$0x2830];
	_ =	sdelay $0x4  }
.Ltmp0:
0x44: {  	v1 =	vshll.u32 v0, $0x10;
	v0 =	vand.u32 $0xFFFF0000, v0;
	(pc) =	sbr.rel @p1 .LBB2_4-.Ltmp0, $4  }
0x45: {  	[tilespmem:s24+$0x20] =	vst v1  }
0x46: {  	s25 =	sshra.s32 s26, $0x2;
	[tilespmem:s24+$0x30] =	vst v0  }
0x47: {  	v0 =	vld [tilespmem:s25+$0x2800]  }
0x48: {  	s26 =	sadd.s32 $0x100, s26  }
0x49: {  	_ =	sdelay $0x2  }
0x4a: {  	s24 =	sadd.s32 $0x80, s24;
	v1 =	vshll.u32 v0, $0x10  }
0x4b: {  	v0 =	vand.u32 $0xFFFF0000, v0;
	[tilespmem:s24+$0xFFFFFFC0] =	vst v1  }
0x4c: {  	[tilespmem:s24+$0xFFFFFFD0] =	vst v0  }
0x4d: {  	v0 =	vld [tilespmem:s25+$0x2810];
	_ =	sdelay $0x4  }
0x4e: {  	v1 =	vshll.u32 v0, $0x10  }
0x4f: {  	v0 =	vand.u32 $0xFFFF0000, v0;
	[tilespmem:s24+$0xFFFFFFE0] =	vst v1  }
0x50: {  	[tilespmem:s24+$0xFFFFFFF0] =	vst v0  }
0x51: {  	v0 =	vld [tilespmem:s25+$0x2820];
	_ =	sdelay $0x4  }
0x52: {  	v1 =	vand.u32 $0xFFFF0000, v0  }
0x53: {  	v0 =	vshll.u32 v0, $0x10;
	[tilespmem:s24+$0x10] =	vst v1  }
0x54: {  	[tilespmem:s24+$0x0] =	vst v0  }
0x55: {  	v0 =	vld [tilespmem:s25+$0x2830];
	_ =	sdelay $0x4  }
0x56: {  	v1 =	vshll.u32 v0, $0x10  }
0x57: {  	v0 =	vand.u32 $0xFFFF0000, v0;
	[tilespmem:s24+$0x20] =	vst v1  }
0x58: {  	s30 =	sadd.s32 $0x40, s23;
	[tilespmem:s24+$0x30] =	vst v0  }
0x59: {  	[spmem:s2] =	stream.indirect.scatter.add.f32 [tilespmem:s17], [sflag:$0x3], $0x80, s30, s13, $0xb8;
	[tilespmem:$0x1C400] =	vst v63  }
0x5a: {  	p1 =	seq.s32 s22, $0x27;
	_ =	swait.ge [sflag:s18], $0x1000  }
0x5b: {  	p2 =	seq.s32 @!p1 s22, $0x0;
	s26 =	simm.s32 @!p1 $0x2800;
	[sflag:s18] =	ssyncset.done $0x0  }
0x5c: {  	s25 =	simm.s32 @!p1 $0x40;
	s24 =	sadd.s32 @!p1 $0x100, s23;
	[sflag:s18] =	ssyncadd.s32 $0xFFFFF000  }
0x5d: {  	[tilespmem:s26], [sflag:$0x1] =	stream.indirect.gather @!p1 [hbm4b:s4+s25], $0x40, s24, s25, $0xb8;
	[tilespmem:$0x1C400] =	vst v63  }
0x5e: {  	p1 =	por p1, !p2  }
0x5f: {  	_ =	swait.ge @p1 [sflag:s21], $0x2000  }
0x60: {  	[sflag:s21] =	ssyncset.done @p1 $0x0  }
0x61: {  	s31 =	simm.s32 $0x0;
	[sflag:s21] =	ssyncadd.s32 @p1 $0xFFFFE000  }
0x62: {  	v0 =	vld [tilespmem:s31+$0x3800];
	_ =	sdelay $0x4  }
0x63: {  	s24 =	simm.s32 $0x6840;
	v1 =	vshll.u32 v0, $0x10  }
0x64: {  	v0 =	vand.u32 $0xFFFF0000, v0;
	[tilespmem:s24+$0xFFFFFFC0] =	vst v1  }
0x65: {  	[tilespmem:s24+$0xFFFFFFD0] =	vst v0  }
0x66: {  	v0 =	vld [tilespmem:s31+$0x3810];
	_ =	sdelay $0x4  }
0x67: {  	v1 =	vshll.u32 v0, $0x10  }
0x68: {  	v0 =	vand.u32 $0xFFFF0000, v0;
	[tilespmem:s24+$0xFFFFFFE0] =	vst v1  }
0x69: {  	[tilespmem:s24+$0xFFFFFFF0] =	vst v0  }
0x6a: {  	v0 =	vld [tilespmem:s31+$0x3820];
	_ =	sdelay $0x4  }
0x6b: {  	v1 =	vand.u32 $0xFFFF0000, v0  }
0x6c: {  	v0 =	vshll.u32 v0, $0x10;
	[tilespmem:s24+$0x10] =	vst v1  }
0x6d: {  	[tilespmem:s24+$0x0] =	vst v0  }
0x6e: {  	v0 =	vld [tilespmem:s31+$0x3830];
	_ =	sdelay $0x4  }
0x6f: {  	v1 =	vshll.u32 v0, $0x10  }
0x70: {  	v0 =	vand.u32 $0xFFFF0000, v0;
	[tilespmem:s24+$0x20] =	vst v1  }
0x71: {  	s25 =	simm.s32 $0x40;
	[tilespmem:s24+$0x30] =	vst v0  }
0x72: {  	v0 =	vld [tilespmem:s25+$0x3800]  }
0x73: {  	s26 =	simm.s32 $0x200  }
.LBB2_6:
0x74: {  	p1 =	sne.s32 s26, $0x3F00;
	_ =	sdelay $0x2  }
0x75: {  	s24 =	sadd.s32 $0x80, s24;
	v1 =	vshll.u32 v0, $0x10  }
0x76: {  	v0 =	vand.u32 $0xFFFF0000, v0;
	[tilespmem:s24+$0xFFFFFFC0] =	vst v1  }
0x77: {  	[tilespmem:s24+$0xFFFFFFD0] =	vst v0  }
0x78: {  	v0 =	vld [tilespmem:s25+$0x3810];
	_ =	sdelay $0x4  }
0x79: {  	v1 =	vshll.u32 v0, $0x10  }
0x7a: {  	v0 =	vand.u32 $0xFFFF0000, v0;
	[tilespmem:s24+$0xFFFFFFE0] =	vst v1  }
0x7b: {  	[tilespmem:s24+$0xFFFFFFF0] =	vst v0  }
0x7c: {  	v0 =	vld [tilespmem:s25+$0x3820];
	_ =	sdelay $0x4  }
0x7d: {  	v1 =	vshll.u32 v0, $0x10;
	v0 =	vand.u32 $0xFFFF0000, v0  }
0x7e: {  	[tilespmem:s24+$0x10] =	vst v0  }
0x7f: {  	[tilespmem:s24+$0x0] =	vst v1  }
0x80: {  	v0 =	vld [tilespmem:s25+$0x3830];
	_ =	sdelay $0x4  }
.Ltmp1:
0x81: {  	v1 =	vshll.u32 v0, $0x10;
	v0 =	vand.u32 $0xFFFF0000, v0;
	(pc) =	sbr.rel @p1 .LBB2_6-.Ltmp1, $4  }
0x82: {  	[tilespmem:s24+$0x20] =	vst v1  }
0x83: {  	s25 =	sshra.s32 s26, $0x2;
	[tilespmem:s24+$0x30] =	vst v0  }
0x84: {  	v0 =	vld [tilespmem:s25+$0x3800]  }
0x85: {  	s26 =	sadd.s32 $0x100, s26  }
0x86: {  	_ =	sdelay $0x2  }
0x87: {  	s24 =	sadd.s32 $0x80, s24;
	v1 =	vshll.u32 v0, $0x10  }
0x88: {  	v60 =	vand.u32 $0xFFFF0000, v0;
	[tilespmem:s24+$0xFFFFFFC0] =	vst v1  }
0x89: {  	[tilespmem:s24+$0xFFFFFFD0] =	vst v60  }
0x8a: {  	v0 =	vld [tilespmem:s25+$0x3810];
	_ =	sdelay $0x4  }
0x8b: {  	v61 =	vshll.u32 v0, $0x10  }
0x8c: {  	v0 =	vand.u32 $0xFFFF0000, v0;
	[tilespmem:s24+$0xFFFFFFE0] =	vst v61  }
0x8d: {  	[tilespmem:s24+$0xFFFFFFF0] =	vst v0  }
0x8e: {  	v0 =	vld [tilespmem:s25+$0x3820];
	_ =	sdelay $0x4  }
0x8f: {  	v62 =	vand.u32 $0xFFFF0000, v0  }
0x90: {  	v0 =	vshll.u32 v0, $0x10;
	[tilespmem:s24+$0x10] =	vst v62  }
0x91: {  	[tilespmem:s24+$0x0] =	vst v0  }
0x92: {  	v0 =	vld [tilespmem:s25+$0x3830];
	_ =	sdelay $0x1  }
0x93: {  	s22 =	sadd.s32 $0x1, s22  }
0x94: {  	p1 =	sne.s32 s22, $0x28  }
.Ltmp2:
0x95: {  	_ = 	snop;
	(pc) =	sbr.rel @p1 .LBB2_3-.Ltmp2, $4  }
0x96: {  	v63 =	vshll.u32 v0, $0x10  }
0x97: {  	v0 =	vand.u32 $0xFFFF0000, v0;
	[tilespmem:s24+$0x20] =	vst v63  }
0x98: {  	s23 =	sadd.s32 $0xC0, s23;
	[tilespmem:s24+$0x30] =	vst v0  }
0x99: {  	[spmem:s2] =	stream.indirect.scatter.add.f32 [tilespmem:s19], [sflag:$0x4], $0x80, s23, s13, $0xb8;
	[tilespmem:$0x1C400] =	vst v63  }
0x9a: {  	_ =	swait.ge [sflag:s20], $0x2000  }
.Ltmp3:
0x9b: {  	[sflag:s20] =	ssyncset.done $0x0;
	(pc) =	sbr.rel @p0 .LBB2_2-.Ltmp3, $4  }
0x9c: {  	[sflag:s20] =	ssyncadd.s32 $0xFFFFE000  }
0x9d: {  	_ =	swait.ge [sflag:s21], $0x2000  }
0x9e: {  	[sflag:s21] =	ssyncset.done $0x0  }
0x9f: {  	s22 =	simm.s32 $0x2800;
	p1 =	por $0x0, $0x0;
	[sflag:s21] =	ssyncadd.s32 $0xFFFFE000  }
0xa0: {  	s3 =	sadd.s32 $0x1, s3  }
0xa1: {  	p0 =	sne.s32 s3, s10  }
.Ltmp4:
0xa2: {  	[bflag:$0x0] =	sbarrier.arrive $0xFFFF;
	(pc) =	sbr.rel @p0 .LBB2_1-.Ltmp4, $4  }
0xa3: {  	[hbm:s9], [sflag:s7] =	dma.local [spmem:s11], $0x2780  }
0xa4: {  	_ =	swait.ge [sflag:s12], $0x2780  }
0xa5: {  	[sflag:s12] =	ssyncset.done $0x0  }
0xa6: {  	[sflag:s12] =	ssyncadd.s32 $0xFFFFD880  }
0xa7: {  	_ =	sfence.sel $0x180000  }
0xa8: {  	[bflag:$0x0] =	sbarrier.arrive $0xFFFF  }
0xa9: {  	p0 =	sne.s32 s1, $0x0;
	_ =	strace $0x90000050  }
0xaa: {  	s0 =	sadd.s32 @!p0 $0x100000, s0;
	[bflag:$0x2] =	sbarrier.arrive $0xFFFF  }
0xab: {  	[sflag:s0] =	ssyncadd.tile.s32 @!p0 $0x1;
	_ =	shalt  }
.Lfunc_end2:
_tile_overlayer_lowered:
.L_overlay_start_2:
0xac: {  	(tag) =	ssettag $0x2  }
0xad: {  	s0 =	rddreg [dreg:$0x0];
	s2 =	stileid.u32  }
0xae: {  	s1 =	rddreg [dreg:$0x1];
	p0 =	sne.s32 s2, $0x0  }
0xaf: {  	s3 =	rddreg [dreg:$0x2];
	[bflag:$0x3] =	sbarrier.arrive $0xFFFF;
	s2 =	simm.s32 @!p0 $0x1C05  }
0xb0: {  	[timem:s3], [sflag:s2] =	dma.local @!p0 [hbm:s0], s1  }
0xb1: {  	s0 =	simm.s32 @!p0 $0x5  }
0xb2: {  	_ =	swait.ge @!p0 [sflag:s0], s1  }
0xb3: {  	s1 =	ssub.s32 @!p0 $0x0, s1;
	[sflag:s0] =	ssyncset.done @!p0 $0x0  }
0xb4: {  	[sflag:s0] =	ssyncadd.s32 @!p0 s1  }
0xb5: {  	[bflag:$0x3] =	sbarrier.arrive $0xFFFF  }
0xb6: {  	_ =	shalt  }

</sc_bundles>
